<compile_context>
chip_gen: v7x
topology: tpu7x:2x2x1
jax: 0.10.2.dev20260603
libtpu: 0.0.44.dev20260713+nightly
codegen_flags: <defaults>
</compile_context>

<pallas_src>
import functools

import jax
import jax.numpy as jnp
from jax import lax
from jax.experimental import pallas as pl
from jax.experimental.pallas import tpu as pltpu
from jax.experimental.pallas import tpu_sc as plsc

N_NODES = 10000
DIM = 128
NUM_GRAPHS = 128
TOPK = 30
CONV_OUT = 32
KSIZE = 5
NUM_CLASSES = 10

NPAD = 10240
ZROW = NPAD - 1
NCORES = 2
NSUB = 16
NWORK = NCORES * NSUB
CHUNK = 128

def _mk_mesh():
  return plsc.VectorSubcoreMesh(core_axis_name="c", subcore_axis_name="s",
                                num_cores=NCORES, num_subcores=NSUB)


def _wid():
  return lax.axis_index("s") * NCORES + lax.axis_index("c")


DEGW = 16


def _make_deg_kernel(epad):
  per_tile = epad // NWORK
  chunks = per_tile // CHUNK
  rpt = NPAD // NSUB

  @functools.partial(
      pl.kernel,
      mesh=_mk_mesh(),
      out_type=jax.ShapeDtypeStruct((NCORES, NPAD, DEGW), jnp.float32),
      scratch_types=[
          pltpu.VMEM((CHUNK,), jnp.int32),
          pltpu.VMEM((CHUNK, DEGW), jnp.float32),
          pltpu.VMEM((CHUNK, DEGW), jnp.float32),
          pltpu.VMEM_SHARED((NPAD, DEGW), jnp.float32),
      ],
  )
  def deg_kernel(dst_hbm, out_hbm, didx_v, ones_v, zrows_v, acc_sh):
    wid = _wid()
    core = lax.axis_index("c")
    sid = lax.axis_index("s")
    zero16 = jnp.zeros((16,), jnp.float32)
    e0 = jnp.where(lax.iota(jnp.int32, 16) == 0, 1.0, 0.0)

    def init_rows(r, c):
      ones_v[r, pl.ds(0, 16)] = e0
      zrows_v[r, pl.ds(0, 16)] = zero16
      return c
    lax.fori_loop(0, CHUNK, init_rows, 0)

    def zacc(i, c):
      pltpu.sync_copy(zrows_v, acc_sh.at[pl.ds(sid * rpt + i * CHUNK, CHUNK)])
      return c
    lax.fori_loop(0, rpt // CHUNK, zacc, 0)
    plsc.subcore_barrier()

    def chunk_body(ci, c):
      base = wid * per_tile + ci * CHUNK
      pltpu.sync_copy(dst_hbm.at[pl.ds(base, CHUNK)], didx_v)
      pltpu.sync_copy(ones_v, acc_sh.at[didx_v], add=True)
      return c
    lax.fori_loop(0, chunks, chunk_body, 0)
    plsc.subcore_barrier()

    pltpu.sync_copy(acc_sh.at[pl.ds(sid * rpt, rpt)],
                    out_hbm.at[core, pl.ds(sid * rpt, rpt)])

  return deg_kernel


ACHUNK = 128


def _make_agg_kernel(epad):
  per_tile = epad // NWORK
  chunks = per_tile // CHUNK
  rpt = NPAD // NSUB

  @functools.partial(
      pl.kernel,
      mesh=_mk_mesh(),
      out_type=jax.ShapeDtypeStruct((NCORES, NPAD, DIM), jnp.float32),
      scratch_types=[
          pltpu.VMEM((CHUNK,), jnp.int32),
          pltpu.VMEM((CHUNK,), jnp.int32),
          pltpu.VMEM((CHUNK, DIM), jnp.float32),
          pltpu.VMEM((CHUNK, DIM), jnp.float32),
          pltpu.VMEM_SHARED((NPAD, DIM), jnp.float32),
          pltpu.SemaphoreType.DMA,
      ],
  )
  def agg_kernel(hs_hbm, src_hbm, dst_hbm, out_hbm,
                 sidx_v, didx_v, rows_v, zero_v, acc_sh, sem):
    wid = _wid()
    core = lax.axis_index("c")
    sid = lax.axis_index("s")
    zero16 = jnp.zeros((16,), jnp.float32)

    def zrow(r, c):
      def zcol(j, cc):
        zero_v[r, pl.ds(j * 16, 16)] = zero16
        return cc
      lax.fori_loop(0, DIM // 16, zcol, 0)
      return c
    lax.fori_loop(0, CHUNK, zrow, 0)

    def zacc(i, c):
      pltpu.sync_copy(zero_v, acc_sh.at[pl.ds(sid * rpt + i * CHUNK, CHUNK)])
      return c
    lax.fori_loop(0, rpt // CHUNK, zacc, 0)
    plsc.subcore_barrier()

    def chunk_body(ci, c):
      base = wid * per_tile + ci * CHUNK
      pltpu.sync_copy(src_hbm.at[pl.ds(base, CHUNK)], sidx_v)
      pltpu.sync_copy(dst_hbm.at[pl.ds(base, CHUNK)], didx_v)
      pltpu.async_copy(hs_hbm.at[sidx_v], rows_v, sem).wait()
      pltpu.sync_copy(rows_v, acc_sh.at[didx_v], add=True)
      return c
    lax.fori_loop(0, chunks, chunk_body, 0)
    plsc.subcore_barrier()

    pltpu.sync_copy(acc_sh.at[pl.ds(sid * rpt, rpt)],
                    out_hbm.at[core, pl.ds(sid * rpt, rpt)])

  return agg_kernel


def _make_row_gather_kernel(nrows):
  per_tile = nrows // NWORK

  @functools.partial(
      pl.kernel,
      mesh=_mk_mesh(),
      out_type=jax.ShapeDtypeStruct((nrows, DIM), jnp.float32),
      scratch_types=[
          pltpu.VMEM((per_tile,), jnp.int32),
          pltpu.VMEM((per_tile, DIM), jnp.float32),
          pltpu.SemaphoreType.DMA,
      ],
  )
  def gather_kernel(table_hbm, idx_hbm, out_hbm, idx_v, rows_v, sem):
    wid = _wid()
    base = wid * per_tile
    pltpu.sync_copy(idx_hbm.at[pl.ds(base, per_tile)], idx_v)
    pltpu.async_copy(table_hbm.at[idx_v], rows_v, sem).wait()
    pltpu.sync_copy(rows_v, out_hbm.at[pl.ds(base, per_tile)])

  return gather_kernel


_ROWS_BLK = 2048
_N_BLKS = NPAD // _ROWS_BLK


def _dis_col(pc):
  deg = pc[:, 0:1] + pc[:, 1:2] + 1.0
  return lax.rsqrt(deg)


def _t0_body(x_ref, pc_ref, w_ref, o_ref):
  dis = _dis_col(pc_ref[...])
  o_ref[...] = dis * jnp.dot(x_ref[...], w_ref[...],
                             preferred_element_type=jnp.float32)


def _tmid_body(a0_ref, a1_ref, hs_ref, pc_ref, b_ref, w_ref, o_ref):
  dis = _dis_col(pc_ref[...])
  h = jax.nn.relu(dis * (a0_ref[...] + a1_ref[...] + hs_ref[...])
                  + b_ref[0:1, :])
  o_ref[...] = dis * jnp.dot(h, w_ref[...],
                             preferred_element_type=jnp.float32)


def _tlast_body(a0_ref, a1_ref, hs_ref, pc_ref, b_ref, o_ref):
  dis = _dis_col(pc_ref[...])
  o_ref[...] = jax.nn.relu(dis * (a0_ref[...] + a1_ref[...] + hs_ref[...])
                           + b_ref[0:1, :])


def _rows_spec(width):
  return pl.BlockSpec((_ROWS_BLK, width), lambda i: (i, 0))


def _full_spec(shape):
  return pl.BlockSpec(shape, lambda i: tuple(0 for _ in shape))


def _t0(x, pc, w):
  return pl.pallas_call(
      _t0_body,
      grid=(_N_BLKS,),
      in_specs=[_rows_spec(DIM), _rows_spec(8), _full_spec((DIM, DIM))],
      out_specs=_rows_spec(DIM),
      out_shape=jax.ShapeDtypeStruct((NPAD, DIM), jnp.float32),
  )(x, pc, w)


def _tmid(a0, a1, hs, pc, b8, w):
  return pl.pallas_call(
      _tmid_body,
      grid=(_N_BLKS,),
      in_specs=[_rows_spec(DIM), _rows_spec(DIM), _rows_spec(DIM),
                _rows_spec(8), _full_spec((8, DIM)), _full_spec((DIM, DIM))],
      out_specs=_rows_spec(DIM),
      out_shape=jax.ShapeDtypeStruct((NPAD, DIM), jnp.float32),
  )(a0, a1, hs, pc, b8, w)


def _tlast(a0, a1, hs, pc, b8):
  return pl.pallas_call(
      _tlast_body,
      grid=(_N_BLKS,),
      in_specs=[_rows_spec(DIM), _rows_spec(DIM), _rows_spec(DIM),
                _rows_spec(8), _full_spec((8, DIM))],
      out_specs=_rows_spec(DIM),
      out_shape=jax.ShapeDtypeStruct((NPAD, DIM), jnp.float32),
  )(a0, a1, hs, pc, b8)


def _topk_body(keys_ref, batch_ref, o_ref, km_ref):
  b_iota = lax.broadcasted_iota(jnp.int32, (NPAD, NUM_GRAPHS), 1)
  i_iota = lax.broadcasted_iota(jnp.int32, (NPAD, NUM_GRAPHS), 0)
  keys = keys_ref[:, 7:8]
  batch = batch_ref[:, 7:8]
  km_ref[...] = jnp.where(batch == b_iota, keys, -1e30)

  def body(k, c):
    v = km_ref[...]
    m = jnp.max(v, axis=0, keepdims=True)
    cand = jnp.where(v == m, i_iota, jnp.int32(2**30))
    sel = jnp.min(cand, axis=0, keepdims=True)
    valid = m > -1e20
    o_ref[pl.ds(k, 1), :] = jnp.where(valid, sel, jnp.int32(ZROW))
    km_ref[...] = jnp.where(i_iota == sel, -1e30, v)
    return c
  lax.fori_loop(0, 32, body, 0)


def _topk(keys8, batch8):
  return pl.pallas_call(
      _topk_body,
      out_shape=jax.ShapeDtypeStruct((32, NUM_GRAPHS), jnp.int32),
      scratch_shapes=[pltpu.VMEM((NPAD, NUM_GRAPHS), jnp.float32)],
  )(keys8, batch8)


_CONV_T = TOPK - KSIZE + 1


def _head_body(pf_ref, wc_ref, bc_ref, wl1_ref, bl1_ref, wl2_ref, bl2_ref,
               o_ref):
  qs = []
  for t in range(_CONV_T):
    win = pf_ref[:, DIM * t:DIM * t + DIM * KSIZE]
    qs.append(jax.nn.relu(
        jnp.dot(win, wc_ref[...], preferred_element_type=jnp.float32)
        + bc_ref[0:1, :]))
  q = jnp.concatenate(qs, axis=1)
  z = jax.nn.relu(
      jnp.dot(q, wl1_ref[...], preferred_element_type=jnp.float32)
      + bl1_ref[0:1, :])
  logits = (jnp.dot(z, wl2_ref[...], preferred_element_type=jnp.float32)
            + bl2_ref[0:1, :])
  col = lax.broadcasted_iota(jnp.int32, (NUM_GRAPHS, 128), 1)
  lm = jnp.where(col < NUM_CLASSES, logits, -1e30)
  m = jnp.max(lm, axis=1, keepdims=True)
  s = jnp.sum(jnp.exp(lm - m), axis=1, keepdims=True)
  o_ref[...] = lm - m - jnp.log(s)


def _head(pf, wc, bc8, wl1p, bl18, wl2p, bl28):
  return pl.pallas_call(
      _head_body,
      out_shape=jax.ShapeDtypeStruct((NUM_GRAPHS, 128), jnp.float32),
  )(pf, wc, bc8, wl1p, bl18, wl2p, bl28)


def kernel(x, edge_index, batch, W1, b1, W2, b2, W3, b3, Wc, bc,
           Wl1, bl1, Wl2, bl2):
  n = x.shape[0]
  e = edge_index.shape[1]
  egrain = NWORK * CHUNK * 2
  epad = ((e + egrain - 1) // egrain) * egrain

  src = jnp.concatenate([edge_index[0].astype(jnp.int32),
                         jnp.full((epad - e,), ZROW, jnp.int32)])
  dst = jnp.concatenate([edge_index[1].astype(jnp.int32),
                         jnp.full((epad - e,), ZROW, jnp.int32)])

  xpad = jnp.zeros((NPAD, DIM), jnp.float32).at[:n].set(x)
  batch_pad = jnp.concatenate([batch.astype(jnp.int32),
                               jnp.full((NPAD - n,), NUM_GRAPHS, jnp.int32)])
  batch8 = jnp.broadcast_to(batch_pad[:, None], (NPAD, 8))

  deg_kernel = _make_deg_kernel(epad)
  agg_kernel = _make_agg_kernel(epad)

  deg_parts = deg_kernel(dst)
  pc = jnp.zeros((NPAD, 8), jnp.float32).at[:, :2].set(deg_parts[:, :, 0].T)

  def pad_b(b):
    return jnp.broadcast_to(b[None, :], (8, DIM))

  hs = _t0(xpad, pc, W1)
  for (bl, wn) in ((b1, W2), (b2, W3)):
    parts = agg_kernel(hs, src, dst)
    hs = _tmid(parts[0], parts[1], hs, pc, pad_b(bl), wn)
  parts = agg_kernel(hs, src, dst)
  h3 = _tlast(parts[0], parts[1], hs, pc, pad_b(b3))

  keys8 = h3[:, DIM - 8:DIM]
  sel = _topk(keys8, batch8)
  idx_flat = sel[:TOPK].T.reshape(NUM_GRAPHS * TOPK)

  row_gather = _make_row_gather_kernel(NUM_GRAPHS * TOPK)
  rows = row_gather(h3, idx_flat)
  pf = rows.reshape(NUM_GRAPHS, TOPK * DIM)

  wc_flat = Wc.transpose(2, 1, 0).reshape(DIM * KSIZE, CONV_OUT)
  wl1p = Wl1.reshape(CONV_OUT, _CONV_T, DIM).transpose(1, 0, 2).reshape(
      CONV_OUT * _CONV_T, DIM)
  wl2p = jnp.zeros((DIM, 128), jnp.float32).at[:, :NUM_CLASSES].set(Wl2)
  bl2p = jnp.zeros((128,), jnp.float32).at[:NUM_CLASSES].set(bl2)
  bc_pad = jnp.broadcast_to(bc[None, :], (8, CONV_OUT))

  out = _head(pf, wc_flat, bc_pad, wl1p, pad_b(bl1), wl2p, pad_b(bl2p))
  return out[:, :NUM_CLASSES]

# --- scband reference (transcript-rebuilt; emitter-appended) ---
"""Pipeline reference for scband-sort-pool-87729001988951 (READ-ONLY COPY).

The authoritative reference and input builder live on the scoring server;
editing this copy changes nothing except your own understanding.
"""

import jax, jax.numpy as jnp
import numpy as np

N = 10000
E = 320000
D = 128
HID = 128
B = 128
K = 30
CO = 32
KS = 5
NC = 10


def setup_inputs(seed: int = 0) -> dict:
    key = jax.random.key(seed)
    ks = jax.random.split(key, 16)
    x = jax.random.normal(ks[0], (N, D), jnp.float32)
    edge_index = jax.random.randint(ks[1], (2, E), 0, N, jnp.int64)
    batch = jnp.sort(jax.random.randint(ks[2], (N,), 0, B, jnp.int64))

    def lin_init(k1, fan_in, shape):
        s = 1.0 / np.sqrt(fan_in)
        return jax.random.uniform(k1, shape, jnp.float32, -s, s)

    W1 = lin_init(ks[3], D, (D, HID)); b1 = jnp.zeros((HID,), jnp.float32)
    W2 = lin_init(ks[4], HID, (HID, HID)); b2 = jnp.zeros((HID,), jnp.float32)
    W3 = lin_init(ks[5], HID, (HID, HID)); b3 = jnp.zeros((HID,), jnp.float32)
    Wc = lin_init(ks[6], HID * KS, (CO, HID, KS)); bc = jnp.zeros((CO,), jnp.float32)
    lin1_in = CO * (K - KS + 1)
    Wl1 = lin_init(ks[7], lin1_in, (lin1_in, HID)); bl1 = jnp.zeros((HID,), jnp.float32)
    Wl2 = lin_init(ks[8], HID, (HID, NC)); bl2 = jnp.zeros((NC,), jnp.float32)
    return {"x": x, "edge_index": edge_index, "batch": batch,
            "W1": W1, "b1": b1, "W2": W2, "b2": b2, "W3": W3, "b3": b3,
            "Wc": Wc, "bc": bc, "Wl1": Wl1, "bl1": bl1, "Wl2": Wl2, "bl2": bl2}


def gcn_conv(x, src, dst, W, b):
    n = x.shape[0]
    h = x @ W
    deg = jnp.zeros((n,), x.dtype).at[dst].add(1.0)
    dis = jax.lax.rsqrt(jnp.maximum(deg, 1.0))
    norm = dis[src] * dis[dst]
    out = jnp.zeros_like(h).at[dst].add(norm[:, None] * h[src])
    return out + b


def global_sort_pool(x, batch, k, num_graphs):
    counts = jnp.bincount(batch, length=num_graphs)
    starts = jnp.concatenate([jnp.zeros((1,), counts.dtype), jnp.cumsum(counts)[:-1]])
    pos = jnp.arange(x.shape[0]) - starts[batch]
    M = max(x.shape[0], k)
    fill = jax.lax.stop_gradient(jnp.min(x)) - 1.0
    dense = jnp.full((num_graphs, M, x.shape[1]), fill, x.dtype)
    dense = dense.at[batch, pos].set(x)
    perm = jnp.argsort(-dense[:, :, -1], axis=-1)
    dense = jnp.take_along_axis(dense, perm[:, :, None], axis=1)
    dense = dense[:, :k]
    dense = jnp.where(dense == fill, 0.0, dense)
    return dense.reshape(num_graphs, k * x.shape[1])


def conv1d(x, w, b):
    out = jax.lax.conv_general_dilated(x, w, (1,), 'VALID',
                                       dimension_numbers=('NCH', 'OIH', 'NCH'))
    return out + b[None, :, None]


def reference(x, edge_index, batch, W1, b1, W2, b2, W3, b3, Wc, bc, Wl1, bl1, Wl2, bl2):
    n = x.shape[0]
    loop = jnp.arange(n, dtype=edge_index.dtype)
    src = jnp.concatenate([edge_index[0], loop])
    dst = jnp.concatenate([edge_index[1], loop])
    h = jax.nn.relu(gcn_conv(x, src, dst, W1, b1))
    h = jax.nn.relu(gcn_conv(h, src, dst, W2, b2))
    h = jax.nn.relu(gcn_conv(h, src, dst, W3, b3))
    p = global_sort_pool(h, batch, K, B)
    p = p.reshape(B, K, HID).transpose(0, 2, 1)
    p = jax.nn.relu(conv1d(p, Wc, bc))
    p = p.reshape(B, -1)
    p = jax.nn.relu(p @ Wl1 + bl1)
    # dropout p=0.5 is identity in eval mode
    p = p @ Wl2 + bl2
    return jax.nn.log_softmax(p, axis=-1)

if __name__ == "__main__":
    import jax
    _d = setup_inputs()
    print(jax.jit(kernel)(*tuple(_d.values())))

</pallas_src>

<mosaic_0001>
#map = affine_map<(d0, d1) -> (0)>
#map1 = affine_map<(d0, d1) -> (0, 0, 0)>
module attributes {stable_mosaic.version = 14 : i64} {
  func.func @deg_kernel(%arg0: i32, %arg1: i32, %arg2: memref<327680xi32, #tpu.memory_space<hbm>>, %arg3: memref<2x10240x16xf32, #tpu.memory_space<hbm>>, %arg4: memref<128xi32, #tpu.memory_space<vmem>>, %arg5: memref<128x16xf32, #tpu.memory_space<vmem>>, %arg6: memref<128x16xf32, #tpu.memory_space<vmem>>, %arg7: memref<10240x16xf32, #tpu.memory_space<vmem_shared>>) attributes {dimension_semantics = [#tpu.dimension_semantics<core_parallel>, #tpu.dimension_semantics<subcore_parallel>], iteration_bounds = array<i64: 2, 16>, scalar_prefetch = 0 : i64, scratch_operands = 4 : i64, tpu.core_type = #tpu.core_type<sc_vector_subcore>, window_params = [{transform_indices = #map}, {transform_indices = #map1}]} {
    %mul3A = arith.constant 2 : i32
    %mul3A_0 = arith.muli %arg1, %mul3A : i32
    %add3A = arith.addi %mul3A_0, %arg0 : i32
    %broadcast_in_dim3A = arith.constant 0.000000e+00 : f32
    %broadcast_in_dim3A_1 = vector.broadcast %broadcast_in_dim3A : f32 to vector<16xf32>
    %iota3A = tpu.iota {dimensions = array<i32: 0>} : vector<16xi32>
    %eq3A = arith.constant 0 : i32
    %eq3A_2 = vector.broadcast %eq3A : i32 to vector<16xi32>
    %eq3A_3 = arith.cmpi eq, %iota3A, %eq3A_2 : vector<16xi32>
    %jit3A = arith.constant 1.000000e+00 : f32
    %jit3A_4 = arith.constant 0.000000e+00 : f32
    %broadcast_in_dim3A_5 = vector.broadcast %jit3A : f32 to vector<16xf32>
    %broadcast_in_dim3A_6 = vector.broadcast %jit3A_4 : f32 to vector<16xf32>
    %select_n3A = arith.select %eq3A_3, %broadcast_in_dim3A_5, %broadcast_in_dim3A_6 : vector<16xi1>, vector<16xf32>
    %scan3A = arith.constant 0 : i32
    %scan3A_7 = arith.constant 0 : i32
    %scan3A_8 = arith.constant 128 : i32
    %scan3A_9 = arith.addi %scan3A_7, %scan3A_8 : i32
    %scan3A_10 = arith.constant 1 : i32
    scf.for %scan3A_29 = %scan3A_7 to %scan3A_9 step %scan3A_10  : i32 {
      %swap3A = arith.index_cast %scan3A_29 : i32 to index
      %swap3A_30 = arith.constant 0 : index
      %swap3A_31 = tpu.vector_load %arg5[%swap3A, %swap3A_30] {strides = array<i32>} : memref<128x16xf32, #tpu.memory_space<vmem>>, vector<1x16xf32>,
      %swap3A_32 = vector.shape_cast %swap3A_31 : vector<1x16xf32> to vector<16xf32>
      %swap3A_33 = vector.shape_cast %select_n3A : vector<16xf32> to vector<1x16xf32>
      tpu.vector_store %arg5[%swap3A, %swap3A_30], %swap3A_33 {strides = array<i32>} : memref<128x16xf32, #tpu.memory_space<vmem>>, vector<1x16xf32>,
      %swap3A_34 = arith.index_cast %scan3A_29 : i32 to index
      %swap3A_35 = arith.constant 0 : index
      %swap3A_36 = tpu.vector_load %arg6[%swap3A_34, %swap3A_35] {strides = array<i32>} : memref<128x16xf32, #tpu.memory_space<vmem>>, vector<1x16xf32>,
      %swap3A_37 = vector.shape_cast %swap3A_36 : vector<1x16xf32> to vector<16xf32>
      %swap3A_38 = vector.shape_cast %broadcast_in_dim3A_1 : vector<16xf32> to vector<1x16xf32>
      tpu.vector_store %arg6[%swap3A_34, %swap3A_35], %swap3A_38 {strides = array<i32>} : memref<128x16xf32, #tpu.memory_space<vmem>>, vector<1x16xf32>,
    }
    %scan3A_11 = arith.constant 128 : i32
    %scan3A_12 = arith.constant 0 : i32
    %scan3A_13 = arith.constant 0 : i32
    %scan3A_14 = arith.constant 5 : i32
    %scan3A_15 = arith.addi %scan3A_13, %scan3A_14 : i32
    %scan3A_16 = arith.constant 1 : i32
    scf.for %scan3A_29 = %scan3A_13 to %scan3A_15 step %scan3A_16  : i32 {
      %mul3A_30 = arith.constant 640 : i32
      %mul3A_31 = arith.muli %arg1, %mul3A_30 : i32
      %mul3A_32 = arith.constant 128 : i32
      %mul3A_33 = arith.muli %scan3A_29, %mul3A_32 : i32
      %add3A_34 = arith.addi %mul3A_31, %mul3A_33 : i32
      "tpu.region"() ({
        %run_scoped3A = tpu.sem_alloc : memref<!tpu.dma_semaphore, #tpu.memory_space<semaphore_mem>>
        %dma_start3A = arith.constant 0 : i32
        %dma_start3A_35 = tpu.memref_slice %arg7[%add3A_34, %dma_start3A] : memref<10240x16xf32, #tpu.memory_space<vmem_shared>> -> memref<128x16xf32, #tpu.memory_space<vmem_shared>>
        %dma_start3A_36 = arith.constant 0 : i32
        %dma_start3A_37 = tpu.memref_slice %arg7[%add3A_34, %dma_start3A_36] : memref<10240x16xf32, #tpu.memory_space<vmem_shared>> -> memref<128x16xf32, #tpu.memory_space<vmem_shared>>
        tpu.enqueue_dma source(%arg6 : memref<128x16xf32, #tpu.memory_space<vmem>>) target(%dma_start3A_37 : memref<128x16xf32, #tpu.memory_space<vmem_shared>>) target_semaphore(%run_scoped3A : memref<!tpu.dma_semaphore, #tpu.memory_space<semaphore_mem>>)
        %dma_wait3A = arith.constant 0 : i32
        %dma_wait3A_38 = tpu.memref_slice %arg7[%add3A_34, %dma_wait3A] : memref<10240x16xf32, #tpu.memory_space<vmem_shared>> -> memref<128x16xf32, #tpu.memory_space<vmem_shared>>
        %dma_wait3A_39 = arith.constant 0 : i32
        %dma_wait3A_40 = tpu.memref_slice %arg7[%add3A_34, %dma_wait3A_39] : memref<10240x16xf32, #tpu.memory_space<vmem_shared>> -> memref<128x16xf32, #tpu.memory_space<vmem_shared>>
        tpu.wait_dma2 semaphore(%run_scoped3A : memref<!tpu.dma_semaphore, #tpu.memory_space<semaphore_mem>>) src(%arg6 : memref<128x16xf32, #tpu.memory_space<vmem>>) dst(%dma_wait3A_40 : memref<128x16xf32, #tpu.memory_space<vmem_shared>>)
        tpu.yield
      }) : () -> ()
    }
    %scan3A_17 = arith.constant 5 : i32
    %barrier3A = arith.constant 0 : index
    tpu.barrier barrier_id(%barrier3A)
    %scan3A_18 = arith.constant 0 : i32
    %scan3A_19 = arith.constant 0 : i32
    %scan3A_20 = arith.constant 80 : i32
    %scan3A_21 = arith.addi %scan3A_19, %scan3A_20 : i32
    %scan3A_22 = arith.constant 1 : i32
    scf.for %scan3A_29 = %scan3A_19 to %scan3A_21 step %scan3A_22  : i32 {
      %mul3A_30 = arith.constant 10240 : i32
      %mul3A_31 = arith.muli %add3A, %mul3A_30 : i32
      %mul3A_32 = arith.constant 128 : i32
      %mul3A_33 = arith.muli %scan3A_29, %mul3A_32 : i32
      %add3A_34 = arith.addi %mul3A_31, %mul3A_33 : i32
      "tpu.region"() ({
        %run_scoped3A = tpu.sem_alloc : memref<!tpu.dma_semaphore, #tpu.memory_space<semaphore_mem>>
        %dma_start3A = tpu.memref_slice %arg2[%add3A_34] : memref<327680xi32, #tpu.memory_space<hbm>> -> memref<128xi32, #tpu.memory_space<hbm>>
        %dma_start3A_35 = tpu.memref_slice %arg2[%add3A_34] : memref<327680xi32, #tpu.memory_space<hbm>> -> memref<128xi32, #tpu.memory_space<hbm>>
        tpu.enqueue_dma source(%dma_start3A_35 : memref<128xi32, #tpu.memory_space<hbm>>) target(%arg4 : memref<128xi32, #tpu.memory_space<vmem>>) target_semaphore(%run_scoped3A : memref<!tpu.dma_semaphore, #tpu.memory_space<semaphore_mem>>)
        %dma_wait3A = tpu.memref_slice %arg2[%add3A_34] : memref<327680xi32, #tpu.memory_space<hbm>> -> memref<128xi32, #tpu.memory_space<hbm>>
        %dma_wait3A_36 = tpu.memref_slice %arg2[%add3A_34] : memref<327680xi32, #tpu.memory_space<hbm>> -> memref<128xi32, #tpu.memory_space<hbm>>
        tpu.wait_dma2 semaphore(%run_scoped3A : memref<!tpu.dma_semaphore, #tpu.memory_space<semaphore_mem>>) src(%dma_wait3A_36 : memref<128xi32, #tpu.memory_space<hbm>>) dst(%arg4 : memref<128xi32, #tpu.memory_space<vmem>>)
        tpu.yield
      }) : () -> ()
      "tpu.region"() ({
        %run_scoped3A = tpu.sem_alloc : memref<!tpu.dma_semaphore, #tpu.memory_space<semaphore_mem>>
        %dma_start3A = arith.constant 0 : i32
        %dma_start3A_35 = arith.constant 0 : i32
        %dma_start3A_36 = tpu.memref_slice %arg7[%dma_start3A, %dma_start3A_35] : memref<10240x16xf32, #tpu.memory_space<vmem_shared>> -> memref<10240x16xf32, #tpu.memory_space<vmem_shared>>
        tpu.enqueue_indirect_dma source(%arg5 : memref<128x16xf32, #tpu.memory_space<vmem>>) target(%dma_start3A_36 : memref<10240x16xf32, #tpu.memory_space<vmem_shared>>) offsets(%arg4 : memref<128xi32, #tpu.memory_space<vmem>>) semaphore(%run_scoped3A : memref<!tpu.dma_semaphore, #tpu.memory_space<semaphore_mem>>) {add = true}
        %dma_wait3A = arith.constant 0 : i32
        %dma_wait3A_37 = arith.constant 0 : i32
        %dma_wait3A_38 = tpu.memref_slice %arg7[%dma_wait3A, %dma_wait3A_37] : memref<10240x16xf32, #tpu.memory_space<vmem_shared>> -> memref<10240x16xf32, #tpu.memory_space<vmem_shared>>
        tpu.wait_indirect_dma semaphore(%run_scoped3A : memref<!tpu.dma_semaphore, #tpu.memory_space<semaphore_mem>>) src(%arg5 : memref<128x16xf32, #tpu.memory_space<vmem>>) dst(%dma_wait3A_38 : memref<10240x16xf32, #tpu.memory_space<vmem_shared>>)
        tpu.yield
      }) : () -> ()
    }
    %scan3A_23 = arith.constant 80 : i32
    %barrier3A_24 = arith.constant 0 : index
    tpu.barrier barrier_id(%barrier3A_24)
    %mul3A_25 = arith.constant 640 : i32
    %mul3A_26 = arith.muli %arg1, %mul3A_25 : i32
    %mul3A_27 = arith.constant 640 : i32
    %mul3A_28 = arith.muli %arg1, %mul3A_27 : i32
    "tpu.region"() ({
      %run_scoped3A = tpu.sem_alloc : memref<!tpu.dma_semaphore, #tpu.memory_space<semaphore_mem>>
      %dma_start3A = arith.constant 0 : i32
      %dma_start3A_29 = tpu.memref_slice %arg3[%arg0, %mul3A_28, %dma_start3A] : memref<2x10240x16xf32, #tpu.memory_space<hbm>> -> memref<1x640x16xf32, #tpu.memory_space<hbm>>
      %dma_start3A_30 = tpu.memref_squeeze %dma_start3A_29 : memref<1x640x16xf32, #tpu.memory_space<hbm>> -> memref<640x16xf32, #tpu.memory_space<hbm>>
      %dma_start3A_31 = arith.constant 0 : i32
      %dma_start3A_32 = tpu.memref_slice %arg7[%mul3A_26, %dma_start3A_31] : memref<10240x16xf32, #tpu.memory_space<vmem_shared>> -> memref<640x16xf32, #tpu.memory_space<vmem_shared>>
      tpu.enqueue_dma source(%dma_start3A_32 : memref<640x16xf32, #tpu.memory_space<vmem_shared>>) target(%dma_start3A_30 : memref<640x16xf32, #tpu.memory_space<hbm>>) target_semaphore(%run_scoped3A : memref<!tpu.dma_semaphore, #tpu.memory_space<semaphore_mem>>)
      %dma_wait3A = arith.constant 0 : i32
      %dma_wait3A_33 = tpu.memref_slice %arg3[%arg0, %mul3A_28, %dma_wait3A] : memref<2x10240x16xf32, #tpu.memory_space<hbm>> -> memref<1x640x16xf32, #tpu.memory_space<hbm>>
      %dma_wait3A_34 = tpu.memref_squeeze %dma_wait3A_33 : memref<1x640x16xf32, #tpu.memory_space<hbm>> -> memref<640x16xf32, #tpu.memory_space<hbm>>
      %dma_wait3A_35 = arith.constant 0 : i32
      %dma_wait3A_36 = tpu.memref_slice %arg7[%mul3A_26, %dma_wait3A_35] : memref<10240x16xf32, #tpu.memory_space<vmem_shared>> -> memref<640x16xf32, #tpu.memory_space<vmem_shared>>
      tpu.wait_dma2 semaphore(%run_scoped3A : memref<!tpu.dma_semaphore, #tpu.memory_space<semaphore_mem>>) src(%dma_wait3A_36 : memref<640x16xf32, #tpu.memory_space<vmem_shared>>) dst(%dma_wait3A_34 : memref<640x16xf32, #tpu.memory_space<hbm>>)
      tpu.yield
    }) : () -> ()
    return
  }
}

#map = affine_map<(d0, d1) -> (0, 0)>
#map1 = affine_map<(d0, d1) -> (0)>
#map2 = affine_map<(d0, d1) -> (0, 0, 0)>
module attributes {stable_mosaic.version = 14 : i64} {
  func.func @agg_kernel(%arg0: i32, %arg1: i32, %arg2: memref<10240x128xf32, #tpu.memory_space<hbm>>, %arg3: memref<327680xi32, #tpu.memory_space<hbm>>, %arg4: memref<327680xi32, #tpu.memory_space<hbm>>, %arg5: memref<2x10240x128xf32, #tpu.memory_space<hbm>>, %arg6: memref<128xi32, #tpu.memory_space<vmem>>, %arg7: memref<128xi32, #tpu.memory_space<vmem>>, %arg8: memref<128x128xf32, #tpu.memory_space<vmem>>, %arg9: memref<128x128xf32, #tpu.memory_space<vmem>>, %arg10: memref<10240x128xf32, #tpu.memory_space<vmem_shared>>, %arg11: memref<!tpu.dma_semaphore, #tpu.memory_space<semaphore_mem>>) attributes {dimension_semantics = [#tpu.dimension_semantics<core_parallel>, #tpu.dimension_semantics<subcore_parallel>], iteration_bounds = array<i64: 2, 16>, scalar_prefetch = 0 : i64, scratch_operands = 6 : i64, tpu.core_type = #tpu.core_type<sc_vector_subcore>, window_params = [{transform_indices = #map}, {transform_indices = #map1}, {transform_indices = #map1}, {transform_indices = #map2}]} {
    %mul3A = arith.constant 2 : i32
    %mul3A_0 = arith.muli %arg1, %mul3A : i32
    %add3A = arith.addi %mul3A_0, %arg0 : i32
    %broadcast_in_dim3A = arith.constant 0.000000e+00 : f32
    %broadcast_in_dim3A_1 = vector.broadcast %broadcast_in_dim3A : f32 to vector<16xf32>
    %scan3A = arith.constant 0 : i32
    %scan3A_2 = arith.constant 0 : i32
    %scan3A_3 = arith.constant 128 : i32
    %scan3A_4 = arith.addi %scan3A_2, %scan3A_3 : i32
    %scan3A_5 = arith.constant 1 : i32
    scf.for %scan3A_24 = %scan3A_2 to %scan3A_4 step %scan3A_5  : i32 {
      %scan3A_25 = arith.constant 0 : i32
      %scan3A_26 = arith.constant 0 : i32
      %scan3A_27 = arith.constant 8 : i32
      %scan3A_28 = arith.addi %scan3A_26, %scan3A_27 : i32
      %scan3A_29 = arith.constant 1 : i32
      scf.for %scan3A_31 = %scan3A_26 to %scan3A_28 step %scan3A_29  : i32 {
        %mul3A_32 = arith.constant 16 : i32
        %mul3A_33 = arith.muli %scan3A_31, %mul3A_32 : i32
        %swap3A = arith.index_cast %scan3A_24 : i32 to index
        %swap3A_34 = arith.index_cast %mul3A_33 : i32 to index
        %swap3A_35 = tpu.vector_load %arg9[%swap3A, %swap3A_34] {strides = array<i32>} : memref<128x128xf32, #tpu.memory_space<vmem>>, vector<1x16xf32>,
        %swap3A_36 = vector.shape_cast %swap3A_35 : vector<1x16xf32> to vector<16xf32>
        %swap3A_37 = vector.shape_cast %broadcast_in_dim3A_1 : vector<16xf32> to vector<1x16xf32>
        tpu.vector_store %arg9[%swap3A, %swap3A_34], %swap3A_37 {strides = array<i32>} : memref<128x128xf32, #tpu.memory_space<vmem>>, vector<1x16xf32>,
      }
      %scan3A_30 = arith.constant 8 : i32
    }
    %scan3A_6 = arith.constant 128 : i32
    %scan3A_7 = arith.constant 0 : i32
    %scan3A_8 = arith.constant 0 : i32
    %scan3A_9 = arith.constant 5 : i32
    %scan3A_10 = arith.addi %scan3A_8, %scan3A_9 : i32
    %scan3A_11 = arith.constant 1 : i32
    scf.for %scan3A_24 = %scan3A_8 to %scan3A_10 step %scan3A_11  : i32 {
      %mul3A_25 = arith.constant 640 : i32
      %mul3A_26 = arith.muli %arg1, %mul3A_25 : i32
      %mul3A_27 = arith.constant 128 : i32
      %mul3A_28 = arith.muli %scan3A_24, %mul3A_27 : i32
      %add3A_29 = arith.addi %mul3A_26, %mul3A_28 : i32
      "tpu.region"() ({
        %run_scoped3A = tpu.sem_alloc : memref<!tpu.dma_semaphore, #tpu.memory_space<semaphore_mem>>
        %dma_start3A = arith.constant 0 : i32
        %dma_start3A_30 = tpu.memref_slice %arg10[%add3A_29, %dma_start3A] : memref<10240x128xf32, #tpu.memory_space<vmem_shared>> -> memref<128x128xf32, #tpu.memory_space<vmem_shared>>
        %dma_start3A_31 = arith.constant 0 : i32
        %dma_start3A_32 = tpu.memref_slice %arg10[%add3A_29, %dma_start3A_31] : memref<10240x128xf32, #tpu.memory_space<vmem_shared>> -> memref<128x128xf32, #tpu.memory_space<vmem_shared>>
        tpu.enqueue_dma source(%arg9 : memref<128x128xf32, #tpu.memory_space<vmem>>) target(%dma_start3A_32 : memref<128x128xf32, #tpu.memory_space<vmem_shared>>) target_semaphore(%run_scoped3A : memref<!tpu.dma_semaphore, #tpu.memory_space<semaphore_mem>>)
        %dma_wait3A = arith.constant 0 : i32
        %dma_wait3A_33 = tpu.memref_slice %arg10[%add3A_29, %dma_wait3A] : memref<10240x128xf32, #tpu.memory_space<vmem_shared>> -> memref<128x128xf32, #tpu.memory_space<vmem_shared>>
        %dma_wait3A_34 = arith.constant 0 : i32
        %dma_wait3A_35 = tpu.memref_slice %arg10[%add3A_29, %dma_wait3A_34] : memref<10240x128xf32, #tpu.memory_space<vmem_shared>> -> memref<128x128xf32, #tpu.memory_space<vmem_shared>>
        tpu.wait_dma2 semaphore(%run_scoped3A : memref<!tpu.dma_semaphore, #tpu.memory_space<semaphore_mem>>) src(%arg9 : memref<128x128xf32, #tpu.memory_space<vmem>>) dst(%dma_wait3A_35 : memref<128x128xf32, #tpu.memory_space<vmem_shared>>)
        tpu.yield
      }) : () -> ()
    }
    %scan3A_12 = arith.constant 5 : i32
    %barrier3A = arith.constant 0 : index
    tpu.barrier barrier_id(%barrier3A)
    %scan3A_13 = arith.constant 0 : i32
    %scan3A_14 = arith.constant 0 : i32
    %scan3A_15 = arith.constant 80 : i32
    %scan3A_16 = arith.addi %scan3A_14, %scan3A_15 : i32
    %scan3A_17 = arith.constant 1 : i32
    scf.for %scan3A_24 = %scan3A_14 to %scan3A_16 step %scan3A_17  : i32 {
      %mul3A_25 = arith.constant 10240 : i32
      %mul3A_26 = arith.muli %add3A, %mul3A_25 : i32
      %mul3A_27 = arith.constant 128 : i32
      %mul3A_28 = arith.muli %scan3A_24, %mul3A_27 : i32
      %add3A_29 = arith.addi %mul3A_26, %mul3A_28 : i32
      "tpu.region"() ({
        %run_scoped3A = tpu.sem_alloc : memref<!tpu.dma_semaphore, #tpu.memory_space<semaphore_mem>>
        %dma_start3A_34 = tpu.memref_slice %arg3[%add3A_29] : memref<327680xi32, #tpu.memory_space<hbm>> -> memref<128xi32, #tpu.memory_space<hbm>>
        %dma_start3A_35 = tpu.memref_slice %arg3[%add3A_29] : memref<327680xi32, #tpu.memory_space<hbm>> -> memref<128xi32, #tpu.memory_space<hbm>>
        tpu.enqueue_dma source(%dma_start3A_35 : memref<128xi32, #tpu.memory_space<hbm>>) target(%arg6 : memref<128xi32, #tpu.memory_space<vmem>>) target_semaphore(%run_scoped3A : memref<!tpu.dma_semaphore, #tpu.memory_space<semaphore_mem>>)
        %dma_wait3A_36 = tpu.memref_slice %arg3[%add3A_29] : memref<327680xi32, #tpu.memory_space<hbm>> -> memref<128xi32, #tpu.memory_space<hbm>>
        %dma_wait3A_37 = tpu.memref_slice %arg3[%add3A_29] : memref<327680xi32, #tpu.memory_space<hbm>> -> memref<128xi32, #tpu.memory_space<hbm>>
        tpu.wait_dma2 semaphore(%run_scoped3A : memref<!tpu.dma_semaphore, #tpu.memory_space<semaphore_mem>>) src(%dma_wait3A_37 : memref<128xi32, #tpu.memory_space<hbm>>) dst(%arg6 : memref<128xi32, #tpu.memory_space<vmem>>)
        tpu.yield
      }) : () -> ()
      "tpu.region"() ({
        %run_scoped3A = tpu.sem_alloc : memref<!tpu.dma_semaphore, #tpu.memory_space<semaphore_mem>>
        %dma_start3A_34 = tpu.memref_slice %arg4[%add3A_29] : memref<327680xi32, #tpu.memory_space<hbm>> -> memref<128xi32, #tpu.memory_space<hbm>>
        %dma_start3A_35 = tpu.memref_slice %arg4[%add3A_29] : memref<327680xi32, #tpu.memory_space<hbm>> -> memref<128xi32, #tpu.memory_space<hbm>>
        tpu.enqueue_dma source(%dma_start3A_35 : memref<128xi32, #tpu.memory_space<hbm>>) target(%arg7 : memref<128xi32, #tpu.memory_space<vmem>>) target_semaphore(%run_scoped3A : memref<!tpu.dma_semaphore, #tpu.memory_space<semaphore_mem>>)
        %dma_wait3A_36 = tpu.memref_slice %arg4[%add3A_29] : memref<327680xi32, #tpu.memory_space<hbm>> -> memref<128xi32, #tpu.memory_space<hbm>>
        %dma_wait3A_37 = tpu.memref_slice %arg4[%add3A_29] : memref<327680xi32, #tpu.memory_space<hbm>> -> memref<128xi32, #tpu.memory_space<hbm>>
        tpu.wait_dma2 semaphore(%run_scoped3A : memref<!tpu.dma_semaphore, #tpu.memory_space<semaphore_mem>>) src(%dma_wait3A_37 : memref<128xi32, #tpu.memory_space<hbm>>) dst(%arg7 : memref<128xi32, #tpu.memory_space<vmem>>)
        tpu.yield
      }) : () -> ()
      %dma_start3A = arith.constant 0 : i32
      %dma_start3A_30 = arith.constant 0 : i32
      %dma_start3A_31 = tpu.memref_slice %arg2[%dma_start3A, %dma_start3A_30] : memref<10240x128xf32, #tpu.memory_space<hbm>> -> memref<10240x128xf32, #tpu.memory_space<hbm>>
      tpu.enqueue_indirect_dma source(%dma_start3A_31 : memref<10240x128xf32, #tpu.memory_space<hbm>>) target(%arg8 : memref<128x128xf32, #tpu.memory_space<vmem>>) offsets(%arg6 : memref<128xi32, #tpu.memory_space<vmem>>) semaphore(%arg11 : memref<!tpu.dma_semaphore, #tpu.memory_space<semaphore_mem>>)
      %dma_wait3A = arith.constant 0 : i32
      %dma_wait3A_32 = arith.constant 0 : i32
      %dma_wait3A_33 = tpu.memref_slice %arg2[%dma_wait3A, %dma_wait3A_32] : memref<10240x128xf32, #tpu.memory_space<hbm>> -> memref<10240x128xf32, #tpu.memory_space<hbm>>
      tpu.wait_indirect_dma semaphore(%arg11 : memref<!tpu.dma_semaphore, #tpu.memory_space<semaphore_mem>>) src(%dma_wait3A_33 : memref<10240x128xf32, #tpu.memory_space<hbm>>) dst(%arg8 : memref<128x128xf32, #tpu.memory_space<vmem>>)
      "tpu.region"() ({
        %run_scoped3A = tpu.sem_alloc : memref<!tpu.dma_semaphore, #tpu.memory_space<semaphore_mem>>
        %dma_start3A_34 = arith.constant 0 : i32
        %dma_start3A_35 = arith.constant 0 : i32
        %dma_start3A_36 = tpu.memref_slice %arg10[%dma_start3A_34, %dma_start3A_35] : memref<10240x128xf32, #tpu.memory_space<vmem_shared>> -> memref<10240x128xf32, #tpu.memory_space<vmem_shared>>
        tpu.enqueue_indirect_dma source(%arg8 : memref<128x128xf32, #tpu.memory_space<vmem>>) target(%dma_start3A_36 : memref<10240x128xf32, #tpu.memory_space<vmem_shared>>) offsets(%arg7 : memref<128xi32, #tpu.memory_space<vmem>>) semaphore(%run_scoped3A : memref<!tpu.dma_semaphore, #tpu.memory_space<semaphore_mem>>) {add = true}
        %dma_wait3A_37 = arith.constant 0 : i32
        %dma_wait3A_38 = arith.constant 0 : i32
        %dma_wait3A_39 = tpu.memref_slice %arg10[%dma_wait3A_37, %dma_wait3A_38] : memref<10240x128xf32, #tpu.memory_space<vmem_shared>> -> memref<10240x128xf32, #tpu.memory_space<vmem_shared>>
        tpu.wait_indirect_dma semaphore(%run_scoped3A : memref<!tpu.dma_semaphore, #tpu.memory_space<semaphore_mem>>) src(%arg8 : memref<128x128xf32, #tpu.memory_space<vmem>>) dst(%dma_wait3A_39 : memref<10240x128xf32, #tpu.memory_space<vmem_shared>>)
        tpu.yield
      }) : () -> ()
    }
    %scan3A_18 = arith.constant 80 : i32
    %barrier3A_19 = arith.constant 0 : index
    tpu.barrier barrier_id(%barrier3A_19)
    %mul3A_20 = arith.constant 640 : i32
    %mul3A_21 = arith.muli %arg1, %mul3A_20 : i32
    %mul3A_22 = arith.constant 640 : i32
    %mul3A_23 = arith.muli %arg1, %mul3A_22 : i32
    "tpu.region"() ({
      %run_scoped3A = tpu.sem_alloc : memref<!tpu.dma_semaphore, #tpu.memory_space<semaphore_mem>>
      %dma_start3A = arith.constant 0 : i32
      %dma_start3A_24 = tpu.memref_slice %arg5[%arg0, %mul3A_23, %dma_start3A] : memref<2x10240x128xf32, #tpu.memory_space<hbm>> -> memref<1x640x128xf32, #tpu.memory_space<hbm>>
      %dma_start3A_25 = tpu.memref_squeeze %dma_start3A_24 : memref<1x640x128xf32, #tpu.memory_space<hbm>> -> memref<640x128xf32, #tpu.memory_space<hbm>>
      %dma_start3A_26 = arith.constant 0 : i32
      %dma_start3A_27 = tpu.memref_slice %arg10[%mul3A_21, %dma_start3A_26] : memref<10240x128xf32, #tpu.memory_space<vmem_shared>> -> memref<640x128xf32, #tpu.memory_space<vmem_shared>>
      tpu.enqueue_dma source(%dma_start3A_27 : memref<640x128xf32, #tpu.memory_space<vmem_shared>>) target(%dma_start3A_25 : memref<640x128xf32, #tpu.memory_space<hbm>>) target_semaphore(%run_scoped3A : memref<!tpu.dma_semaphore, #tpu.memory_space<semaphore_mem>>)
      %dma_wait3A = arith.constant 0 : i32
      %dma_wait3A_28 = tpu.memref_slice %arg5[%arg0, %mul3A_23, %dma_wait3A] : memref<2x10240x128xf32, #tpu.memory_space<hbm>> -> memref<1x640x128xf32, #tpu.memory_space<hbm>>
      %dma_wait3A_29 = tpu.memref_squeeze %dma_wait3A_28 : memref<1x640x128xf32, #tpu.memory_space<hbm>> -> memref<640x128xf32, #tpu.memory_space<hbm>>
      %dma_wait3A_30 = arith.constant 0 : i32
      %dma_wait3A_31 = tpu.memref_slice %arg10[%mul3A_21, %dma_wait3A_30] : memref<10240x128xf32, #tpu.memory_space<vmem_shared>> -> memref<640x128xf32, #tpu.memory_space<vmem_shared>>
      tpu.wait_dma2 semaphore(%run_scoped3A : memref<!tpu.dma_semaphore, #tpu.memory_space<semaphore_mem>>) src(%dma_wait3A_31 : memref<640x128xf32, #tpu.memory_space<vmem_shared>>) dst(%dma_wait3A_29 : memref<640x128xf32, #tpu.memory_space<hbm>>)
      tpu.yield
    }) : () -> ()
    return
  }
}

#map = affine_map<(d0, d1) -> (0, 0)>
#map1 = affine_map<(d0, d1) -> (0)>
#map2 = affine_map<(d0, d1) -> (0, 0, 0)>
module attributes {stable_mosaic.version = 14 : i64} {
  func.func @agg_kernel(%arg0: i32, %arg1: i32, %arg2: memref<10240x128xf32, #tpu.memory_space<hbm>>, %arg3: memref<327680xi32, #tpu.memory_space<hbm>>, %arg4: memref<327680xi32, #tpu.memory_space<hbm>>, %arg5: memref<2x10240x128xf32, #tpu.memory_space<hbm>>, %arg6: memref<128xi32, #tpu.memory_space<vmem>>, %arg7: memref<128xi32, #tpu.memory_space<vmem>>, %arg8: memref<128x128xf32, #tpu.memory_space<vmem>>, %arg9: memref<128x128xf32, #tpu.memory_space<vmem>>, %arg10: memref<10240x128xf32, #tpu.memory_space<vmem_shared>>, %arg11: memref<!tpu.dma_semaphore, #tpu.memory_space<semaphore_mem>>) attributes {dimension_semantics = [#tpu.dimension_semantics<core_parallel>, #tpu.dimension_semantics<subcore_parallel>], iteration_bounds = array<i64: 2, 16>, scalar_prefetch = 0 : i64, scratch_operands = 6 : i64, tpu.core_type = #tpu.core_type<sc_vector_subcore>, window_params = [{transform_indices = #map}, {transform_indices = #map1}, {transform_indices = #map1}, {transform_indices = #map2}]} {
    %mul3A = arith.constant 2 : i32
    %mul3A_0 = arith.muli %arg1, %mul3A : i32
    %add3A = arith.addi %mul3A_0, %arg0 : i32
    %broadcast_in_dim3A = arith.constant 0.000000e+00 : f32
    %broadcast_in_dim3A_1 = vector.broadcast %broadcast_in_dim3A : f32 to vector<16xf32>
    %scan3A = arith.constant 0 : i32
    %scan3A_2 = arith.constant 0 : i32
    %scan3A_3 = arith.constant 128 : i32
    %scan3A_4 = arith.addi %scan3A_2, %scan3A_3 : i32
    %scan3A_5 = arith.constant 1 : i32
    scf.for %scan3A_24 = %scan3A_2 to %scan3A_4 step %scan3A_5  : i32 {
      %scan3A_25 = arith.constant 0 : i32
      %scan3A_26 = arith.constant 0 : i32
      %scan3A_27 = arith.constant 8 : i32
      %scan3A_28 = arith.addi %scan3A_26, %scan3A_27 : i32
      %scan3A_29 = arith.constant 1 : i32
      scf.for %scan3A_31 = %scan3A_26 to %scan3A_28 step %scan3A_29  : i32 {
        %mul3A_32 = arith.constant 16 : i32
        %mul3A_33 = arith.muli %scan3A_31, %mul3A_32 : i32
        %swap3A = arith.index_cast %scan3A_24 : i32 to index
        %swap3A_34 = arith.index_cast %mul3A_33 : i32 to index
        %swap3A_35 = tpu.vector_load %arg9[%swap3A, %swap3A_34] {strides = array<i32>} : memref<128x128xf32, #tpu.memory_space<vmem>>, vector<1x16xf32>,
        %swap3A_36 = vector.shape_cast %swap3A_35 : vector<1x16xf32> to vector<16xf32>
        %swap3A_37 = vector.shape_cast %broadcast_in_dim3A_1 : vector<16xf32> to vector<1x16xf32>
        tpu.vector_store %arg9[%swap3A, %swap3A_34], %swap3A_37 {strides = array<i32>} : memref<128x128xf32, #tpu.memory_space<vmem>>, vector<1x16xf32>,
      }
      %scan3A_30 = arith.constant 8 : i32
    }
    %scan3A_6 = arith.constant 128 : i32
    %scan3A_7 = arith.constant 0 : i32
    %scan3A_8 = arith.constant 0 : i32
    %scan3A_9 = arith.constant 5 : i32
    %scan3A_10 = arith.addi %scan3A_8, %scan3A_9 : i32
    %scan3A_11 = arith.constant 1 : i32
    scf.for %scan3A_24 = %scan3A_8 to %scan3A_10 step %scan3A_11  : i32 {
      %mul3A_25 = arith.constant 640 : i32
      %mul3A_26 = arith.muli %arg1, %mul3A_25 : i32
      %mul3A_27 = arith.constant 128 : i32
      %mul3A_28 = arith.muli %scan3A_24, %mul3A_27 : i32
      %add3A_29 = arith.addi %mul3A_26, %mul3A_28 : i32
      "tpu.region"() ({
        %run_scoped3A = tpu.sem_alloc : memref<!tpu.dma_semaphore, #tpu.memory_space<semaphore_mem>>
        %dma_start3A = arith.constant 0 : i32
        %dma_start3A_30 = tpu.memref_slice %arg10[%add3A_29, %dma_start3A] : memref<10240x128xf32, #tpu.memory_space<vmem_shared>> -> memref<128x128xf32, #tpu.memory_space<vmem_shared>>
        %dma_start3A_31 = arith.constant 0 : i32
        %dma_start3A_32 = tpu.memref_slice %arg10[%add3A_29, %dma_start3A_31] : memref<10240x128xf32, #tpu.memory_space<vmem_shared>> -> memref<128x128xf32, #tpu.memory_space<vmem_shared>>
        tpu.enqueue_dma source(%arg9 : memref<128x128xf32, #tpu.memory_space<vmem>>) target(%dma_start3A_32 : memref<128x128xf32, #tpu.memory_space<vmem_shared>>) target_semaphore(%run_scoped3A : memref<!tpu.dma_semaphore, #tpu.memory_space<semaphore_mem>>)
        %dma_wait3A = arith.constant 0 : i32
        %dma_wait3A_33 = tpu.memref_slice %arg10[%add3A_29, %dma_wait3A] : memref<10240x128xf32, #tpu.memory_space<vmem_shared>> -> memref<128x128xf32, #tpu.memory_space<vmem_shared>>
        %dma_wait3A_34 = arith.constant 0 : i32
        %dma_wait3A_35 = tpu.memref_slice %arg10[%add3A_29, %dma_wait3A_34] : memref<10240x128xf32, #tpu.memory_space<vmem_shared>> -> memref<128x128xf32, #tpu.memory_space<vmem_shared>>
        tpu.wait_dma2 semaphore(%run_scoped3A : memref<!tpu.dma_semaphore, #tpu.memory_space<semaphore_mem>>) src(%arg9 : memref<128x128xf32, #tpu.memory_space<vmem>>) dst(%dma_wait3A_35 : memref<128x128xf32, #tpu.memory_space<vmem_shared>>)
        tpu.yield
      }) : () -> ()
    }
    %scan3A_12 = arith.constant 5 : i32
    %barrier3A = arith.constant 0 : index
    tpu.barrier barrier_id(%barrier3A)
    %scan3A_13 = arith.constant 0 : i32
    %scan3A_14 = arith.constant 0 : i32
    %scan3A_15 = arith.constant 80 : i32
    %scan3A_16 = arith.addi %scan3A_14, %scan3A_15 : i32
    %scan3A_17 = arith.constant 1 : i32
    scf.for %scan3A_24 = %scan3A_14 to %scan3A_16 step %scan3A_17  : i32 {
      %mul3A_25 = arith.constant 10240 : i32
      %mul3A_26 = arith.muli %add3A, %mul3A_25 : i32
      %mul3A_27 = arith.constant 128 : i32
      %mul3A_28 = arith.muli %scan3A_24, %mul3A_27 : i32
      %add3A_29 = arith.addi %mul3A_26, %mul3A_28 : i32
      "tpu.region"() ({
        %run_scoped3A = tpu.sem_alloc : memref<!tpu.dma_semaphore, #tpu.memory_space<semaphore_mem>>
        %dma_start3A_34 = tpu.memref_slice %arg3[%add3A_29] : memref<327680xi32, #tpu.memory_space<hbm>> -> memref<128xi32, #tpu.memory_space<hbm>>
        %dma_start3A_35 = tpu.memref_slice %arg3[%add3A_29] : memref<327680xi32, #tpu.memory_space<hbm>> -> memref<128xi32, #tpu.memory_space<hbm>>
        tpu.enqueue_dma source(%dma_start3A_35 : memref<128xi32, #tpu.memory_space<hbm>>) target(%arg6 : memref<128xi32, #tpu.memory_space<vmem>>) target_semaphore(%run_scoped3A : memref<!tpu.dma_semaphore, #tpu.memory_space<semaphore_mem>>)
        %dma_wait3A_36 = tpu.memref_slice %arg3[%add3A_29] : memref<327680xi32, #tpu.memory_space<hbm>> -> memref<128xi32, #tpu.memory_space<hbm>>
        %dma_wait3A_37 = tpu.memref_slice %arg3[%add3A_29] : memref<327680xi32, #tpu.memory_space<hbm>> -> memref<128xi32, #tpu.memory_space<hbm>>
        tpu.wait_dma2 semaphore(%run_scoped3A : memref<!tpu.dma_semaphore, #tpu.memory_space<semaphore_mem>>) src(%dma_wait3A_37 : memref<128xi32, #tpu.memory_space<hbm>>) dst(%arg6 : memref<128xi32, #tpu.memory_space<vmem>>)
        tpu.yield
      }) : () -> ()
      "tpu.region"() ({
        %run_scoped3A = tpu.sem_alloc : memref<!tpu.dma_semaphore, #tpu.memory_space<semaphore_mem>>
        %dma_start3A_34 = tpu.memref_slice %arg4[%add3A_29] : memref<327680xi32, #tpu.memory_space<hbm>> -> memref<128xi32, #tpu.memory_space<hbm>>
        %dma_start3A_35 = tpu.memref_slice %arg4[%add3A_29] : memref<327680xi32, #tpu.memory_space<hbm>> -> memref<128xi32, #tpu.memory_space<hbm>>
        tpu.enqueue_dma source(%dma_start3A_35 : memref<128xi32, #tpu.memory_space<hbm>>) target(%arg7 : memref<128xi32, #tpu.memory_space<vmem>>) target_semaphore(%run_scoped3A : memref<!tpu.dma_semaphore, #tpu.memory_space<semaphore_mem>>)
        %dma_wait3A_36 = tpu.memref_slice %arg4[%add3A_29] : memref<327680xi32, #tpu.memory_space<hbm>> -> memref<128xi32, #tpu.memory_space<hbm>>
        %dma_wait3A_37 = tpu.memref_slice %arg4[%add3A_29] : memref<327680xi32, #tpu.memory_space<hbm>> -> memref<128xi32, #tpu.memory_space<hbm>>
        tpu.wait_dma2 semaphore(%run_scoped3A : memref<!tpu.dma_semaphore, #tpu.memory_space<semaphore_mem>>) src(%dma_wait3A_37 : memref<128xi32, #tpu.memory_space<hbm>>) dst(%arg7 : memref<128xi32, #tpu.memory_space<vmem>>)
        tpu.yield
      }) : () -> ()
      %dma_start3A = arith.constant 0 : i32
      %dma_start3A_30 = arith.constant 0 : i32
      %dma_start3A_31 = tpu.memref_slice %arg2[%dma_start3A, %dma_start3A_30] : memref<10240x128xf32, #tpu.memory_space<hbm>> -> memref<10240x128xf32, #tpu.memory_space<hbm>>
      tpu.enqueue_indirect_dma source(%dma_start3A_31 : memref<10240x128xf32, #tpu.memory_space<hbm>>) target(%arg8 : memref<128x128xf32, #tpu.memory_space<vmem>>) offsets(%arg6 : memref<128xi32, #tpu.memory_space<vmem>>) semaphore(%arg11 : memref<!tpu.dma_semaphore, #tpu.memory_space<semaphore_mem>>)
      %dma_wait3A = arith.constant 0 : i32
      %dma_wait3A_32 = arith.constant 0 : i32
      %dma_wait3A_33 = tpu.memref_slice %arg2[%dma_wait3A, %dma_wait3A_32] : memref<10240x128xf32, #tpu.memory_space<hbm>> -> memref<10240x128xf32, #tpu.memory_space<hbm>>
      tpu.wait_indirect_dma semaphore(%arg11 : memref<!tpu.dma_semaphore, #tpu.memory_space<semaphore_mem>>) src(%dma_wait3A_33 : memref<10240x128xf32, #tpu.memory_space<hbm>>) dst(%arg8 : memref<128x128xf32, #tpu.memory_space<vmem>>)
      "tpu.region"() ({
        %run_scoped3A = tpu.sem_alloc : memref<!tpu.dma_semaphore, #tpu.memory_space<semaphore_mem>>
        %dma_start3A_34 = arith.constant 0 : i32
        %dma_start3A_35 = arith.constant 0 : i32
        %dma_start3A_36 = tpu.memref_slice %arg10[%dma_start3A_34, %dma_start3A_35] : memref<10240x128xf32, #tpu.memory_space<vmem_shared>> -> memref<10240x128xf32, #tpu.memory_space<vmem_shared>>
        tpu.enqueue_indirect_dma source(%arg8 : memref<128x128xf32, #tpu.memory_space<vmem>>) target(%dma_start3A_36 : memref<10240x128xf32, #tpu.memory_space<vmem_shared>>) offsets(%arg7 : memref<128xi32, #tpu.memory_space<vmem>>) semaphore(%run_scoped3A : memref<!tpu.dma_semaphore, #tpu.memory_space<semaphore_mem>>) {add = true}
        %dma_wait3A_37 = arith.constant 0 : i32
        %dma_wait3A_38 = arith.constant 0 : i32
        %dma_wait3A_39 = tpu.memref_slice %arg10[%dma_wait3A_37, %dma_wait3A_38] : memref<10240x128xf32, #tpu.memory_space<vmem_shared>> -> memref<10240x128xf32, #tpu.memory_space<vmem_shared>>
        tpu.wait_indirect_dma semaphore(%run_scoped3A : memref<!tpu.dma_semaphore, #tpu.memory_space<semaphore_mem>>) src(%arg8 : memref<128x128xf32, #tpu.memory_space<vmem>>) dst(%dma_wait3A_39 : memref<10240x128xf32, #tpu.memory_space<vmem_shared>>)
        tpu.yield
      }) : () -> ()
    }
    %scan3A_18 = arith.constant 80 : i32
    %barrier3A_19 = arith.constant 0 : index
    tpu.barrier barrier_id(%barrier3A_19)
    %mul3A_20 = arith.constant 640 : i32
    %mul3A_21 = arith.muli %arg1, %mul3A_20 : i32
    %mul3A_22 = arith.constant 640 : i32
    %mul3A_23 = arith.muli %arg1, %mul3A_22 : i32
    "tpu.region"() ({
      %run_scoped3A = tpu.sem_alloc : memref<!tpu.dma_semaphore, #tpu.memory_space<semaphore_mem>>
      %dma_start3A = arith.constant 0 : i32
      %dma_start3A_24 = tpu.memref_slice %arg5[%arg0, %mul3A_23, %dma_start3A] : memref<2x10240x128xf32, #tpu.memory_space<hbm>> -> memref<1x640x128xf32, #tpu.memory_space<hbm>>
      %dma_start3A_25 = tpu.memref_squeeze %dma_start3A_24 : memref<1x640x128xf32, #tpu.memory_space<hbm>> -> memref<640x128xf32, #tpu.memory_space<hbm>>
      %dma_start3A_26 = arith.constant 0 : i32
      %dma_start3A_27 = tpu.memref_slice %arg10[%mul3A_21, %dma_start3A_26] : memref<10240x128xf32, #tpu.memory_space<vmem_shared>> -> memref<640x128xf32, #tpu.memory_space<vmem_shared>>
      tpu.enqueue_dma source(%dma_start3A_27 : memref<640x128xf32, #tpu.memory_space<vmem_shared>>) target(%dma_start3A_25 : memref<640x128xf32, #tpu.memory_space<hbm>>) target_semaphore(%run_scoped3A : memref<!tpu.dma_semaphore, #tpu.memory_space<semaphore_mem>>)
      %dma_wait3A = arith.constant 0 : i32
      %dma_wait3A_28 = tpu.memref_slice %arg5[%arg0, %mul3A_23, %dma_wait3A] : memref<2x10240x128xf32, #tpu.memory_space<hbm>> -> memref<1x640x128xf32, #tpu.memory_space<hbm>>
      %dma_wait3A_29 = tpu.memref_squeeze %dma_wait3A_28 : memref<1x640x128xf32, #tpu.memory_space<hbm>> -> memref<640x128xf32, #tpu.memory_space<hbm>>
      %dma_wait3A_30 = arith.constant 0 : i32
      %dma_wait3A_31 = tpu.memref_slice %arg10[%mul3A_21, %dma_wait3A_30] : memref<10240x128xf32, #tpu.memory_space<vmem_shared>> -> memref<640x128xf32, #tpu.memory_space<vmem_shared>>
      tpu.wait_dma2 semaphore(%run_scoped3A : memref<!tpu.dma_semaphore, #tpu.memory_space<semaphore_mem>>) src(%dma_wait3A_31 : memref<640x128xf32, #tpu.memory_space<vmem_shared>>) dst(%dma_wait3A_29 : memref<640x128xf32, #tpu.memory_space<hbm>>)
      tpu.yield
    }) : () -> ()
    return
  }
}

#map = affine_map<(d0, d1) -> (0, 0)>
#map1 = affine_map<(d0, d1) -> (0)>
#map2 = affine_map<(d0, d1) -> (0, 0, 0)>
module attributes {stable_mosaic.version = 14 : i64} {
  func.func @agg_kernel(%arg0: i32, %arg1: i32, %arg2: memref<10240x128xf32, #tpu.memory_space<hbm>>, %arg3: memref<327680xi32, #tpu.memory_space<hbm>>, %arg4: memref<327680xi32, #tpu.memory_space<hbm>>, %arg5: memref<2x10240x128xf32, #tpu.memory_space<hbm>>, %arg6: memref<128xi32, #tpu.memory_space<vmem>>, %arg7: memref<128xi32, #tpu.memory_space<vmem>>, %arg8: memref<128x128xf32, #tpu.memory_space<vmem>>, %arg9: memref<128x128xf32, #tpu.memory_space<vmem>>, %arg10: memref<10240x128xf32, #tpu.memory_space<vmem_shared>>, %arg11: memref<!tpu.dma_semaphore, #tpu.memory_space<semaphore_mem>>) attributes {dimension_semantics = [#tpu.dimension_semantics<core_parallel>, #tpu.dimension_semantics<subcore_parallel>], iteration_bounds = array<i64: 2, 16>, scalar_prefetch = 0 : i64, scratch_operands = 6 : i64, tpu.core_type = #tpu.core_type<sc_vector_subcore>, window_params = [{transform_indices = #map}, {transform_indices = #map1}, {transform_indices = #map1}, {transform_indices = #map2}]} {
    %mul3A = arith.constant 2 : i32
    %mul3A_0 = arith.muli %arg1, %mul3A : i32
    %add3A = arith.addi %mul3A_0, %arg0 : i32
    %broadcast_in_dim3A = arith.constant 0.000000e+00 : f32
    %broadcast_in_dim3A_1 = vector.broadcast %broadcast_in_dim3A : f32 to vector<16xf32>
    %scan3A = arith.constant 0 : i32
    %scan3A_2 = arith.constant 0 : i32
    %scan3A_3 = arith.constant 128 : i32
    %scan3A_4 = arith.addi %scan3A_2, %scan3A_3 : i32
    %scan3A_5 = arith.constant 1 : i32
    scf.for %scan3A_24 = %scan3A_2 to %scan3A_4 step %scan3A_5  : i32 {
      %scan3A_25 = arith.constant 0 : i32
      %scan3A_26 = arith.constant 0 : i32
      %scan3A_27 = arith.constant 8 : i32
      %scan3A_28 = arith.addi %scan3A_26, %scan3A_27 : i32
      %scan3A_29 = arith.constant 1 : i32
      scf.for %scan3A_31 = %scan3A_26 to %scan3A_28 step %scan3A_29  : i32 {
        %mul3A_32 = arith.constant 16 : i32
        %mul3A_33 = arith.muli %scan3A_31, %mul3A_32 : i32
        %swap3A = arith.index_cast %scan3A_24 : i32 to index
        %swap3A_34 = arith.index_cast %mul3A_33 : i32 to index
        %swap3A_35 = tpu.vector_load %arg9[%swap3A, %swap3A_34] {strides = array<i32>} : memref<128x128xf32, #tpu.memory_space<vmem>>, vector<1x16xf32>,
        %swap3A_36 = vector.shape_cast %swap3A_35 : vector<1x16xf32> to vector<16xf32>
        %swap3A_37 = vector.shape_cast %broadcast_in_dim3A_1 : vector<16xf32> to vector<1x16xf32>
        tpu.vector_store %arg9[%swap3A, %swap3A_34], %swap3A_37 {strides = array<i32>} : memref<128x128xf32, #tpu.memory_space<vmem>>, vector<1x16xf32>,
      }
      %scan3A_30 = arith.constant 8 : i32
    }
    %scan3A_6 = arith.constant 128 : i32
    %scan3A_7 = arith.constant 0 : i32
    %scan3A_8 = arith.constant 0 : i32
    %scan3A_9 = arith.constant 5 : i32
    %scan3A_10 = arith.addi %scan3A_8, %scan3A_9 : i32
    %scan3A_11 = arith.constant 1 : i32
    scf.for %scan3A_24 = %scan3A_8 to %scan3A_10 step %scan3A_11  : i32 {
      %mul3A_25 = arith.constant 640 : i32
      %mul3A_26 = arith.muli %arg1, %mul3A_25 : i32
      %mul3A_27 = arith.constant 128 : i32
      %mul3A_28 = arith.muli %scan3A_24, %mul3A_27 : i32
      %add3A_29 = arith.addi %mul3A_26, %mul3A_28 : i32
      "tpu.region"() ({
        %run_scoped3A = tpu.sem_alloc : memref<!tpu.dma_semaphore, #tpu.memory_space<semaphore_mem>>
        %dma_start3A = arith.constant 0 : i32
        %dma_start3A_30 = tpu.memref_slice %arg10[%add3A_29, %dma_start3A] : memref<10240x128xf32, #tpu.memory_space<vmem_shared>> -> memref<128x128xf32, #tpu.memory_space<vmem_shared>>
        %dma_start3A_31 = arith.constant 0 : i32
        %dma_start3A_32 = tpu.memref_slice %arg10[%add3A_29, %dma_start3A_31] : memref<10240x128xf32, #tpu.memory_space<vmem_shared>> -> memref<128x128xf32, #tpu.memory_space<vmem_shared>>
        tpu.enqueue_dma source(%arg9 : memref<128x128xf32, #tpu.memory_space<vmem>>) target(%dma_start3A_32 : memref<128x128xf32, #tpu.memory_space<vmem_shared>>) target_semaphore(%run_scoped3A : memref<!tpu.dma_semaphore, #tpu.memory_space<semaphore_mem>>)
        %dma_wait3A = arith.constant 0 : i32
        %dma_wait3A_33 = tpu.memref_slice %arg10[%add3A_29, %dma_wait3A] : memref<10240x128xf32, #tpu.memory_space<vmem_shared>> -> memref<128x128xf32, #tpu.memory_space<vmem_shared>>
        %dma_wait3A_34 = arith.constant 0 : i32
        %dma_wait3A_35 = tpu.memref_slice %arg10[%add3A_29, %dma_wait3A_34] : memref<10240x128xf32, #tpu.memory_space<vmem_shared>> -> memref<128x128xf32, #tpu.memory_space<vmem_shared>>
        tpu.wait_dma2 semaphore(%run_scoped3A : memref<!tpu.dma_semaphore, #tpu.memory_space<semaphore_mem>>) src(%arg9 : memref<128x128xf32, #tpu.memory_space<vmem>>) dst(%dma_wait3A_35 : memref<128x128xf32, #tpu.memory_space<vmem_shared>>)
        tpu.yield
      }) : () -> ()
    }
    %scan3A_12 = arith.constant 5 : i32
    %barrier3A = arith.constant 0 : index
    tpu.barrier barrier_id(%barrier3A)
    %scan3A_13 = arith.constant 0 : i32
    %scan3A_14 = arith.constant 0 : i32
    %scan3A_15 = arith.constant 80 : i32
    %scan3A_16 = arith.addi %scan3A_14, %scan3A_15 : i32
    %scan3A_17 = arith.constant 1 : i32
    scf.for %scan3A_24 = %scan3A_14 to %scan3A_16 step %scan3A_17  : i32 {
      %mul3A_25 = arith.constant 10240 : i32
      %mul3A_26 = arith.muli %add3A, %mul3A_25 : i32
      %mul3A_27 = arith.constant 128 : i32
      %mul3A_28 = arith.muli %scan3A_24, %mul3A_27 : i32
      %add3A_29 = arith.addi %mul3A_26, %mul3A_28 : i32
      "tpu.region"() ({
        %run_scoped3A = tpu.sem_alloc : memref<!tpu.dma_semaphore, #tpu.memory_space<semaphore_mem>>
        %dma_start3A_34 = tpu.memref_slice %arg3[%add3A_29] : memref<327680xi32, #tpu.memory_space<hbm>> -> memref<128xi32, #tpu.memory_space<hbm>>
        %dma_start3A_35 = tpu.memref_slice %arg3[%add3A_29] : memref<327680xi32, #tpu.memory_space<hbm>> -> memref<128xi32, #tpu.memory_space<hbm>>
        tpu.enqueue_dma source(%dma_start3A_35 : memref<128xi32, #tpu.memory_space<hbm>>) target(%arg6 : memref<128xi32, #tpu.memory_space<vmem>>) target_semaphore(%run_scoped3A : memref<!tpu.dma_semaphore, #tpu.memory_space<semaphore_mem>>)
        %dma_wait3A_36 = tpu.memref_slice %arg3[%add3A_29] : memref<327680xi32, #tpu.memory_space<hbm>> -> memref<128xi32, #tpu.memory_space<hbm>>
        %dma_wait3A_37 = tpu.memref_slice %arg3[%add3A_29] : memref<327680xi32, #tpu.memory_space<hbm>> -> memref<128xi32, #tpu.memory_space<hbm>>
        tpu.wait_dma2 semaphore(%run_scoped3A : memref<!tpu.dma_semaphore, #tpu.memory_space<semaphore_mem>>) src(%dma_wait3A_37 : memref<128xi32, #tpu.memory_space<hbm>>) dst(%arg6 : memref<128xi32, #tpu.memory_space<vmem>>)
        tpu.yield
      }) : () -> ()
      "tpu.region"() ({
        %run_scoped3A = tpu.sem_alloc : memref<!tpu.dma_semaphore, #tpu.memory_space<semaphore_mem>>
        %dma_start3A_34 = tpu.memref_slice %arg4[%add3A_29] : memref<327680xi32, #tpu.memory_space<hbm>> -> memref<128xi32, #tpu.memory_space<hbm>>
        %dma_start3A_35 = tpu.memref_slice %arg4[%add3A_29] : memref<327680xi32, #tpu.memory_space<hbm>> -> memref<128xi32, #tpu.memory_space<hbm>>
        tpu.enqueue_dma source(%dma_start3A_35 : memref<128xi32, #tpu.memory_space<hbm>>) target(%arg7 : memref<128xi32, #tpu.memory_space<vmem>>) target_semaphore(%run_scoped3A : memref<!tpu.dma_semaphore, #tpu.memory_space<semaphore_mem>>)
        %dma_wait3A_36 = tpu.memref_slice %arg4[%add3A_29] : memref<327680xi32, #tpu.memory_space<hbm>> -> memref<128xi32, #tpu.memory_space<hbm>>
        %dma_wait3A_37 = tpu.memref_slice %arg4[%add3A_29] : memref<327680xi32, #tpu.memory_space<hbm>> -> memref<128xi32, #tpu.memory_space<hbm>>
        tpu.wait_dma2 semaphore(%run_scoped3A : memref<!tpu.dma_semaphore, #tpu.memory_space<semaphore_mem>>) src(%dma_wait3A_37 : memref<128xi32, #tpu.memory_space<hbm>>) dst(%arg7 : memref<128xi32, #tpu.memory_space<vmem>>)
        tpu.yield
      }) : () -> ()
      %dma_start3A = arith.constant 0 : i32
      %dma_start3A_30 = arith.constant 0 : i32
      %dma_start3A_31 = tpu.memref_slice %arg2[%dma_start3A, %dma_start3A_30] : memref<10240x128xf32, #tpu.memory_space<hbm>> -> memref<10240x128xf32, #tpu.memory_space<hbm>>
      tpu.enqueue_indirect_dma source(%dma_start3A_31 : memref<10240x128xf32, #tpu.memory_space<hbm>>) target(%arg8 : memref<128x128xf32, #tpu.memory_space<vmem>>) offsets(%arg6 : memref<128xi32, #tpu.memory_space<vmem>>) semaphore(%arg11 : memref<!tpu.dma_semaphore, #tpu.memory_space<semaphore_mem>>)
      %dma_wait3A = arith.constant 0 : i32
      %dma_wait3A_32 = arith.constant 0 : i32
      %dma_wait3A_33 = tpu.memref_slice %arg2[%dma_wait3A, %dma_wait3A_32] : memref<10240x128xf32, #tpu.memory_space<hbm>> -> memref<10240x128xf32, #tpu.memory_space<hbm>>
      tpu.wait_indirect_dma semaphore(%arg11 : memref<!tpu.dma_semaphore, #tpu.memory_space<semaphore_mem>>) src(%dma_wait3A_33 : memref<10240x128xf32, #tpu.memory_space<hbm>>) dst(%arg8 : memref<128x128xf32, #tpu.memory_space<vmem>>)
      "tpu.region"() ({
        %run_scoped3A = tpu.sem_alloc : memref<!tpu.dma_semaphore, #tpu.memory_space<semaphore_mem>>
        %dma_start3A_34 = arith.constant 0 : i32
        %dma_start3A_35 = arith.constant 0 : i32
        %dma_start3A_36 = tpu.memref_slice %arg10[%dma_start3A_34, %dma_start3A_35] : memref<10240x128xf32, #tpu.memory_space<vmem_shared>> -> memref<10240x128xf32, #tpu.memory_space<vmem_shared>>
        tpu.enqueue_indirect_dma source(%arg8 : memref<128x128xf32, #tpu.memory_space<vmem>>) target(%dma_start3A_36 : memref<10240x128xf32, #tpu.memory_space<vmem_shared>>) offsets(%arg7 : memref<128xi32, #tpu.memory_space<vmem>>) semaphore(%run_scoped3A : memref<!tpu.dma_semaphore, #tpu.memory_space<semaphore_mem>>) {add = true}
        %dma_wait3A_37 = arith.constant 0 : i32
        %dma_wait3A_38 = arith.constant 0 : i32
        %dma_wait3A_39 = tpu.memref_slice %arg10[%dma_wait3A_37, %dma_wait3A_38] : memref<10240x128xf32, #tpu.memory_space<vmem_shared>> -> memref<10240x128xf32, #tpu.memory_space<vmem_shared>>
        tpu.wait_indirect_dma semaphore(%run_scoped3A : memref<!tpu.dma_semaphore, #tpu.memory_space<semaphore_mem>>) src(%arg8 : memref<128x128xf32, #tpu.memory_space<vmem>>) dst(%dma_wait3A_39 : memref<10240x128xf32, #tpu.memory_space<vmem_shared>>)
        tpu.yield
      }) : () -> ()
    }
    %scan3A_18 = arith.constant 80 : i32
    %barrier3A_19 = arith.constant 0 : index
    tpu.barrier barrier_id(%barrier3A_19)
    %mul3A_20 = arith.constant 640 : i32
    %mul3A_21 = arith.muli %arg1, %mul3A_20 : i32
    %mul3A_22 = arith.constant 640 : i32
    %mul3A_23 = arith.muli %arg1, %mul3A_22 : i32
    "tpu.region"() ({
      %run_scoped3A = tpu.sem_alloc : memref<!tpu.dma_semaphore, #tpu.memory_space<semaphore_mem>>
      %dma_start3A = arith.constant 0 : i32
      %dma_start3A_24 = tpu.memref_slice %arg5[%arg0, %mul3A_23, %dma_start3A] : memref<2x10240x128xf32, #tpu.memory_space<hbm>> -> memref<1x640x128xf32, #tpu.memory_space<hbm>>
      %dma_start3A_25 = tpu.memref_squeeze %dma_start3A_24 : memref<1x640x128xf32, #tpu.memory_space<hbm>> -> memref<640x128xf32, #tpu.memory_space<hbm>>
      %dma_start3A_26 = arith.constant 0 : i32
      %dma_start3A_27 = tpu.memref_slice %arg10[%mul3A_21, %dma_start3A_26] : memref<10240x128xf32, #tpu.memory_space<vmem_shared>> -> memref<640x128xf32, #tpu.memory_space<vmem_shared>>
      tpu.enqueue_dma source(%dma_start3A_27 : memref<640x128xf32, #tpu.memory_space<vmem_shared>>) target(%dma_start3A_25 : memref<640x128xf32, #tpu.memory_space<hbm>>) target_semaphore(%run_scoped3A : memref<!tpu.dma_semaphore, #tpu.memory_space<semaphore_mem>>)
      %dma_wait3A = arith.constant 0 : i32
      %dma_wait3A_28 = tpu.memref_slice %arg5[%arg0, %mul3A_23, %dma_wait3A] : memref<2x10240x128xf32, #tpu.memory_space<hbm>> -> memref<1x640x128xf32, #tpu.memory_space<hbm>>
      %dma_wait3A_29 = tpu.memref_squeeze %dma_wait3A_28 : memref<1x640x128xf32, #tpu.memory_space<hbm>> -> memref<640x128xf32, #tpu.memory_space<hbm>>
      %dma_wait3A_30 = arith.constant 0 : i32
      %dma_wait3A_31 = tpu.memref_slice %arg10[%mul3A_21, %dma_wait3A_30] : memref<10240x128xf32, #tpu.memory_space<vmem_shared>> -> memref<640x128xf32, #tpu.memory_space<vmem_shared>>
      tpu.wait_dma2 semaphore(%run_scoped3A : memref<!tpu.dma_semaphore, #tpu.memory_space<semaphore_mem>>) src(%dma_wait3A_31 : memref<640x128xf32, #tpu.memory_space<vmem_shared>>) dst(%dma_wait3A_29 : memref<640x128xf32, #tpu.memory_space<hbm>>)
      tpu.yield
    }) : () -> ()
    return
  }
}

#map = affine_map<(d0, d1) -> (0, 0)>
#map1 = affine_map<(d0, d1) -> (0)>
module attributes {stable_mosaic.version = 14 : i64} {
  func.func @gather_kernel(%arg0: i32, %arg1: i32, %arg2: memref<10240x128xf32, #tpu.memory_space<hbm>>, %arg3: memref<3840xi32, #tpu.memory_space<hbm>>, %arg4: memref<3840x128xf32, #tpu.memory_space<hbm>>, %arg5: memref<120xi32, #tpu.memory_space<vmem>>, %arg6: memref<120x128xf32, #tpu.memory_space<vmem>>, %arg7: memref<!tpu.dma_semaphore, #tpu.memory_space<semaphore_mem>>) attributes {dimension_semantics = [#tpu.dimension_semantics<core_parallel>, #tpu.dimension_semantics<subcore_parallel>], iteration_bounds = array<i64: 2, 16>, scalar_prefetch = 0 : i64, scratch_operands = 3 : i64, tpu.core_type = #tpu.core_type<sc_vector_subcore>, window_params = [{transform_indices = #map}, {transform_indices = #map1}, {transform_indices = #map}]} {
    %mul3A = arith.constant 2 : i32
    %mul3A_0 = arith.muli %arg1, %mul3A : i32
    %add3A = arith.addi %mul3A_0, %arg0 : i32
    %mul3A_1 = arith.constant 120 : i32
    %mul3A_2 = arith.muli %add3A, %mul3A_1 : i32
    "tpu.region"() ({
      %run_scoped3A = tpu.sem_alloc : memref<!tpu.dma_semaphore, #tpu.memory_space<semaphore_mem>>
      %dma_start3A_7 = tpu.memref_slice %arg3[%mul3A_2] : memref<3840xi32, #tpu.memory_space<hbm>> -> memref<120xi32, #tpu.memory_space<hbm>>
      %dma_start3A_8 = tpu.memref_slice %arg3[%mul3A_2] : memref<3840xi32, #tpu.memory_space<hbm>> -> memref<120xi32, #tpu.memory_space<hbm>>
      tpu.enqueue_dma source(%dma_start3A_8 : memref<120xi32, #tpu.memory_space<hbm>>) target(%arg5 : memref<120xi32, #tpu.memory_space<vmem>>) target_semaphore(%run_scoped3A : memref<!tpu.dma_semaphore, #tpu.memory_space<semaphore_mem>>)
      %dma_wait3A_9 = tpu.memref_slice %arg3[%mul3A_2] : memref<3840xi32, #tpu.memory_space<hbm>> -> memref<120xi32, #tpu.memory_space<hbm>>
      %dma_wait3A_10 = tpu.memref_slice %arg3[%mul3A_2] : memref<3840xi32, #tpu.memory_space<hbm>> -> memref<120xi32, #tpu.memory_space<hbm>>
      tpu.wait_dma2 semaphore(%run_scoped3A : memref<!tpu.dma_semaphore, #tpu.memory_space<semaphore_mem>>) src(%dma_wait3A_10 : memref<120xi32, #tpu.memory_space<hbm>>) dst(%arg5 : memref<120xi32, #tpu.memory_space<vmem>>)
      tpu.yield
    }) : () -> ()
    %dma_start3A = arith.constant 0 : i32
    %dma_start3A_3 = arith.constant 0 : i32
    %dma_start3A_4 = tpu.memref_slice %arg2[%dma_start3A, %dma_start3A_3] : memref<10240x128xf32, #tpu.memory_space<hbm>> -> memref<10240x128xf32, #tpu.memory_space<hbm>>
    tpu.enqueue_indirect_dma source(%dma_start3A_4 : memref<10240x128xf32, #tpu.memory_space<hbm>>) target(%arg6 : memref<120x128xf32, #tpu.memory_space<vmem>>) offsets(%arg5 : memref<120xi32, #tpu.memory_space<vmem>>) semaphore(%arg7 : memref<!tpu.dma_semaphore, #tpu.memory_space<semaphore_mem>>)
    %dma_wait3A = arith.constant 0 : i32
    %dma_wait3A_5 = arith.constant 0 : i32
    %dma_wait3A_6 = tpu.memref_slice %arg2[%dma_wait3A, %dma_wait3A_5] : memref<10240x128xf32, #tpu.memory_space<hbm>> -> memref<10240x128xf32, #tpu.memory_space<hbm>>
    tpu.wait_indirect_dma semaphore(%arg7 : memref<!tpu.dma_semaphore, #tpu.memory_space<semaphore_mem>>) src(%dma_wait3A_6 : memref<10240x128xf32, #tpu.memory_space<hbm>>) dst(%arg6 : memref<120x128xf32, #tpu.memory_space<vmem>>)
    "tpu.region"() ({
      %run_scoped3A = tpu.sem_alloc : memref<!tpu.dma_semaphore, #tpu.memory_space<semaphore_mem>>
      %dma_start3A_7 = arith.constant 0 : i32
      %dma_start3A_8 = tpu.memref_slice %arg4[%mul3A_2, %dma_start3A_7] : memref<3840x128xf32, #tpu.memory_space<hbm>> -> memref<120x128xf32, #tpu.memory_space<hbm>>
      %dma_start3A_9 = arith.constant 0 : i32
      %dma_start3A_10 = tpu.memref_slice %arg4[%mul3A_2, %dma_start3A_9] : memref<3840x128xf32, #tpu.memory_space<hbm>> -> memref<120x128xf32, #tpu.memory_space<hbm>>
      tpu.enqueue_dma source(%arg6 : memref<120x128xf32, #tpu.memory_space<vmem>>) target(%dma_start3A_10 : memref<120x128xf32, #tpu.memory_space<hbm>>) target_semaphore(%run_scoped3A : memref<!tpu.dma_semaphore, #tpu.memory_space<semaphore_mem>>)
      %dma_wait3A_11 = arith.constant 0 : i32
      %dma_wait3A_12 = tpu.memref_slice %arg4[%mul3A_2, %dma_wait3A_11] : memref<3840x128xf32, #tpu.memory_space<hbm>> -> memref<120x128xf32, #tpu.memory_space<hbm>>
      %dma_wait3A_13 = arith.constant 0 : i32
      %dma_wait3A_14 = tpu.memref_slice %arg4[%mul3A_2, %dma_wait3A_13] : memref<3840x128xf32, #tpu.memory_space<hbm>> -> memref<120x128xf32, #tpu.memory_space<hbm>>
      tpu.wait_dma2 semaphore(%run_scoped3A : memref<!tpu.dma_semaphore, #tpu.memory_space<semaphore_mem>>) src(%arg6 : memref<120x128xf32, #tpu.memory_space<vmem>>) dst(%dma_wait3A_14 : memref<120x128xf32, #tpu.memory_space<hbm>>)
      tpu.yield
    }) : () -> ()
    return
  }
}

module attributes {stable_mosaic.version = 14 : i64} {
  func.func @_t0_body(%arg0: i32, %arg1: memref<2048x128xf32, #tpu.memory_space<vmem>>, %arg2: memref<2048x8xf32, #tpu.memory_space<vmem>>, %arg3: memref<128x128xf32, #tpu.memory_space<vmem>>, %arg4: memref<2048x128xf32, #tpu.memory_space<vmem>>) attributes {dimension_semantics = [#tpu.dimension_semantics<arbitrary>], iteration_bounds = array<i64: 5>, scalar_prefetch = 0 : i64, scratch_operands = 0 : i64, tpu.core_type = #tpu.core_type<tc>, window_params = [{transform_indices = @transform_0, window_bounds = array<i64: 2048, 128>}, {transform_indices = @transform_1, window_bounds = array<i64: 2048, 8>}, {pipeline_mode = #tpu.pipeline_mode<synchronous>, transform_indices = @transform_2, window_bounds = array<i64: 128, 128>}, {transform_indices = @transform_3, window_bounds = array<i64: 2048, 128>}]} {
    %get3A = arith.constant 0 : index
    %get3A_0 = arith.constant 0 : index
    %get3A_1 = vector.load %arg2[%get3A, %get3A_0] : memref<2048x8xf32, #tpu.memory_space<vmem>>, vector<2048x8xf32>
    %slice3A = vector.extract_strided_slice %get3A_1 {offsets = [0, 0], sizes = [2048, 1], strides = [1, 1]} : vector<2048x8xf32> to vector<2048x1xf32>
    %slice3A_2 = vector.extract_strided_slice %get3A_1 {offsets = [0, 1], sizes = [2048, 1], strides = [1, 1]} : vector<2048x8xf32> to vector<2048x1xf32>
    %add3A = arith.addf %slice3A, %slice3A_2 : vector<2048x1xf32>
    %add3A_3 = arith.constant 1.000000e+00 : f32
    %add3A_4 = vector.broadcast %add3A_3 : f32 to vector<2048x1xf32>
    %add3A_5 = arith.addf %add3A, %add3A_4 : vector<2048x1xf32>
    %rsqrt3A = math.rsqrt %add3A_5 : vector<2048x1xf32>
    %get3A_6 = arith.constant 0 : index
    %get3A_7 = arith.constant 0 : index
    %get3A_8 = vector.load %arg1[%get3A_6, %get3A_7] : memref<2048x128xf32, #tpu.memory_space<vmem>>, vector<2048x128xf32>
    %get3A_9 = arith.constant 0 : index
    %get3A_10 = arith.constant 0 : index
    %get3A_11 = vector.load %arg3[%get3A_9, %get3A_10] : memref<128x128xf32, #tpu.memory_space<vmem>>, vector<128x128xf32>
    %dot_general3A = arith.constant dense<0.000000e+00> : vector<2048x128xf32>
    %dot_general3A_12 = tpu.matmul %get3A_8, %get3A_11, %dot_general3A {dimension_numbers = #tpu.dot_dimension_numbers<[1], [0], [0], [1], [0, 0, 1, 1], [], []>, transpose_lhs_hint = false} : vector<2048x128xf32>, vector<128x128xf32>, vector<2048x128xf32> -> vector<2048x128xf32>
    %mul3A = vector.broadcast %rsqrt3A : vector<2048x1xf32> to vector<2048x128xf32>
    %mul3A_13 = arith.mulf %mul3A, %dot_general3A_12 : vector<2048x128xf32>
    %swap3A = arith.constant 0 : index
    %swap3A_14 = arith.constant 0 : index
    %swap3A_15 = vector.load %arg4[%swap3A, %swap3A_14] : memref<2048x128xf32, #tpu.memory_space<vmem>>, vector<2048x128xf32>
    tpu.vector_store %arg4[%swap3A, %swap3A_14], %mul3A_13 {strides = array<i32>} : memref<2048x128xf32, #tpu.memory_space<vmem>>, vector<2048x128xf32>,
    return
  }
  func.func @transform_0(%arg0: i32) -> (i32, i32) {
    %c0_i32 = arith.constant 0 : i32
    %c0_i32_0 = arith.constant 0 : i32
    return %arg0, %c0_i32 : i32, i32
  }
  func.func @transform_1(%arg0: i32) -> (i32, i32) {
    %c0_i32 = arith.constant 0 : i32
    %c0_i32_0 = arith.constant 0 : i32
    return %arg0, %c0_i32 : i32, i32
  }
  func.func @transform_2(%arg0: i32) -> (i32, i32) {
    %c0_i32 = arith.constant 0 : i32
    %c0_i32_0 = arith.constant 0 : i32
    %c0_i32_1 = arith.constant 0 : i32
    return %c0_i32, %c0_i32_0 : i32, i32
  }
  func.func @transform_3(%arg0: i32) -> (i32, i32) {
    %c0_i32 = arith.constant 0 : i32
    %c0_i32_0 = arith.constant 0 : i32
    return %arg0, %c0_i32 : i32, i32
  }
}

module attributes {stable_mosaic.version = 14 : i64} {
  func.func @_tmid_body(%arg0: i32, %arg1: memref<2048x128xf32, #tpu.memory_space<vmem>>, %arg2: memref<2048x128xf32, #tpu.memory_space<vmem>>, %arg3: memref<2048x128xf32, #tpu.memory_space<vmem>>, %arg4: memref<2048x8xf32, #tpu.memory_space<vmem>>, %arg5: memref<8x128xf32, #tpu.memory_space<vmem>>, %arg6: memref<128x128xf32, #tpu.memory_space<vmem>>, %arg7: memref<2048x128xf32, #tpu.memory_space<vmem>>) attributes {dimension_semantics = [#tpu.dimension_semantics<arbitrary>], iteration_bounds = array<i64: 5>, scalar_prefetch = 0 : i64, scratch_operands = 0 : i64, tpu.core_type = #tpu.core_type<tc>, window_params = [{transform_indices = @transform_0, window_bounds = array<i64: 2048, 128>}, {transform_indices = @transform_1, window_bounds = array<i64: 2048, 128>}, {transform_indices = @transform_2, window_bounds = array<i64: 2048, 128>}, {transform_indices = @transform_3, window_bounds = array<i64: 2048, 8>}, {pipeline_mode = #tpu.pipeline_mode<synchronous>, transform_indices = @transform_4, window_bounds = array<i64: 8, 128>}, {pipeline_mode = #tpu.pipeline_mode<synchronous>, transform_indices = @transform_5, window_bounds = array<i64: 128, 128>}, {transform_indices = @transform_6, window_bounds = array<i64: 2048, 128>}]} {
    %get3A = arith.constant 0 : index
    %get3A_0 = arith.constant 0 : index
    %get3A_1 = vector.load %arg4[%get3A, %get3A_0] : memref<2048x8xf32, #tpu.memory_space<vmem>>, vector<2048x8xf32>
    %slice3A = vector.extract_strided_slice %get3A_1 {offsets = [0, 0], sizes = [2048, 1], strides = [1, 1]} : vector<2048x8xf32> to vector<2048x1xf32>
    %slice3A_2 = vector.extract_strided_slice %get3A_1 {offsets = [0, 1], sizes = [2048, 1], strides = [1, 1]} : vector<2048x8xf32> to vector<2048x1xf32>
    %add3A = arith.addf %slice3A, %slice3A_2 : vector<2048x1xf32>
    %add3A_3 = arith.constant 1.000000e+00 : f32
    %add3A_4 = vector.broadcast %add3A_3 : f32 to vector<2048x1xf32>
    %add3A_5 = arith.addf %add3A, %add3A_4 : vector<2048x1xf32>
    %rsqrt3A = math.rsqrt %add3A_5 : vector<2048x1xf32>
    %get3A_6 = arith.constant 0 : index
    %get3A_7 = arith.constant 0 : index
    %get3A_8 = vector.load %arg1[%get3A_6, %get3A_7] : memref<2048x128xf32, #tpu.memory_space<vmem>>, vector<2048x128xf32>
    %get3A_9 = arith.constant 0 : index
    %get3A_10 = arith.constant 0 : index
    %get3A_11 = vector.load %arg2[%get3A_9, %get3A_10] : memref<2048x128xf32, #tpu.memory_space<vmem>>, vector<2048x128xf32>
    %add3A_12 = arith.addf %get3A_8, %get3A_11 : vector<2048x128xf32>
    %get3A_13 = arith.constant 0 : index
    %get3A_14 = arith.constant 0 : index
    %get3A_15 = vector.load %arg3[%get3A_13, %get3A_14] : memref<2048x128xf32, #tpu.memory_space<vmem>>, vector<2048x128xf32>
    %add3A_16 = arith.addf %add3A_12, %get3A_15 : vector<2048x128xf32>
    %mul3A = vector.broadcast %rsqrt3A : vector<2048x1xf32> to vector<2048x128xf32>
    %mul3A_17 = arith.mulf %mul3A, %add3A_16 : vector<2048x128xf32>
    %get3A_18 = arith.constant 0 : index
    %get3A_19 = arith.constant 0 : index
    %get3A_20 = vector.load %arg5[%get3A_18, %get3A_19] : memref<8x128xf32, #tpu.memory_space<vmem>>, vector<1x128xf32>
    %add3A_21 = vector.broadcast %get3A_20 : vector<1x128xf32> to vector<2048x128xf32>
    %add3A_22 = arith.addf %mul3A_17, %add3A_21 : vector<2048x128xf32>
    %max3A = arith.constant 0.000000e+00 : f32
    %max3A_23 = vector.broadcast %max3A : f32 to vector<2048x128xf32>
    %max3A_24 = arith.maximumf %add3A_22, %max3A_23 : vector<2048x128xf32>
    %get3A_25 = arith.constant 0 : index
    %get3A_26 = arith.constant 0 : index
    %get3A_27 = vector.load %arg6[%get3A_25, %get3A_26] : memref<128x128xf32, #tpu.memory_space<vmem>>, vector<128x128xf32>
    %dot_general3A = arith.constant dense<0.000000e+00> : vector<2048x128xf32>
    %dot_general3A_28 = tpu.matmul %max3A_24, %get3A_27, %dot_general3A {dimension_numbers = #tpu.dot_dimension_numbers<[1], [0], [0], [1], [0, 0, 1, 1], [], []>, transpose_lhs_hint = false} : vector<2048x128xf32>, vector<128x128xf32>, vector<2048x128xf32> -> vector<2048x128xf32>
    %mul3A_29 = vector.broadcast %rsqrt3A : vector<2048x1xf32> to vector<2048x128xf32>
    %mul3A_30 = arith.mulf %mul3A_29, %dot_general3A_28 : vector<2048x128xf32>
    %swap3A = arith.constant 0 : index
    %swap3A_31 = arith.constant 0 : index
    %swap3A_32 = vector.load %arg7[%swap3A, %swap3A_31] : memref<2048x128xf32, #tpu.memory_space<vmem>>, vector<2048x128xf32>
    tpu.vector_store %arg7[%swap3A, %swap3A_31], %mul3A_30 {strides = array<i32>} : memref<2048x128xf32, #tpu.memory_space<vmem>>, vector<2048x128xf32>,
    return
  }
  func.func @transform_0(%arg0: i32) -> (i32, i32) {
    %c0_i32 = arith.constant 0 : i32
    %c0_i32_0 = arith.constant 0 : i32
    return %arg0, %c0_i32 : i32, i32
  }
  func.func @transform_1(%arg0: i32) -> (i32, i32) {
    %c0_i32 = arith.constant 0 : i32
    %c0_i32_0 = arith.constant 0 : i32
    return %arg0, %c0_i32 : i32, i32
  }
  func.func @transform_2(%arg0: i32) -> (i32, i32) {
    %c0_i32 = arith.constant 0 : i32
    %c0_i32_0 = arith.constant 0 : i32
    return %arg0, %c0_i32 : i32, i32
  }
  func.func @transform_3(%arg0: i32) -> (i32, i32) {
    %c0_i32 = arith.constant 0 : i32
    %c0_i32_0 = arith.constant 0 : i32
    return %arg0, %c0_i32 : i32, i32
  }
  func.func @transform_4(%arg0: i32) -> (i32, i32) {
    %c0_i32 = arith.constant 0 : i32
    %c0_i32_0 = arith.constant 0 : i32
    %c0_i32_1 = arith.constant 0 : i32
    return %c0_i32, %c0_i32_0 : i32, i32
  }
  func.func @transform_5(%arg0: i32) -> (i32, i32) {
    %c0_i32 = arith.constant 0 : i32
    %c0_i32_0 = arith.constant 0 : i32
    %c0_i32_1 = arith.constant 0 : i32
    return %c0_i32, %c0_i32_0 : i32, i32
  }
  func.func @transform_6(%arg0: i32) -> (i32, i32) {
    %c0_i32 = arith.constant 0 : i32
    %c0_i32_0 = arith.constant 0 : i32
    return %arg0, %c0_i32 : i32, i32
  }
}

module attributes {stable_mosaic.version = 14 : i64} {
  func.func @_tlast_body(%arg0: i32, %arg1: memref<2048x128xf32, #tpu.memory_space<vmem>>, %arg2: memref<2048x128xf32, #tpu.memory_space<vmem>>, %arg3: memref<2048x128xf32, #tpu.memory_space<vmem>>, %arg4: memref<2048x8xf32, #tpu.memory_space<vmem>>, %arg5: memref<8x128xf32, #tpu.memory_space<vmem>>, %arg6: memref<2048x128xf32, #tpu.memory_space<vmem>>) attributes {dimension_semantics = [#tpu.dimension_semantics<arbitrary>], iteration_bounds = array<i64: 5>, scalar_prefetch = 0 : i64, scratch_operands = 0 : i64, tpu.core_type = #tpu.core_type<tc>, window_params = [{transform_indices = @transform_0, window_bounds = array<i64: 2048, 128>}, {transform_indices = @transform_1, window_bounds = array<i64: 2048, 128>}, {transform_indices = @transform_2, window_bounds = array<i64: 2048, 128>}, {transform_indices = @transform_3, window_bounds = array<i64: 2048, 8>}, {pipeline_mode = #tpu.pipeline_mode<synchronous>, transform_indices = @transform_4, window_bounds = array<i64: 8, 128>}, {transform_indices = @transform_5, window_bounds = array<i64: 2048, 128>}]} {
    %get3A = arith.constant 0 : index
    %get3A_0 = arith.constant 0 : index
    %get3A_1 = vector.load %arg4[%get3A, %get3A_0] : memref<2048x8xf32, #tpu.memory_space<vmem>>, vector<2048x8xf32>
    %slice3A = vector.extract_strided_slice %get3A_1 {offsets = [0, 0], sizes = [2048, 1], strides = [1, 1]} : vector<2048x8xf32> to vector<2048x1xf32>
    %slice3A_2 = vector.extract_strided_slice %get3A_1 {offsets = [0, 1], sizes = [2048, 1], strides = [1, 1]} : vector<2048x8xf32> to vector<2048x1xf32>
    %add3A = arith.addf %slice3A, %slice3A_2 : vector<2048x1xf32>
    %add3A_3 = arith.constant 1.000000e+00 : f32
    %add3A_4 = vector.broadcast %add3A_3 : f32 to vector<2048x1xf32>
    %add3A_5 = arith.addf %add3A, %add3A_4 : vector<2048x1xf32>
    %rsqrt3A = math.rsqrt %add3A_5 : vector<2048x1xf32>
    %get3A_6 = arith.constant 0 : index
    %get3A_7 = arith.constant 0 : index
    %get3A_8 = vector.load %arg1[%get3A_6, %get3A_7] : memref<2048x128xf32, #tpu.memory_space<vmem>>, vector<2048x128xf32>
    %get3A_9 = arith.constant 0 : index
    %get3A_10 = arith.constant 0 : index
    %get3A_11 = vector.load %arg2[%get3A_9, %get3A_10] : memref<2048x128xf32, #tpu.memory_space<vmem>>, vector<2048x128xf32>
    %add3A_12 = arith.addf %get3A_8, %get3A_11 : vector<2048x128xf32>
    %get3A_13 = arith.constant 0 : index
    %get3A_14 = arith.constant 0 : index
    %get3A_15 = vector.load %arg3[%get3A_13, %get3A_14] : memref<2048x128xf32, #tpu.memory_space<vmem>>, vector<2048x128xf32>
    %add3A_16 = arith.addf %add3A_12, %get3A_15 : vector<2048x128xf32>
    %mul3A = vector.broadcast %rsqrt3A : vector<2048x1xf32> to vector<2048x128xf32>
    %mul3A_17 = arith.mulf %mul3A, %add3A_16 : vector<2048x128xf32>
    %get3A_18 = arith.constant 0 : index
    %get3A_19 = arith.constant 0 : index
    %get3A_20 = vector.load %arg5[%get3A_18, %get3A_19] : memref<8x128xf32, #tpu.memory_space<vmem>>, vector<1x128xf32>
    %add3A_21 = vector.broadcast %get3A_20 : vector<1x128xf32> to vector<2048x128xf32>
    %add3A_22 = arith.addf %mul3A_17, %add3A_21 : vector<2048x128xf32>
    %max3A = arith.constant 0.000000e+00 : f32
    %max3A_23 = vector.broadcast %max3A : f32 to vector<2048x128xf32>
    %max3A_24 = arith.maximumf %add3A_22, %max3A_23 : vector<2048x128xf32>
    %swap3A = arith.constant 0 : index
    %swap3A_25 = arith.constant 0 : index
    %swap3A_26 = vector.load %arg6[%swap3A, %swap3A_25] : memref<2048x128xf32, #tpu.memory_space<vmem>>, vector<2048x128xf32>
    tpu.vector_store %arg6[%swap3A, %swap3A_25], %max3A_24 {strides = array<i32>} : memref<2048x128xf32, #tpu.memory_space<vmem>>, vector<2048x128xf32>,
    return
  }
  func.func @transform_0(%arg0: i32) -> (i32, i32) {
    %c0_i32 = arith.constant 0 : i32
    %c0_i32_0 = arith.constant 0 : i32
    return %arg0, %c0_i32 : i32, i32
  }
  func.func @transform_1(%arg0: i32) -> (i32, i32) {
    %c0_i32 = arith.constant 0 : i32
    %c0_i32_0 = arith.constant 0 : i32
    return %arg0, %c0_i32 : i32, i32
  }
  func.func @transform_2(%arg0: i32) -> (i32, i32) {
    %c0_i32 = arith.constant 0 : i32
    %c0_i32_0 = arith.constant 0 : i32
    return %arg0, %c0_i32 : i32, i32
  }
  func.func @transform_3(%arg0: i32) -> (i32, i32) {
    %c0_i32 = arith.constant 0 : i32
    %c0_i32_0 = arith.constant 0 : i32
    return %arg0, %c0_i32 : i32, i32
  }
  func.func @transform_4(%arg0: i32) -> (i32, i32) {
    %c0_i32 = arith.constant 0 : i32
    %c0_i32_0 = arith.constant 0 : i32
    %c0_i32_1 = arith.constant 0 : i32
    return %c0_i32, %c0_i32_0 : i32, i32
  }
  func.func @transform_5(%arg0: i32) -> (i32, i32) {
    %c0_i32 = arith.constant 0 : i32
    %c0_i32_0 = arith.constant 0 : i32
    return %arg0, %c0_i32 : i32, i32
  }
}

module attributes {stable_mosaic.version = 14 : i64} {
  func.func @_topk_body(%arg0: memref<10240x8xf32, #tpu.memory_space<vmem>>, %arg1: memref<10240x8xi32, #tpu.memory_space<vmem>>, %arg2: memref<32x128xi32, #tpu.memory_space<vmem>>, %arg3: memref<10240x128xf32, #tpu.memory_space<vmem>>) attributes {dimension_semantics = [], scalar_prefetch = 0 : i64, scratch_operands = 1 : i64, tpu.core_type = #tpu.core_type<tc>} {
    %iota3A = tpu.iota {dimensions = array<i32: 1>} : vector<10240x128xi32>
    %iota3A_0 = tpu.iota {dimensions = array<i32: 0>} : vector<10240x128xi32>
    %get3A = arith.constant 0 : index
    %get3A_1 = arith.constant 7 : index
    %get3A_2 = vector.load %arg0[%get3A, %get3A_1] : memref<10240x8xf32, #tpu.memory_space<vmem>>, vector<10240x1xf32>
    %get3A_3 = arith.constant 0 : index
    %get3A_4 = arith.constant 7 : index
    %get3A_5 = vector.load %arg1[%get3A_3, %get3A_4] : memref<10240x8xi32, #tpu.memory_space<vmem>>, vector<10240x1xi32>
    %eq3A = vector.broadcast %get3A_5 : vector<10240x1xi32> to vector<10240x128xi32>
    %eq3A_6 = arith.cmpi eq, %eq3A, %iota3A : vector<10240x128xi32>
    %jit3A = arith.constant -1.000000e+30 : f32
    %broadcast_in_dim3A = vector.shape_cast %get3A_2 : vector<10240x1xf32> to vector<10240x1xf32>
    %broadcast_in_dim3A_7 = vector.broadcast %broadcast_in_dim3A : vector<10240x1xf32> to vector<10240x128xf32>
    %broadcast_in_dim3A_8 = vector.broadcast %jit3A : f32 to vector<10240x128xf32>
    %select_n3A = arith.select %eq3A_6, %broadcast_in_dim3A_7, %broadcast_in_dim3A_8 : vector<10240x128xi1>, vector<10240x128xf32>
    %swap3A = arith.constant 0 : index
    %swap3A_9 = arith.constant 0 : index
    %swap3A_10 = vector.load %arg3[%swap3A, %swap3A_9] : memref<10240x128xf32, #tpu.memory_space<vmem>>, vector<10240x128xf32>
    tpu.vector_store %arg3[%swap3A, %swap3A_9], %select_n3A {strides = array<i32>} : memref<10240x128xf32, #tpu.memory_space<vmem>>, vector<10240x128xf32>,
    %scan3A = arith.constant 0 : i32
    %scan3A_11 = arith.constant 32 : i32
    %scan3A_12 = arith.addi %scan3A, %scan3A_11 : i32
    %scan3A_13 = arith.constant 1 : i32
    scf.for %scan3A_15 = %scan3A to %scan3A_12 step %scan3A_13  : i32 {
      %get3A_16 = arith.constant 0 : index
      %get3A_17 = arith.constant 0 : index
      %get3A_18 = vector.load %arg3[%get3A_16, %get3A_17] : memref<10240x128xf32, #tpu.memory_space<vmem>>, vector<10240x128xf32>
      %reduce_max3A = arith.constant dense<0xFF800000> : vector<128xf32>
      %reduce_max3A_19 = vector.multi_reduction <maximumf>, %get3A_18, %reduce_max3A [0] : vector<10240x128xf32> to vector<128xf32>
      %broadcast_in_dim3A_20 = vector.shape_cast %reduce_max3A_19 : vector<128xf32> to vector<1x128xf32>
      %eq3A_21 = vector.broadcast %broadcast_in_dim3A_20 : vector<1x128xf32> to vector<10240x128xf32>
      %eq3A_22 = arith.cmpf oeq, %get3A_18, %eq3A_21 : vector<10240x128xf32>
      %jit3A_23 = arith.constant 1073741824 : i32
      %broadcast_in_dim3A_24 = vector.broadcast %jit3A_23 : i32 to vector<10240x128xi32>
      %select_n3A_25 = arith.select %eq3A_22, %iota3A_0, %broadcast_in_dim3A_24 : vector<10240x128xi1>, vector<10240x128xi32>
      %reduce_min3A = arith.constant dense<2147483647> : vector<128xi32>
      %reduce_min3A_26 = vector.multi_reduction <minsi>, %select_n3A_25, %reduce_min3A [0] : vector<10240x128xi32> to vector<128xi32>
      %broadcast_in_dim3A_27 = vector.shape_cast %reduce_min3A_26 : vector<128xi32> to vector<1x128xi32>
      %gt3A = arith.constant -1.000000e+20 : f32
      %gt3A_28 = vector.broadcast %gt3A : f32 to vector<1x128xf32>
      %gt3A_29 = arith.cmpf ogt, %broadcast_in_dim3A_20, %gt3A_28 : vector<1x128xf32>
      %jit3A_30 = arith.constant 10239 : i32
      %broadcast_in_dim3A_31 = vector.broadcast %jit3A_30 : i32 to vector<1x128xi32>
      %select_n3A_32 = arith.select %gt3A_29, %broadcast_in_dim3A_27, %broadcast_in_dim3A_31 : vector<1x128xi1>, vector<1x128xi32>
      %swap3A_33 = arith.index_cast %scan3A_15 : i32 to index
      %swap3A_34 = arith.constant 0 : index
      %swap3A_35 = vector.load %arg2[%swap3A_33, %swap3A_34] : memref<32x128xi32, #tpu.memory_space<vmem>>, vector<1x128xi32>
      tpu.vector_store %arg2[%swap3A_33, %swap3A_34], %select_n3A_32 {strides = array<i32>} : memref<32x128xi32, #tpu.memory_space<vmem>>, vector<1x128xi32>,
      %eq3A_36 = vector.broadcast %broadcast_in_dim3A_27 : vector<1x128xi32> to vector<10240x128xi32>
      %eq3A_37 = arith.cmpi eq, %iota3A_0, %eq3A_36 : vector<10240x128xi32>
      %jit3A_38 = arith.constant -1.000000e+30 : f32
      %broadcast_in_dim3A_39 = vector.broadcast %jit3A_38 : f32 to vector<10240x128xf32>
      %select_n3A_40 = arith.select %eq3A_37, %broadcast_in_dim3A_39, %get3A_18 : vector<10240x128xi1>, vector<10240x128xf32>
      %swap3A_41 = arith.constant 0 : index
      %swap3A_42 = arith.constant 0 : index
      %swap3A_43 = vector.load %arg3[%swap3A_41, %swap3A_42] : memref<10240x128xf32, #tpu.memory_space<vmem>>, vector<10240x128xf32>
      tpu.vector_store %arg3[%swap3A_41, %swap3A_42], %select_n3A_40 {strides = array<i32>} : memref<10240x128xf32, #tpu.memory_space<vmem>>, vector<10240x128xf32>,
    }
    %scan3A_14 = arith.constant 32 : i32
    return
  }
}

module attributes {stable_mosaic.version = 14 : i64} {
  func.func @_head_body(%arg0: memref<128x3840xf32, #tpu.memory_space<vmem>>, %arg1: memref<640x32xf32, #tpu.memory_space<vmem>>, %arg2: memref<8x32xf32, #tpu.memory_space<vmem>>, %arg3: memref<832x128xf32, #tpu.memory_space<vmem>>, %arg4: memref<8x128xf32, #tpu.memory_space<vmem>>, %arg5: memref<128x128xf32, #tpu.memory_space<vmem>>, %arg6: memref<8x128xf32, #tpu.memory_space<vmem>>, %arg7: memref<128x128xf32, #tpu.memory_space<vmem>>) attributes {dimension_semantics = [], scalar_prefetch = 0 : i64, scratch_operands = 0 : i64, tpu.core_type = #tpu.core_type<tc>} {
    %get3A = arith.constant 0 : index
    %get3A_0 = arith.constant 0 : index
    %get3A_1 = vector.load %arg0[%get3A, %get3A_0] : memref<128x3840xf32, #tpu.memory_space<vmem>>, vector<128x640xf32>
    %get3A_2 = arith.constant 0 : index
    %get3A_3 = arith.constant 0 : index
    %get3A_4 = vector.load %arg1[%get3A_2, %get3A_3] : memref<640x32xf32, #tpu.memory_space<vmem>>, vector<640x32xf32>
    %dot_general3A = arith.constant dense<0.000000e+00> : vector<128x32xf32>
    %dot_general3A_5 = tpu.matmul %get3A_1, %get3A_4, %dot_general3A {dimension_numbers = #tpu.dot_dimension_numbers<[1], [0], [0], [1], [0, 0, 1, 1], [], []>, transpose_lhs_hint = false} : vector<128x640xf32>, vector<640x32xf32>, vector<128x32xf32> -> vector<128x32xf32>
    %get3A_6 = arith.constant 0 : index
    %get3A_7 = arith.constant 0 : index
    %get3A_8 = vector.load %arg2[%get3A_6, %get3A_7] : memref<8x32xf32, #tpu.memory_space<vmem>>, vector<1x32xf32>
    %add3A = vector.broadcast %get3A_8 : vector<1x32xf32> to vector<128x32xf32>
    %add3A_9 = arith.addf %dot_general3A_5, %add3A : vector<128x32xf32>
    %max3A = arith.constant 0.000000e+00 : f32
    %max3A_10 = vector.broadcast %max3A : f32 to vector<128x32xf32>
    %max3A_11 = arith.maximumf %add3A_9, %max3A_10 : vector<128x32xf32>
    %get3A_12 = arith.constant 0 : index
    %get3A_13 = arith.constant 128 : index
    %get3A_14 = vector.load %arg0[%get3A_12, %get3A_13] : memref<128x3840xf32, #tpu.memory_space<vmem>>, vector<128x640xf32>
    %get3A_15 = arith.constant 0 : index
    %get3A_16 = arith.constant 0 : index
    %get3A_17 = vector.load %arg1[%get3A_15, %get3A_16] : memref<640x32xf32, #tpu.memory_space<vmem>>, vector<640x32xf32>
    %dot_general3A_18 = arith.constant dense<0.000000e+00> : vector<128x32xf32>
    %dot_general3A_19 = tpu.matmul %get3A_14, %get3A_17, %dot_general3A_18 {dimension_numbers = #tpu.dot_dimension_numbers<[1], [0], [0], [1], [0, 0, 1, 1], [], []>, transpose_lhs_hint = false} : vector<128x640xf32>, vector<640x32xf32>, vector<128x32xf32> -> vector<128x32xf32>
    %get3A_20 = arith.constant 0 : index
    %get3A_21 = arith.constant 0 : index
    %get3A_22 = vector.load %arg2[%get3A_20, %get3A_21] : memref<8x32xf32, #tpu.memory_space<vmem>>, vector<1x32xf32>
    %add3A_23 = vector.broadcast %get3A_22 : vector<1x32xf32> to vector<128x32xf32>
    %add3A_24 = arith.addf %dot_general3A_19, %add3A_23 : vector<128x32xf32>
    %max3A_25 = arith.constant 0.000000e+00 : f32
    %max3A_26 = vector.broadcast %max3A_25 : f32 to vector<128x32xf32>
    %max3A_27 = arith.maximumf %add3A_24, %max3A_26 : vector<128x32xf32>
    %get3A_28 = arith.constant 0 : index
    %get3A_29 = arith.constant 256 : index
    %get3A_30 = vector.load %arg0[%get3A_28, %get3A_29] : memref<128x3840xf32, #tpu.memory_space<vmem>>, vector<128x640xf32>
    %get3A_31 = arith.constant 0 : index
    %get3A_32 = arith.constant 0 : index
    %get3A_33 = vector.load %arg1[%get3A_31, %get3A_32] : memref<640x32xf32, #tpu.memory_space<vmem>>, vector<640x32xf32>
    %dot_general3A_34 = arith.constant dense<0.000000e+00> : vector<128x32xf32>
    %dot_general3A_35 = tpu.matmul %get3A_30, %get3A_33, %dot_general3A_34 {dimension_numbers = #tpu.dot_dimension_numbers<[1], [0], [0], [1], [0, 0, 1, 1], [], []>, transpose_lhs_hint = false} : vector<128x640xf32>, vector<640x32xf32>, vector<128x32xf32> -> vector<128x32xf32>
    %get3A_36 = arith.constant 0 : index
    %get3A_37 = arith.constant 0 : index
    %get3A_38 = vector.load %arg2[%get3A_36, %get3A_37] : memref<8x32xf32, #tpu.memory_space<vmem>>, vector<1x32xf32>
    %add3A_39 = vector.broadcast %get3A_38 : vector<1x32xf32> to vector<128x32xf32>
    %add3A_40 = arith.addf %dot_general3A_35, %add3A_39 : vector<128x32xf32>
    %max3A_41 = arith.constant 0.000000e+00 : f32
    %max3A_42 = vector.broadcast %max3A_41 : f32 to vector<128x32xf32>
    %max3A_43 = arith.maximumf %add3A_40, %max3A_42 : vector<128x32xf32>
    %get3A_44 = arith.constant 0 : index
    %get3A_45 = arith.constant 384 : index
    %get3A_46 = vector.load %arg0[%get3A_44, %get3A_45] : memref<128x3840xf32, #tpu.memory_space<vmem>>, vector<128x640xf32>
    %get3A_47 = arith.constant 0 : index
    %get3A_48 = arith.constant 0 : index
    %get3A_49 = vector.load %arg1[%get3A_47, %get3A_48] : memref<640x32xf32, #tpu.memory_space<vmem>>, vector<640x32xf32>
    %dot_general3A_50 = arith.constant dense<0.000000e+00> : vector<128x32xf32>
    %dot_general3A_51 = tpu.matmul %get3A_46, %get3A_49, %dot_general3A_50 {dimension_numbers = #tpu.dot_dimension_numbers<[1], [0], [0], [1], [0, 0, 1, 1], [], []>, transpose_lhs_hint = false} : vector<128x640xf32>, vector<640x32xf32>, vector<128x32xf32> -> vector<128x32xf32>
    %get3A_52 = arith.constant 0 : index
    %get3A_53 = arith.constant 0 : index
    %get3A_54 = vector.load %arg2[%get3A_52, %get3A_53] : memref<8x32xf32, #tpu.memory_space<vmem>>, vector<1x32xf32>
    %add3A_55 = vector.broadcast %get3A_54 : vector<1x32xf32> to vector<128x32xf32>
    %add3A_56 = arith.addf %dot_general3A_51, %add3A_55 : vector<128x32xf32>
    %max3A_57 = arith.constant 0.000000e+00 : f32
    %max3A_58 = vector.broadcast %max3A_57 : f32 to vector<128x32xf32>
    %max3A_59 = arith.maximumf %add3A_56, %max3A_58 : vector<128x32xf32>
    %get3A_60 = arith.constant 0 : index
    %get3A_61 = arith.constant 512 : index
    %get3A_62 = vector.load %arg0[%get3A_60, %get3A_61] : memref<128x3840xf32, #tpu.memory_space<vmem>>, vector<128x640xf32>
    %get3A_63 = arith.constant 0 : index
    %get3A_64 = arith.constant 0 : index
    %get3A_65 = vector.load %arg1[%get3A_63, %get3A_64] : memref<640x32xf32, #tpu.memory_space<vmem>>, vector<640x32xf32>
    %dot_general3A_66 = arith.constant dense<0.000000e+00> : vector<128x32xf32>
    %dot_general3A_67 = tpu.matmul %get3A_62, %get3A_65, %dot_general3A_66 {dimension_numbers = #tpu.dot_dimension_numbers<[1], [0], [0], [1], [0, 0, 1, 1], [], []>, transpose_lhs_hint = false} : vector<128x640xf32>, vector<640x32xf32>, vector<128x32xf32> -> vector<128x32xf32>
    %get3A_68 = arith.constant 0 : index
    %get3A_69 = arith.constant 0 : index
    %get3A_70 = vector.load %arg2[%get3A_68, %get3A_69] : memref<8x32xf32, #tpu.memory_space<vmem>>, vector<1x32xf32>
    %add3A_71 = vector.broadcast %get3A_70 : vector<1x32xf32> to vector<128x32xf32>
    %add3A_72 = arith.addf %dot_general3A_67, %add3A_71 : vector<128x32xf32>
    %max3A_73 = arith.constant 0.000000e+00 : f32
    %max3A_74 = vector.broadcast %max3A_73 : f32 to vector<128x32xf32>
    %max3A_75 = arith.maximumf %add3A_72, %max3A_74 : vector<128x32xf32>
    %get3A_76 = arith.constant 0 : index
    %get3A_77 = arith.constant 640 : index
    %get3A_78 = vector.load %arg0[%get3A_76, %get3A_77] : memref<128x3840xf32, #tpu.memory_space<vmem>>, vector<128x640xf32>
    %get3A_79 = arith.constant 0 : index
    %get3A_80 = arith.constant 0 : index
    %get3A_81 = vector.load %arg1[%get3A_79, %get3A_80] : memref<640x32xf32, #tpu.memory_space<vmem>>, vector<640x32xf32>
    %dot_general3A_82 = arith.constant dense<0.000000e+00> : vector<128x32xf32>
    %dot_general3A_83 = tpu.matmul %get3A_78, %get3A_81, %dot_general3A_82 {dimension_numbers = #tpu.dot_dimension_numbers<[1], [0], [0], [1], [0, 0, 1, 1], [], []>, transpose_lhs_hint = false} : vector<128x640xf32>, vector<640x32xf32>, vector<128x32xf32> -> vector<128x32xf32>
    %get3A_84 = arith.constant 0 : index
    %get3A_85 = arith.constant 0 : index
    %get3A_86 = vector.load %arg2[%get3A_84, %get3A_85] : memref<8x32xf32, #tpu.memory_space<vmem>>, vector<1x32xf32>
    %add3A_87 = vector.broadcast %get3A_86 : vector<1x32xf32> to vector<128x32xf32>
    %add3A_88 = arith.addf %dot_general3A_83, %add3A_87 : vector<128x32xf32>
    %max3A_89 = arith.constant 0.000000e+00 : f32
    %max3A_90 = vector.broadcast %max3A_89 : f32 to vector<128x32xf32>
    %max3A_91 = arith.maximumf %add3A_88, %max3A_90 : vector<128x32xf32>
    %get3A_92 = arith.constant 0 : index
    %get3A_93 = arith.constant 768 : index
    %get3A_94 = vector.load %arg0[%get3A_92, %get3A_93] : memref<128x3840xf32, #tpu.memory_space<vmem>>, vector<128x640xf32>
    %get3A_95 = arith.constant 0 : index
    %get3A_96 = arith.constant 0 : index
    %get3A_97 = vector.load %arg1[%get3A_95, %get3A_96] : memref<640x32xf32, #tpu.memory_space<vmem>>, vector<640x32xf32>
    %dot_general3A_98 = arith.constant dense<0.000000e+00> : vector<128x32xf32>
    %dot_general3A_99 = tpu.matmul %get3A_94, %get3A_97, %dot_general3A_98 {dimension_numbers = #tpu.dot_dimension_numbers<[1], [0], [0], [1], [0, 0, 1, 1], [], []>, transpose_lhs_hint = false} : vector<128x640xf32>, vector<640x32xf32>, vector<128x32xf32> -> vector<128x32xf32>
    %get3A_100 = arith.constant 0 : index
    %get3A_101 = arith.constant 0 : index
    %get3A_102 = vector.load %arg2[%get3A_100, %get3A_101] : memref<8x32xf32, #tpu.memory_space<vmem>>, vector<1x32xf32>
    %add3A_103 = vector.broadcast %get3A_102 : vector<1x32xf32> to vector<128x32xf32>
    %add3A_104 = arith.addf %dot_general3A_99, %add3A_103 : vector<128x32xf32>
    %max3A_105 = arith.constant 0.000000e+00 : f32
    %max3A_106 = vector.broadcast %max3A_105 : f32 to vector<128x32xf32>
    %max3A_107 = arith.maximumf %add3A_104, %max3A_106 : vector<128x32xf32>
    %get3A_108 = arith.constant 0 : index
    %get3A_109 = arith.constant 896 : index
    %get3A_110 = vector.load %arg0[%get3A_108, %get3A_109] : memref<128x3840xf32, #tpu.memory_space<vmem>>, vector<128x640xf32>
    %get3A_111 = arith.constant 0 : index
    %get3A_112 = arith.constant 0 : index
    %get3A_113 = vector.load %arg1[%get3A_111, %get3A_112] : memref<640x32xf32, #tpu.memory_space<vmem>>, vector<640x32xf32>
    %dot_general3A_114 = arith.constant dense<0.000000e+00> : vector<128x32xf32>
    %dot_general3A_115 = tpu.matmul %get3A_110, %get3A_113, %dot_general3A_114 {dimension_numbers = #tpu.dot_dimension_numbers<[1], [0], [0], [1], [0, 0, 1, 1], [], []>, transpose_lhs_hint = false} : vector<128x640xf32>, vector<640x32xf32>, vector<128x32xf32> -> vector<128x32xf32>
    %get3A_116 = arith.constant 0 : index
    %get3A_117 = arith.constant 0 : index
    %get3A_118 = vector.load %arg2[%get3A_116, %get3A_117] : memref<8x32xf32, #tpu.memory_space<vmem>>, vector<1x32xf32>
    %add3A_119 = vector.broadcast %get3A_118 : vector<1x32xf32> to vector<128x32xf32>
    %add3A_120 = arith.addf %dot_general3A_115, %add3A_119 : vector<128x32xf32>
    %max3A_121 = arith.constant 0.000000e+00 : f32
    %max3A_122 = vector.broadcast %max3A_121 : f32 to vector<128x32xf32>
    %max3A_123 = arith.maximumf %add3A_120, %max3A_122 : vector<128x32xf32>
    %get3A_124 = arith.constant 0 : index
    %get3A_125 = arith.constant 1024 : index
    %get3A_126 = vector.load %arg0[%get3A_124, %get3A_125] : memref<128x3840xf32, #tpu.memory_space<vmem>>, vector<128x640xf32>
    %get3A_127 = arith.constant 0 : index
    %get3A_128 = arith.constant 0 : index
    %get3A_129 = vector.load %arg1[%get3A_127, %get3A_128] : memref<640x32xf32, #tpu.memory_space<vmem>>, vector<640x32xf32>
    %dot_general3A_130 = arith.constant dense<0.000000e+00> : vector<128x32xf32>
    %dot_general3A_131 = tpu.matmul %get3A_126, %get3A_129, %dot_general3A_130 {dimension_numbers = #tpu.dot_dimension_numbers<[1], [0], [0], [1], [0, 0, 1, 1], [], []>, transpose_lhs_hint = false} : vector<128x640xf32>, vector<640x32xf32>, vector<128x32xf32> -> vector<128x32xf32>
    %get3A_132 = arith.constant 0 : index
    %get3A_133 = arith.constant 0 : index
    %get3A_134 = vector.load %arg2[%get3A_132, %get3A_133] : memref<8x32xf32, #tpu.memory_space<vmem>>, vector<1x32xf32>
    %add3A_135 = vector.broadcast %get3A_134 : vector<1x32xf32> to vector<128x32xf32>
    %add3A_136 = arith.addf %dot_general3A_131, %add3A_135 : vector<128x32xf32>
    %max3A_137 = arith.constant 0.000000e+00 : f32
    %max3A_138 = vector.broadcast %max3A_137 : f32 to vector<128x32xf32>
    %max3A_139 = arith.maximumf %add3A_136, %max3A_138 : vector<128x32xf32>
    %get3A_140 = arith.constant 0 : index
    %get3A_141 = arith.constant 1152 : index
    %get3A_142 = vector.load %arg0[%get3A_140, %get3A_141] : memref<128x3840xf32, #tpu.memory_space<vmem>>, vector<128x640xf32>
    %get3A_143 = arith.constant 0 : index
    %get3A_144 = arith.constant 0 : index
    %get3A_145 = vector.load %arg1[%get3A_143, %get3A_144] : memref<640x32xf32, #tpu.memory_space<vmem>>, vector<640x32xf32>
    %dot_general3A_146 = arith.constant dense<0.000000e+00> : vector<128x32xf32>
    %dot_general3A_147 = tpu.matmul %get3A_142, %get3A_145, %dot_general3A_146 {dimension_numbers = #tpu.dot_dimension_numbers<[1], [0], [0], [1], [0, 0, 1, 1], [], []>, transpose_lhs_hint = false} : vector<128x640xf32>, vector<640x32xf32>, vector<128x32xf32> -> vector<128x32xf32>
    %get3A_148 = arith.constant 0 : index
    %get3A_149 = arith.constant 0 : index
    %get3A_150 = vector.load %arg2[%get3A_148, %get3A_149] : memref<8x32xf32, #tpu.memory_space<vmem>>, vector<1x32xf32>
    %add3A_151 = vector.broadcast %get3A_150 : vector<1x32xf32> to vector<128x32xf32>
    %add3A_152 = arith.addf %dot_general3A_147, %add3A_151 : vector<128x32xf32>
    %max3A_153 = arith.constant 0.000000e+00 : f32
    %max3A_154 = vector.broadcast %max3A_153 : f32 to vector<128x32xf32>
    %max3A_155 = arith.maximumf %add3A_152, %max3A_154 : vector<128x32xf32>
    %get3A_156 = arith.constant 0 : index
    %get3A_157 = arith.constant 1280 : index
    %get3A_158 = vector.load %arg0[%get3A_156, %get3A_157] : memref<128x3840xf32, #tpu.memory_space<vmem>>, vector<128x640xf32>
    %get3A_159 = arith.constant 0 : index
    %get3A_160 = arith.constant 0 : index
    %get3A_161 = vector.load %arg1[%get3A_159, %get3A_160] : memref<640x32xf32, #tpu.memory_space<vmem>>, vector<640x32xf32>
    %dot_general3A_162 = arith.constant dense<0.000000e+00> : vector<128x32xf32>
    %dot_general3A_163 = tpu.matmul %get3A_158, %get3A_161, %dot_general3A_162 {dimension_numbers = #tpu.dot_dimension_numbers<[1], [0], [0], [1], [0, 0, 1, 1], [], []>, transpose_lhs_hint = false} : vector<128x640xf32>, vector<640x32xf32>, vector<128x32xf32> -> vector<128x32xf32>
    %get3A_164 = arith.constant 0 : index
    %get3A_165 = arith.constant 0 : index
    %get3A_166 = vector.load %arg2[%get3A_164, %get3A_165] : memref<8x32xf32, #tpu.memory_space<vmem>>, vector<1x32xf32>
    %add3A_167 = vector.broadcast %get3A_166 : vector<1x32xf32> to vector<128x32xf32>
    %add3A_168 = arith.addf %dot_general3A_163, %add3A_167 : vector<128x32xf32>
    %max3A_169 = arith.constant 0.000000e+00 : f32
    %max3A_170 = vector.broadcast %max3A_169 : f32 to vector<128x32xf32>
    %max3A_171 = arith.maximumf %add3A_168, %max3A_170 : vector<128x32xf32>
    %get3A_172 = arith.constant 0 : index
    %get3A_173 = arith.constant 1408 : index
    %get3A_174 = vector.load %arg0[%get3A_172, %get3A_173] : memref<128x3840xf32, #tpu.memory_space<vmem>>, vector<128x640xf32>
    %get3A_175 = arith.constant 0 : index
    %get3A_176 = arith.constant 0 : index
    %get3A_177 = vector.load %arg1[%get3A_175, %get3A_176] : memref<640x32xf32, #tpu.memory_space<vmem>>, vector<640x32xf32>
    %dot_general3A_178 = arith.constant dense<0.000000e+00> : vector<128x32xf32>
    %dot_general3A_179 = tpu.matmul %get3A_174, %get3A_177, %dot_general3A_178 {dimension_numbers = #tpu.dot_dimension_numbers<[1], [0], [0], [1], [0, 0, 1, 1], [], []>, transpose_lhs_hint = false} : vector<128x640xf32>, vector<640x32xf32>, vector<128x32xf32> -> vector<128x32xf32>
    %get3A_180 = arith.constant 0 : index
    %get3A_181 = arith.constant 0 : index
    %get3A_182 = vector.load %arg2[%get3A_180, %get3A_181] : memref<8x32xf32, #tpu.memory_space<vmem>>, vector<1x32xf32>
    %add3A_183 = vector.broadcast %get3A_182 : vector<1x32xf32> to vector<128x32xf32>
    %add3A_184 = arith.addf %dot_general3A_179, %add3A_183 : vector<128x32xf32>
    %max3A_185 = arith.constant 0.000000e+00 : f32
    %max3A_186 = vector.broadcast %max3A_185 : f32 to vector<128x32xf32>
    %max3A_187 = arith.maximumf %add3A_184, %max3A_186 : vector<128x32xf32>
    %get3A_188 = arith.constant 0 : index
    %get3A_189 = arith.constant 1536 : index
    %get3A_190 = vector.load %arg0[%get3A_188, %get3A_189] : memref<128x3840xf32, #tpu.memory_space<vmem>>, vector<128x640xf32>
    %get3A_191 = arith.constant 0 : index
    %get3A_192 = arith.constant 0 : index
    %get3A_193 = vector.load %arg1[%get3A_191, %get3A_192] : memref<640x32xf32, #tpu.memory_space<vmem>>, vector<640x32xf32>
    %dot_general3A_194 = arith.constant dense<0.000000e+00> : vector<128x32xf32>
    %dot_general3A_195 = tpu.matmul %get3A_190, %get3A_193, %dot_general3A_194 {dimension_numbers = #tpu.dot_dimension_numbers<[1], [0], [0], [1], [0, 0, 1, 1], [], []>, transpose_lhs_hint = false} : vector<128x640xf32>, vector<640x32xf32>, vector<128x32xf32> -> vector<128x32xf32>
    %get3A_196 = arith.constant 0 : index
    %get3A_197 = arith.constant 0 : index
    %get3A_198 = vector.load %arg2[%get3A_196, %get3A_197] : memref<8x32xf32, #tpu.memory_space<vmem>>, vector<1x32xf32>
    %add3A_199 = vector.broadcast %get3A_198 : vector<1x32xf32> to vector<128x32xf32>
    %add3A_200 = arith.addf %dot_general3A_195, %add3A_199 : vector<128x32xf32>
    %max3A_201 = arith.constant 0.000000e+00 : f32
    %max3A_202 = vector.broadcast %max3A_201 : f32 to vector<128x32xf32>
    %max3A_203 = arith.maximumf %add3A_200, %max3A_202 : vector<128x32xf32>
    %get3A_204 = arith.constant 0 : index
    %get3A_205 = arith.constant 1664 : index
    %get3A_206 = vector.load %arg0[%get3A_204, %get3A_205] : memref<128x3840xf32, #tpu.memory_space<vmem>>, vector<128x640xf32>
    %get3A_207 = arith.constant 0 : index
    %get3A_208 = arith.constant 0 : index
    %get3A_209 = vector.load %arg1[%get3A_207, %get3A_208] : memref<640x32xf32, #tpu.memory_space<vmem>>, vector<640x32xf32>
    %dot_general3A_210 = arith.constant dense<0.000000e+00> : vector<128x32xf32>
    %dot_general3A_211 = tpu.matmul %get3A_206, %get3A_209, %dot_general3A_210 {dimension_numbers = #tpu.dot_dimension_numbers<[1], [0], [0], [1], [0, 0, 1, 1], [], []>, transpose_lhs_hint = false} : vector<128x640xf32>, vector<640x32xf32>, vector<128x32xf32> -> vector<128x32xf32>
    %get3A_212 = arith.constant 0 : index
    %get3A_213 = arith.constant 0 : index
    %get3A_214 = vector.load %arg2[%get3A_212, %get3A_213] : memref<8x32xf32, #tpu.memory_space<vmem>>, vector<1x32xf32>
    %add3A_215 = vector.broadcast %get3A_214 : vector<1x32xf32> to vector<128x32xf32>
    %add3A_216 = arith.addf %dot_general3A_211, %add3A_215 : vector<128x32xf32>
    %max3A_217 = arith.constant 0.000000e+00 : f32
    %max3A_218 = vector.broadcast %max3A_217 : f32 to vector<128x32xf32>
    %max3A_219 = arith.maximumf %add3A_216, %max3A_218 : vector<128x32xf32>
    %get3A_220 = arith.constant 0 : index
    %get3A_221 = arith.constant 1792 : index
    %get3A_222 = vector.load %arg0[%get3A_220, %get3A_221] : memref<128x3840xf32, #tpu.memory_space<vmem>>, vector<128x640xf32>
    %get3A_223 = arith.constant 0 : index
    %get3A_224 = arith.constant 0 : index
    %get3A_225 = vector.load %arg1[%get3A_223, %get3A_224] : memref<640x32xf32, #tpu.memory_space<vmem>>, vector<640x32xf32>
    %dot_general3A_226 = arith.constant dense<0.000000e+00> : vector<128x32xf32>
    %dot_general3A_227 = tpu.matmul %get3A_222, %get3A_225, %dot_general3A_226 {dimension_numbers = #tpu.dot_dimension_numbers<[1], [0], [0], [1], [0, 0, 1, 1], [], []>, transpose_lhs_hint = false} : vector<128x640xf32>, vector<640x32xf32>, vector<128x32xf32> -> vector<128x32xf32>
    %get3A_228 = arith.constant 0 : index
    %get3A_229 = arith.constant 0 : index
    %get3A_230 = vector.load %arg2[%get3A_228, %get3A_229] : memref<8x32xf32, #tpu.memory_space<vmem>>, vector<1x32xf32>
    %add3A_231 = vector.broadcast %get3A_230 : vector<1x32xf32> to vector<128x32xf32>
    %add3A_232 = arith.addf %dot_general3A_227, %add3A_231 : vector<128x32xf32>
    %max3A_233 = arith.constant 0.000000e+00 : f32
    %max3A_234 = vector.broadcast %max3A_233 : f32 to vector<128x32xf32>
    %max3A_235 = arith.maximumf %add3A_232, %max3A_234 : vector<128x32xf32>
    %get3A_236 = arith.constant 0 : index
    %get3A_237 = arith.constant 1920 : index
    %get3A_238 = vector.load %arg0[%get3A_236, %get3A_237] : memref<128x3840xf32, #tpu.memory_space<vmem>>, vector<128x640xf32>
    %get3A_239 = arith.constant 0 : index
    %get3A_240 = arith.constant 0 : index
    %get3A_241 = vector.load %arg1[%get3A_239, %get3A_240] : memref<640x32xf32, #tpu.memory_space<vmem>>, vector<640x32xf32>
    %dot_general3A_242 = arith.constant dense<0.000000e+00> : vector<128x32xf32>
    %dot_general3A_243 = tpu.matmul %get3A_238, %get3A_241, %dot_general3A_242 {dimension_numbers = #tpu.dot_dimension_numbers<[1], [0], [0], [1], [0, 0, 1, 1], [], []>, transpose_lhs_hint = false} : vector<128x640xf32>, vector<640x32xf32>, vector<128x32xf32> -> vector<128x32xf32>
    %get3A_244 = arith.constant 0 : index
    %get3A_245 = arith.constant 0 : index
    %get3A_246 = vector.load %arg2[%get3A_244, %get3A_245] : memref<8x32xf32, #tpu.memory_space<vmem>>, vector<1x32xf32>
    %add3A_247 = vector.broadcast %get3A_246 : vector<1x32xf32> to vector<128x32xf32>
    %add3A_248 = arith.addf %dot_general3A_243, %add3A_247 : vector<128x32xf32>
    %max3A_249 = arith.constant 0.000000e+00 : f32
    %max3A_250 = vector.broadcast %max3A_249 : f32 to vector<128x32xf32>
    %max3A_251 = arith.maximumf %add3A_248, %max3A_250 : vector<128x32xf32>
    %get3A_252 = arith.constant 0 : index
    %get3A_253 = arith.constant 2048 : index
    %get3A_254 = vector.load %arg0[%get3A_252, %get3A_253] : memref<128x3840xf32, #tpu.memory_space<vmem>>, vector<128x640xf32>
    %get3A_255 = arith.constant 0 : index
    %get3A_256 = arith.constant 0 : index
    %get3A_257 = vector.load %arg1[%get3A_255, %get3A_256] : memref<640x32xf32, #tpu.memory_space<vmem>>, vector<640x32xf32>
    %dot_general3A_258 = arith.constant dense<0.000000e+00> : vector<128x32xf32>
    %dot_general3A_259 = tpu.matmul %get3A_254, %get3A_257, %dot_general3A_258 {dimension_numbers = #tpu.dot_dimension_numbers<[1], [0], [0], [1], [0, 0, 1, 1], [], []>, transpose_lhs_hint = false} : vector<128x640xf32>, vector<640x32xf32>, vector<128x32xf32> -> vector<128x32xf32>
    %get3A_260 = arith.constant 0 : index
    %get3A_261 = arith.constant 0 : index
    %get3A_262 = vector.load %arg2[%get3A_260, %get3A_261] : memref<8x32xf32, #tpu.memory_space<vmem>>, vector<1x32xf32>
    %add3A_263 = vector.broadcast %get3A_262 : vector<1x32xf32> to vector<128x32xf32>
    %add3A_264 = arith.addf %dot_general3A_259, %add3A_263 : vector<128x32xf32>
    %max3A_265 = arith.constant 0.000000e+00 : f32
    %max3A_266 = vector.broadcast %max3A_265 : f32 to vector<128x32xf32>
    %max3A_267 = arith.maximumf %add3A_264, %max3A_266 : vector<128x32xf32>
    %get3A_268 = arith.constant 0 : index
    %get3A_269 = arith.constant 2176 : index
    %get3A_270 = vector.load %arg0[%get3A_268, %get3A_269] : memref<128x3840xf32, #tpu.memory_space<vmem>>, vector<128x640xf32>
    %get3A_271 = arith.constant 0 : index
    %get3A_272 = arith.constant 0 : index
    %get3A_273 = vector.load %arg1[%get3A_271, %get3A_272] : memref<640x32xf32, #tpu.memory_space<vmem>>, vector<640x32xf32>
    %dot_general3A_274 = arith.constant dense<0.000000e+00> : vector<128x32xf32>
    %dot_general3A_275 = tpu.matmul %get3A_270, %get3A_273, %dot_general3A_274 {dimension_numbers = #tpu.dot_dimension_numbers<[1], [0], [0], [1], [0, 0, 1, 1], [], []>, transpose_lhs_hint = false} : vector<128x640xf32>, vector<640x32xf32>, vector<128x32xf32> -> vector<128x32xf32>
    %get3A_276 = arith.constant 0 : index
    %get3A_277 = arith.constant 0 : index
    %get3A_278 = vector.load %arg2[%get3A_276, %get3A_277] : memref<8x32xf32, #tpu.memory_space<vmem>>, vector<1x32xf32>
    %add3A_279 = vector.broadcast %get3A_278 : vector<1x32xf32> to vector<128x32xf32>
    %add3A_280 = arith.addf %dot_general3A_275, %add3A_279 : vector<128x32xf32>
    %max3A_281 = arith.constant 0.000000e+00 : f32
    %max3A_282 = vector.broadcast %max3A_281 : f32 to vector<128x32xf32>
    %max3A_283 = arith.maximumf %add3A_280, %max3A_282 : vector<128x32xf32>
    %get3A_284 = arith.constant 0 : index
    %get3A_285 = arith.constant 2304 : index
    %get3A_286 = vector.load %arg0[%get3A_284, %get3A_285] : memref<128x3840xf32, #tpu.memory_space<vmem>>, vector<128x640xf32>
    %get3A_287 = arith.constant 0 : index
    %get3A_288 = arith.constant 0 : index
    %get3A_289 = vector.load %arg1[%get3A_287, %get3A_288] : memref<640x32xf32, #tpu.memory_space<vmem>>, vector<640x32xf32>
    %dot_general3A_290 = arith.constant dense<0.000000e+00> : vector<128x32xf32>
    %dot_general3A_291 = tpu.matmul %get3A_286, %get3A_289, %dot_general3A_290 {dimension_numbers = #tpu.dot_dimension_numbers<[1], [0], [0], [1], [0, 0, 1, 1], [], []>, transpose_lhs_hint = false} : vector<128x640xf32>, vector<640x32xf32>, vector<128x32xf32> -> vector<128x32xf32>
    %get3A_292 = arith.constant 0 : index
    %get3A_293 = arith.constant 0 : index
    %get3A_294 = vector.load %arg2[%get3A_292, %get3A_293] : memref<8x32xf32, #tpu.memory_space<vmem>>, vector<1x32xf32>
    %add3A_295 = vector.broadcast %get3A_294 : vector<1x32xf32> to vector<128x32xf32>
    %add3A_296 = arith.addf %dot_general3A_291, %add3A_295 : vector<128x32xf32>
    %max3A_297 = arith.constant 0.000000e+00 : f32
    %max3A_298 = vector.broadcast %max3A_297 : f32 to vector<128x32xf32>
    %max3A_299 = arith.maximumf %add3A_296, %max3A_298 : vector<128x32xf32>
    %get3A_300 = arith.constant 0 : index
    %get3A_301 = arith.constant 2432 : index
    %get3A_302 = vector.load %arg0[%get3A_300, %get3A_301] : memref<128x3840xf32, #tpu.memory_space<vmem>>, vector<128x640xf32>
    %get3A_303 = arith.constant 0 : index
    %get3A_304 = arith.constant 0 : index
    %get3A_305 = vector.load %arg1[%get3A_303, %get3A_304] : memref<640x32xf32, #tpu.memory_space<vmem>>, vector<640x32xf32>
    %dot_general3A_306 = arith.constant dense<0.000000e+00> : vector<128x32xf32>
    %dot_general3A_307 = tpu.matmul %get3A_302, %get3A_305, %dot_general3A_306 {dimension_numbers = #tpu.dot_dimension_numbers<[1], [0], [0], [1], [0, 0, 1, 1], [], []>, transpose_lhs_hint = false} : vector<128x640xf32>, vector<640x32xf32>, vector<128x32xf32> -> vector<128x32xf32>
    %get3A_308 = arith.constant 0 : index
    %get3A_309 = arith.constant 0 : index
    %get3A_310 = vector.load %arg2[%get3A_308, %get3A_309] : memref<8x32xf32, #tpu.memory_space<vmem>>, vector<1x32xf32>
    %add3A_311 = vector.broadcast %get3A_310 : vector<1x32xf32> to vector<128x32xf32>
    %add3A_312 = arith.addf %dot_general3A_307, %add3A_311 : vector<128x32xf32>
    %max3A_313 = arith.constant 0.000000e+00 : f32
    %max3A_314 = vector.broadcast %max3A_313 : f32 to vector<128x32xf32>
    %max3A_315 = arith.maximumf %add3A_312, %max3A_314 : vector<128x32xf32>
    %get3A_316 = arith.constant 0 : index
    %get3A_317 = arith.constant 2560 : index
    %get3A_318 = vector.load %arg0[%get3A_316, %get3A_317] : memref<128x3840xf32, #tpu.memory_space<vmem>>, vector<128x640xf32>
    %get3A_319 = arith.constant 0 : index
    %get3A_320 = arith.constant 0 : index
    %get3A_321 = vector.load %arg1[%get3A_319, %get3A_320] : memref<640x32xf32, #tpu.memory_space<vmem>>, vector<640x32xf32>
    %dot_general3A_322 = arith.constant dense<0.000000e+00> : vector<128x32xf32>
    %dot_general3A_323 = tpu.matmul %get3A_318, %get3A_321, %dot_general3A_322 {dimension_numbers = #tpu.dot_dimension_numbers<[1], [0], [0], [1], [0, 0, 1, 1], [], []>, transpose_lhs_hint = false} : vector<128x640xf32>, vector<640x32xf32>, vector<128x32xf32> -> vector<128x32xf32>
    %get3A_324 = arith.constant 0 : index
    %get3A_325 = arith.constant 0 : index
    %get3A_326 = vector.load %arg2[%get3A_324, %get3A_325] : memref<8x32xf32, #tpu.memory_space<vmem>>, vector<1x32xf32>
    %add3A_327 = vector.broadcast %get3A_326 : vector<1x32xf32> to vector<128x32xf32>
    %add3A_328 = arith.addf %dot_general3A_323, %add3A_327 : vector<128x32xf32>
    %max3A_329 = arith.constant 0.000000e+00 : f32
    %max3A_330 = vector.broadcast %max3A_329 : f32 to vector<128x32xf32>
    %max3A_331 = arith.maximumf %add3A_328, %max3A_330 : vector<128x32xf32>
    %get3A_332 = arith.constant 0 : index
    %get3A_333 = arith.constant 2688 : index
    %get3A_334 = vector.load %arg0[%get3A_332, %get3A_333] : memref<128x3840xf32, #tpu.memory_space<vmem>>, vector<128x640xf32>
    %get3A_335 = arith.constant 0 : index
    %get3A_336 = arith.constant 0 : index
    %get3A_337 = vector.load %arg1[%get3A_335, %get3A_336] : memref<640x32xf32, #tpu.memory_space<vmem>>, vector<640x32xf32>
    %dot_general3A_338 = arith.constant dense<0.000000e+00> : vector<128x32xf32>
    %dot_general3A_339 = tpu.matmul %get3A_334, %get3A_337, %dot_general3A_338 {dimension_numbers = #tpu.dot_dimension_numbers<[1], [0], [0], [1], [0, 0, 1, 1], [], []>, transpose_lhs_hint = false} : vector<128x640xf32>, vector<640x32xf32>, vector<128x32xf32> -> vector<128x32xf32>
    %get3A_340 = arith.constant 0 : index
    %get3A_341 = arith.constant 0 : index
    %get3A_342 = vector.load %arg2[%get3A_340, %get3A_341] : memref<8x32xf32, #tpu.memory_space<vmem>>, vector<1x32xf32>
    %add3A_343 = vector.broadcast %get3A_342 : vector<1x32xf32> to vector<128x32xf32>
    %add3A_344 = arith.addf %dot_general3A_339, %add3A_343 : vector<128x32xf32>
    %max3A_345 = arith.constant 0.000000e+00 : f32
    %max3A_346 = vector.broadcast %max3A_345 : f32 to vector<128x32xf32>
    %max3A_347 = arith.maximumf %add3A_344, %max3A_346 : vector<128x32xf32>
    %get3A_348 = arith.constant 0 : index
    %get3A_349 = arith.constant 2816 : index
    %get3A_350 = vector.load %arg0[%get3A_348, %get3A_349] : memref<128x3840xf32, #tpu.memory_space<vmem>>, vector<128x640xf32>
    %get3A_351 = arith.constant 0 : index
    %get3A_352 = arith.constant 0 : index
    %get3A_353 = vector.load %arg1[%get3A_351, %get3A_352] : memref<640x32xf32, #tpu.memory_space<vmem>>, vector<640x32xf32>
    %dot_general3A_354 = arith.constant dense<0.000000e+00> : vector<128x32xf32>
    %dot_general3A_355 = tpu.matmul %get3A_350, %get3A_353, %dot_general3A_354 {dimension_numbers = #tpu.dot_dimension_numbers<[1], [0], [0], [1], [0, 0, 1, 1], [], []>, transpose_lhs_hint = false} : vector<128x640xf32>, vector<640x32xf32>, vector<128x32xf32> -> vector<128x32xf32>
    %get3A_356 = arith.constant 0 : index
    %get3A_357 = arith.constant 0 : index
    %get3A_358 = vector.load %arg2[%get3A_356, %get3A_357] : memref<8x32xf32, #tpu.memory_space<vmem>>, vector<1x32xf32>
    %add3A_359 = vector.broadcast %get3A_358 : vector<1x32xf32> to vector<128x32xf32>
    %add3A_360 = arith.addf %dot_general3A_355, %add3A_359 : vector<128x32xf32>
    %max3A_361 = arith.constant 0.000000e+00 : f32
    %max3A_362 = vector.broadcast %max3A_361 : f32 to vector<128x32xf32>
    %max3A_363 = arith.maximumf %add3A_360, %max3A_362 : vector<128x32xf32>
    %get3A_364 = arith.constant 0 : index
    %get3A_365 = arith.constant 2944 : index
    %get3A_366 = vector.load %arg0[%get3A_364, %get3A_365] : memref<128x3840xf32, #tpu.memory_space<vmem>>, vector<128x640xf32>
    %get3A_367 = arith.constant 0 : index
    %get3A_368 = arith.constant 0 : index
    %get3A_369 = vector.load %arg1[%get3A_367, %get3A_368] : memref<640x32xf32, #tpu.memory_space<vmem>>, vector<640x32xf32>
    %dot_general3A_370 = arith.constant dense<0.000000e+00> : vector<128x32xf32>
    %dot_general3A_371 = tpu.matmul %get3A_366, %get3A_369, %dot_general3A_370 {dimension_numbers = #tpu.dot_dimension_numbers<[1], [0], [0], [1], [0, 0, 1, 1], [], []>, transpose_lhs_hint = false} : vector<128x640xf32>, vector<640x32xf32>, vector<128x32xf32> -> vector<128x32xf32>
    %get3A_372 = arith.constant 0 : index
    %get3A_373 = arith.constant 0 : index
    %get3A_374 = vector.load %arg2[%get3A_372, %get3A_373] : memref<8x32xf32, #tpu.memory_space<vmem>>, vector<1x32xf32>
    %add3A_375 = vector.broadcast %get3A_374 : vector<1x32xf32> to vector<128x32xf32>
    %add3A_376 = arith.addf %dot_general3A_371, %add3A_375 : vector<128x32xf32>
    %max3A_377 = arith.constant 0.000000e+00 : f32
    %max3A_378 = vector.broadcast %max3A_377 : f32 to vector<128x32xf32>
    %max3A_379 = arith.maximumf %add3A_376, %max3A_378 : vector<128x32xf32>
    %get3A_380 = arith.constant 0 : index
    %get3A_381 = arith.constant 3072 : index
    %get3A_382 = vector.load %arg0[%get3A_380, %get3A_381] : memref<128x3840xf32, #tpu.memory_space<vmem>>, vector<128x640xf32>
    %get3A_383 = arith.constant 0 : index
    %get3A_384 = arith.constant 0 : index
    %get3A_385 = vector.load %arg1[%get3A_383, %get3A_384] : memref<640x32xf32, #tpu.memory_space<vmem>>, vector<640x32xf32>
    %dot_general3A_386 = arith.constant dense<0.000000e+00> : vector<128x32xf32>
    %dot_general3A_387 = tpu.matmul %get3A_382, %get3A_385, %dot_general3A_386 {dimension_numbers = #tpu.dot_dimension_numbers<[1], [0], [0], [1], [0, 0, 1, 1], [], []>, transpose_lhs_hint = false} : vector<128x640xf32>, vector<640x32xf32>, vector<128x32xf32> -> vector<128x32xf32>
    %get3A_388 = arith.constant 0 : index
    %get3A_389 = arith.constant 0 : index
    %get3A_390 = vector.load %arg2[%get3A_388, %get3A_389] : memref<8x32xf32, #tpu.memory_space<vmem>>, vector<1x32xf32>
    %add3A_391 = vector.broadcast %get3A_390 : vector<1x32xf32> to vector<128x32xf32>
    %add3A_392 = arith.addf %dot_general3A_387, %add3A_391 : vector<128x32xf32>
    %max3A_393 = arith.constant 0.000000e+00 : f32
    %max3A_394 = vector.broadcast %max3A_393 : f32 to vector<128x32xf32>
    %max3A_395 = arith.maximumf %add3A_392, %max3A_394 : vector<128x32xf32>
    %get3A_396 = arith.constant 0 : index
    %get3A_397 = arith.constant 3200 : index
    %get3A_398 = vector.load %arg0[%get3A_396, %get3A_397] : memref<128x3840xf32, #tpu.memory_space<vmem>>, vector<128x640xf32>
    %get3A_399 = arith.constant 0 : index
    %get3A_400 = arith.constant 0 : index
    %get3A_401 = vector.load %arg1[%get3A_399, %get3A_400] : memref<640x32xf32, #tpu.memory_space<vmem>>, vector<640x32xf32>
    %dot_general3A_402 = arith.constant dense<0.000000e+00> : vector<128x32xf32>
    %dot_general3A_403 = tpu.matmul %get3A_398, %get3A_401, %dot_general3A_402 {dimension_numbers = #tpu.dot_dimension_numbers<[1], [0], [0], [1], [0, 0, 1, 1], [], []>, transpose_lhs_hint = false} : vector<128x640xf32>, vector<640x32xf32>, vector<128x32xf32> -> vector<128x32xf32>
    %get3A_404 = arith.constant 0 : index
    %get3A_405 = arith.constant 0 : index
    %get3A_406 = vector.load %arg2[%get3A_404, %get3A_405] : memref<8x32xf32, #tpu.memory_space<vmem>>, vector<1x32xf32>
    %add3A_407 = vector.broadcast %get3A_406 : vector<1x32xf32> to vector<128x32xf32>
    %add3A_408 = arith.addf %dot_general3A_403, %add3A_407 : vector<128x32xf32>
    %max3A_409 = arith.constant 0.000000e+00 : f32
    %max3A_410 = vector.broadcast %max3A_409 : f32 to vector<128x32xf32>
    %max3A_411 = arith.maximumf %add3A_408, %max3A_410 : vector<128x32xf32>
    %concatenate3A = tpu.concatenate %max3A_11, %max3A_27, %max3A_43, %max3A_59, %max3A_75, %max3A_91, %max3A_107, %max3A_123, %max3A_139, %max3A_155, %max3A_171, %max3A_187, %max3A_203, %max3A_219, %max3A_235, %max3A_251, %max3A_267, %max3A_283, %max3A_299, %max3A_315, %max3A_331, %max3A_347, %max3A_363, %max3A_379, %max3A_395, %max3A_411 in 1 : vector<128x32xf32>, vector<128x32xf32>, vector<128x32xf32>, vector<128x32xf32>, vector<128x32xf32>, vector<128x32xf32>, vector<128x32xf32>, vector<128x32xf32>, vector<128x32xf32>, vector<128x32xf32>, vector<128x32xf32>, vector<128x32xf32>, vector<128x32xf32>, vector<128x32xf32>, vector<128x32xf32>, vector<128x32xf32>, vector<128x32xf32>, vector<128x32xf32>, vector<128x32xf32>, vector<128x32xf32>, vector<128x32xf32>, vector<128x32xf32>, vector<128x32xf32>, vector<128x32xf32>, vector<128x32xf32>, vector<128x32xf32> -> vector<128x832xf32>
    %get3A_412 = arith.constant 0 : index
    %get3A_413 = arith.constant 0 : index
    %get3A_414 = vector.load %arg3[%get3A_412, %get3A_413] : memref<832x128xf32, #tpu.memory_space<vmem>>, vector<832x128xf32>
    %dot_general3A_415 = arith.constant dense<0.000000e+00> : vector<128x128xf32>
    %dot_general3A_416 = tpu.matmul %concatenate3A, %get3A_414, %dot_general3A_415 {dimension_numbers = #tpu.dot_dimension_numbers<[1], [0], [0], [1], [0, 0, 1, 1], [], []>, transpose_lhs_hint = false} : vector<128x832xf32>, vector<832x128xf32>, vector<128x128xf32> -> vector<128x128xf32>
    %get3A_417 = arith.constant 0 : index
    %get3A_418 = arith.constant 0 : index
    %get3A_419 = vector.load %arg4[%get3A_417, %get3A_418] : memref<8x128xf32, #tpu.memory_space<vmem>>, vector<1x128xf32>
    %add3A_420 = vector.broadcast %get3A_419 : vector<1x128xf32> to vector<128x128xf32>
    %add3A_421 = arith.addf %dot_general3A_416, %add3A_420 : vector<128x128xf32>
    %max3A_422 = arith.constant 0.000000e+00 : f32
    %max3A_423 = vector.broadcast %max3A_422 : f32 to vector<128x128xf32>
    %max3A_424 = arith.maximumf %add3A_421, %max3A_423 : vector<128x128xf32>
    %get3A_425 = arith.constant 0 : index
    %get3A_426 = arith.constant 0 : index
    %get3A_427 = vector.load %arg5[%get3A_425, %get3A_426] : memref<128x128xf32, #tpu.memory_space<vmem>>, vector<128x128xf32>
    %dot_general3A_428 = arith.constant dense<0.000000e+00> : vector<128x128xf32>
    %dot_general3A_429 = tpu.matmul %max3A_424, %get3A_427, %dot_general3A_428 {dimension_numbers = #tpu.dot_dimension_numbers<[1], [0], [0], [1], [0, 0, 1, 1], [], []>, transpose_lhs_hint = false} : vector<128x128xf32>, vector<128x128xf32>, vector<128x128xf32> -> vector<128x128xf32>
    %get3A_430 = arith.constant 0 : index
    %get3A_431 = arith.constant 0 : index
    %get3A_432 = vector.load %arg6[%get3A_430, %get3A_431] : memref<8x128xf32, #tpu.memory_space<vmem>>, vector<1x128xf32>
    %add3A_433 = vector.broadcast %get3A_432 : vector<1x128xf32> to vector<128x128xf32>
    %add3A_434 = arith.addf %dot_general3A_429, %add3A_433 : vector<128x128xf32>
    %iota3A = tpu.iota {dimensions = array<i32: 1>} : vector<128x128xi32>
    %lt3A = arith.constant 10 : i32
    %lt3A_435 = vector.broadcast %lt3A : i32 to vector<128x128xi32>
    %lt3A_436 = arith.cmpi slt, %iota3A, %lt3A_435 : vector<128x128xi32>
    %jit3A = arith.constant -1.000000e+30 : f32
    %broadcast_in_dim3A = vector.broadcast %jit3A : f32 to vector<128x128xf32>
    %select_n3A = arith.select %lt3A_436, %add3A_434, %broadcast_in_dim3A : vector<128x128xi1>, vector<128x128xf32>
    %reduce_max3A = arith.constant dense<0xFF800000> : vector<128xf32>
    %reduce_max3A_437 = vector.multi_reduction <maximumf>, %select_n3A, %reduce_max3A [1] : vector<128x128xf32> to vector<128xf32>
    %broadcast_in_dim3A_438 = vector.shape_cast %reduce_max3A_437 : vector<128xf32> to vector<128x1xf32>
    %sub3A = vector.broadcast %broadcast_in_dim3A_438 : vector<128x1xf32> to vector<128x128xf32>
    %sub3A_439 = arith.subf %select_n3A, %sub3A : vector<128x128xf32>
    %exp3A = math.exp %sub3A_439 : vector<128x128xf32>
    %reduce_sum3A = arith.constant dense<0.000000e+00> : vector<128xf32>
    %reduce_sum3A_440 = vector.multi_reduction <add>, %exp3A, %reduce_sum3A [1] : vector<128x128xf32> to vector<128xf32>
    %broadcast_in_dim3A_441 = vector.shape_cast %reduce_sum3A_440 : vector<128xf32> to vector<128x1xf32>
    %sub3A_442 = vector.broadcast %broadcast_in_dim3A_438 : vector<128x1xf32> to vector<128x128xf32>
    %sub3A_443 = arith.subf %select_n3A, %sub3A_442 : vector<128x128xf32>
    %log3A = math.log %broadcast_in_dim3A_441 : vector<128x1xf32>
    %sub3A_444 = vector.broadcast %log3A : vector<128x1xf32> to vector<128x128xf32>
    %sub3A_445 = arith.subf %sub3A_443, %sub3A_444 : vector<128x128xf32>
    %swap3A = arith.constant 0 : index
    %swap3A_446 = arith.constant 0 : index
    %swap3A_447 = vector.load %arg7[%swap3A, %swap3A_446] : memref<128x128xf32, #tpu.memory_space<vmem>>, vector<128x128xf32>
    tpu.vector_store %arg7[%swap3A, %swap3A_446], %sub3A_445 {strides = array<i32>} : memref<128x128xf32, #tpu.memory_space<vmem>>, vector<128x128xf32>,
    return
  }
}

</mosaic_0001>

<sc_bundles>
// kernel: kernel.13.cloned.1.call-start
scs
__scs_entry_jumppad:
0x0: {  	(pc) =	sbr.rel $0x88, $3  }
0x1: {  	(tag) =	ssettag $0x0;
	lr =	simm.s32 $0x1  }
0x2: {  	[smem:$0x3F92] =	sst lr;
	_ =	strace $0xD0000000  }
0x3: {  	_ = 	snop  }
0x4: {  	_ = 	snop  }
0x5: {  	_ = 	snop  }
0x6: {  	_ = 	snop  }
0x7: {  	_ = 	snop  }
__scs_overlays_trampoline_lowered:
0x8: {  	[smem:$0x3FA1] =	sst s0  }
0x9: {  	[smem:$0x3FA2] =	sst s1  }
0xa: {  	[smem:$0x3FA3] =	sst s2  }
0xb: {  	[smem:$0x3FA4] =	sst s3  }
0xc: {  	[smem:$0x3FA5] =	sst s4  }
0xd: {  	[smem:$0x3FA6] =	sst s5  }
0xe: {  	[smem:$0x3FA7] =	sst s6  }
0xf: {  	[smem:$0x3FA8] =	sst s7  }
0x10: {  	[smem:$0x3FA9] =	sst s8  }
0x11: {  	[smem:$0x3FAA] =	sst s9;
	s0 =	simm.s32 @!p0 $0x0  }
0x12: {  	s1 =	sld [smem:$0x3F90];
	s0 =	simm.s32 @p0 $0x1  }
0x13: {  	[smem:$0x3FAB] =	sst s0;
	s0 =	simm.s32 @!p1 $0x0  }
0x14: {  	s2 =	sld [smem:$0x3F8F];
	s0 =	simm.s32 @p1 $0x1  }
0x15: {  	[smem:$0x3FAC] =	sst s0;
	s0 =	simm.s32 @!p2 $0x0  }
0x16: {  	s3 =	sld [smem:$0x3FDB];
	s0 =	simm.s32 @p2 $0x1  }
0x17: {  	s4 =	simm.s32 $0x1BF5;
	[smem:$0x3FAE] =	sst s0  }
0x18: {  	s0 =	sld [smem:$0x3F91];
	_ =	swait.ge [sflag:s4], $0x0  }
0x19: {  	s7 =	sld [smem:$0x3F92]  }
0x1a: {  	s8 =	sadd.s32 $0xFFFFE003, lr  }
0x1b: {  	s9 =	sadd.s32 $0xFFFFFEF7, lr;
	s5 =	simm.s32 $0xFFFFFFFF;
	p2 =	slt.u32 s8, $0xFFFFF086  }
0x1c: {  	p1 =	slt.u32 s9, $0xF7A;
	s5 =	simm.s32 @!p2 $0x0  }
0x1d: {  	s5 =	simm.s32 @p1 $0x1;
	p0 =	seq.s32 s7, s2  }
0x1e: {  	s7 =	smul.u32 @!p0 $0xF7A, s2;
	p2 =	seq.s32 @!p0 s5, $0x0  }
0x1f: {  	s9 =	smul.u32 $0xF7A, s1;
	s8 =	simm.s32 @!p0 $0x1BF5;
	p2 =	por !p2, p0  }
0x20: {  	[sflag:s8] =	ssyncset.s32 @!p0 $0xFFFFF086;
	s6 =	sadd.s32 @!p0 s3, s7;
	s7 =	simm.s32 @!p0 $0x108  }
0x21: {  	s3 =	sadd.s32 s3, s9;
	s6 =	sadd.s32 @!p0 $0x88, s6;
	s7 =	simm.s32 @p2 $0x1082  }
0x22: {  	[simem:s7], [sflag:s8] =	dma.local @!p0 [hbm:s6], $0xF7A  }
0x23: {  	s9 =	sor.u32 $0xD0000000, s2;
	s6 =	simm.s32 $0x108;
	_ =	swait.ge @!p0 [sflag:s8], $0x0  }
0x24: {  	s3 =	sadd.s32 $0x88, s3;
	s6 =	simm.s32 @!p1 $0x1082;
	[sflag:s4] =	ssyncset.s32 $0xFFFFF086  }
0x25: {  	[simem:s6], [sflag:s4] =	dma.local [hbm:s3], $0xF7A  }
0x26: {  	[smem:$0x3F92] =	sst s1;
	(tag) =	ssettag s2;
	_ =	strace s9  }
0x27: {  	s1 =	sld [smem:$0x3FA2]  }
0x28: {  	s2 =	sld [smem:$0x3FA3]  }
0x29: {  	s4 =	sld [smem:$0x3FA5]  }
0x2a: {  	p0 =	seq.s32 s5, $0x0;
	s5 =	sld [smem:$0x3FA6]  }
0x2b: {  	s6 =	sld [smem:$0x3FA7]  }
0x2c: {  	s7 =	sld [smem:$0x3FA8]  }
0x2d: {  	s3 =	simm.s32 $0x108;
	s8 =	sld [smem:$0x3FA9]  }
0x2e: {  	s3 =	simm.s32 @!p0 $0x1082;
	s9 =	sld [smem:$0x3FAA]  }
0x2f: {  	lr =	sadd.s32 s0, s3;
	s0 =	sld [smem:$0x3FA1]  }
0x30: {  	s3 =	sld [smem:$0x3FA4]  }
0x31: {  	[smem:$0x3FAD] =	sst s10  }
0x32: {  	s10 =	sld [smem:$0x3FAB];
	_ =	sdelay $0x3  }
0x33: {  	p0 =	seq.s32 s10, $0x1;
	s10 =	sld [smem:$0x3FAD];
	_ =	sdelay $0x3  }
0x34: {  	[smem:$0x3FAD] =	sst s10  }
0x35: {  	s10 =	sld [smem:$0x3FAC];
	_ =	sdelay $0x3  }
0x36: {  	p1 =	seq.s32 s10, $0x1;
	s10 =	sld [smem:$0x3FAD];
	_ =	sdelay $0x3  }
0x37: {  	[smem:$0x3FAD] =	sst s10  }
0x38: {  	s10 =	sld [smem:$0x3FAE]  }
0x39: {  	_ = 	snop;
	(pc) =	sbr.ind lr, $3  }
0x3a: {  	_ = 	snop  }
0x3b: {  	_ = 	snop  }
0x3c: {  	p2 =	seq.s32 s10, $0x1;
	s10 =	sld [smem:$0x3FAD]  }
0x3d: {  	_ =	shalt  }
0x3e: {  	_ =	shalt  }
0x3f: {  	_ =	shalt  }
0x40: {  	_ =	shalt  }
0x41: {  	_ =	shalt  }
0x42: {  	_ =	shalt  }
0x43: {  	_ =	shalt  }
0x44: {  	_ =	shalt  }
0x45: {  	_ =	shalt  }
0x46: {  	_ =	shalt  }
0x47: {  	_ =	shalt  }
0x48: {  	_ =	shalt  }
0x49: {  	_ =	shalt  }
0x4a: {  	_ =	shalt  }
0x4b: {  	_ =	shalt  }
0x4c: {  	_ =	shalt  }
0x4d: {  	_ =	shalt  }
0x4e: {  	_ =	shalt  }
0x4f: {  	_ =	shalt  }
0x50: {  	_ =	shalt  }
0x51: {  	_ =	shalt  }
0x52: {  	_ =	shalt  }
0x53: {  	_ =	shalt  }
0x54: {  	_ =	shalt  }
0x55: {  	_ =	shalt  }
0x56: {  	_ =	shalt  }
0x57: {  	_ =	shalt  }
0x58: {  	_ =	shalt  }
0x59: {  	_ =	shalt  }
0x5a: {  	_ =	shalt  }
0x5b: {  	_ =	shalt  }
0x5c: {  	_ =	shalt  }
0x5d: {  	_ =	shalt  }
0x5e: {  	_ =	shalt  }
0x5f: {  	_ =	shalt  }
0x60: {  	_ =	shalt  }
0x61: {  	_ =	shalt  }
0x62: {  	_ =	shalt  }
0x63: {  	_ =	shalt  }
0x64: {  	_ =	shalt  }
0x65: {  	_ =	shalt  }
0x66: {  	_ =	shalt  }
0x67: {  	_ =	shalt  }
0x68: {  	_ =	shalt  }
0x69: {  	_ =	shalt  }
0x6a: {  	_ =	shalt  }
0x6b: {  	_ =	shalt  }
0x6c: {  	_ =	shalt  }
0x6d: {  	_ =	shalt  }
0x6e: {  	_ =	shalt  }
0x6f: {  	_ =	shalt  }
0x70: {  	_ =	shalt  }
0x71: {  	_ =	shalt  }
0x72: {  	_ =	shalt  }
0x73: {  	_ =	shalt  }
0x74: {  	_ =	shalt  }
0x75: {  	_ =	shalt  }
0x76: {  	_ =	shalt  }
0x77: {  	_ =	shalt  }
0x78: {  	_ =	shalt  }
0x79: {  	_ =	shalt  }
0x7a: {  	_ =	shalt  }
0x7b: {  	_ =	shalt  }
0x7c: {  	_ =	shalt  }
0x7d: {  	_ =	shalt  }
0x7e: {  	_ =	shalt  }
0x7f: {  	_ =	shalt  }
0x80: {  	_ =	shalt  }
0x81: {  	_ =	shalt  }
0x82: {  	_ =	shalt  }
0x83: {  	_ =	shalt  }
0x84: {  	_ =	shalt  }
0x85: {  	_ =	shalt  }
0x86: {  	_ =	shalt  }
0x87: {  	_ =	shalt  }
.Lfunc_end0:
.L_simem_size_0:
called_computation_lowered:
.L_overlay_start_0:
0x88: {  	s2 =	sld [smem:$0x3FD9]  }
0x89: {  	s3 =	sld [smem:$0x3FFE];
	_ =	sdelay $0x1  }
0x8a: {  	s1 =	srdreg.scid  }
0x8b: {  	s0 =	sand.u32 $0x1, s1  }
0x8c: {  	s16 =	sshll.u32 s0, $0xA;
	s2 =	sadd.s32 s3, s2  }
0x8d: {  	s2 =	sadd.s32 s2, s16  }
0x8e: {  	[smem:$0x3FB9] =	sst s2  }
0x8f: {  	_ = 	snop  }
0x90: {  	(tm) =	ssettm $0x1  }
0x91: {  	s17 =	sld [smem:$0x3FFB];
	_ =	sdelay $0x3  }
0x92: {  	_ =	strace s17  }
0x93: {  	s2 =	sld [smem:$0x3FFC];
	_ =	sdelay $0x3  }
0x94: {  	_ =	strace s2  }
0x95: {  	s2 =	sld [smem:$0x3FFD];
	_ =	sdelay $0x3  }
0x96: {  	_ =	strace s2  }
0x97: {  	_ =	strace $0x8FFFFFFF  }
0x98: {  	s18 =	sld [smem:$0x3FDB];
	_ =	sdelay $0x1  }
0x99: {  	s19 =	simm.s32 $_scs_section_size  }
0x9a: {  	s4 =	simm.s32 $_size__tile_overlayer_lowered;
	s5 =	simm.s32 $_tile_overlayer_lowered  }
0x9b: {  	s22 =	simm.s32 $0x1BFF;
	s21 =	sshll.u32 s5, $0x1;
	s2 =	sadd.s32 s19, s18  }
0x9c: {  	s6 =	simm.s32 $0x0;
	s20 =	sshll.u32 s4, $0x1;
	s4 =	sadd.s32 s21, s2  }
0x9d: {  	[timem:s6], [sflag:s22] =	dma.local [hbm:s4], s20  }
0x9e: {  	_ =	swait.ge [sflag:s22], s20  }
0x9f: {  	s3 =	ssub.s32 $0x0, s20;
	[sflag:s22] =	ssyncset.done $0x0  }
0xa0: {  	[sflag:s22] =	ssyncadd.s32 s3;
	_ =	sdelay $0x1  }
0xa1: {  	s23 =	simm.s32 $0x1B8B  }
0xa2: {  	_ =	swait.ge [sflag:s23], $0x1  }
0xa3: {  	[sflag:s23] =	ssyncset.done $0x0  }
0xa4: {  	s25 =	simm.s32 $0x1B8E;
	s24 =	sld [smem:$0x3FFE];
	[sflag:s23] =	ssyncadd.s32 $0xFFFFFFFF  }
0xa5: {  	s26 =	simm.s32 $execute0_lowered;
	[smem:$0x3FD2] =	sst s25  }
0xa6: {  	s4 =	sshll.u32 s26, $0x1;
	_ =	strace $0x80000046;
	[dreg:$0x1] =	wrdreg $0xFFFFFFFF  }
0xa7: {  	s28 =	simm.s32 $_size_execute0_lowered;
	s2 =	sadd.s32 s2, s4;
	[dreg:$0x0] =	wrdreg $0x0  }
0xa8: {  	s4 =	sshll.u32 s28, $0x1;
	[dreg:$0x2] =	wrdreg s2  }
0xa9: {  	[dreg:$0x3] =	wrdreg s4  }
0xaa: {  	[dreg:$0x4] =	wrdreg $0xC0  }
0xab: {  	_ =	task [dreg:s6], $0x5FFFF  }
0xac: {  	[dreg:$0x1] =	wrdreg $0xFFFFFFFF  }
0xad: {  	[dreg:$0x0] =	wrdreg $0x60  }
0xae: {  	[dreg:$0x2] =	wrdreg s24  }
0xaf: {  	[dreg:$0x3] =	wrdreg $0x80800  }
0xb0: {  	[dreg:$0x4] =	wrdreg $0x9  }
0xb1: {  	_ =	task.clear_ibuf [dreg:s6], $0x5FFFF;
	_ =	strace $0x90000046  }
0xb2: {  	s29 =	simm.s32 $0x9;
	_ =	strace $0x80000048  }
0xb3: {  	_ =	swait.ge [sflag:s29], $0x1  }
0xb4: {  	[sflag:s29] =	ssyncadd.s32 $0xFFFFFFFF  }
0xb5: {  	_ =	strace $0x90000048  }
0xb6: {  	_ =	sfence  }
0xb7: {  	s30 =	sld [smem:$0x0];
	_ =	sdelay $0x2  }
0xb8: {  	s31 =	sshll.u32 s1, $0xD;
	s1 =	sshrl.u32 s1, $0x2  }
0xb9: {  	s3 =	sand.u32 $0x4000, s31;
	s1 =	sadd.s32 s1, s30  }
0xba: {  	s0 =	sor.u32 s3, s0;
	s1 =	sshll.u32 s1, $0x11  }
0xbb: {  	s0 =	sor.u32 s1, s0  }
0xbc: {  	s0 =	sadd.s32 $0x8F2B, s0  }
0xbd: {  	[sflag:s0] =	ssyncadd.remote.s32 $0x1  }
0xbe: {  	_ =	sfence.sel $0xFFFF  }
0xbf: {  	[dreg:$0x0] =	wrdreg $0xFFFFFFFF;
	(pc) =	sbr.abs _section_cstart, $3  }
0xc0: {  	[dreg:$0x1] =	wrdreg $0xFFFFFFFF  }
0xc1: {  	_ =	task.clear_ibuf [dreg:s6], $0x2FFFF;
	_ =	strace $0x9FFFFFFF  }
0xc2: {  	(tm) =	ssettm $0x7FFFFFFF  }
0xc3: {  	_ =	shalt  }
tec
execute0_lowered:
.L_overlay_start_1:
0x0: {  	(tag) =	ssettag $0x1  }
0x1: {  	s4 =	rddreg [dreg:$0x0];
	s0 =	srdreg.scid  }
0x2: {  	s2 =	rddreg [dreg:$0x1];
	s1 =	stileid.u32;
	s3 =	simm.s32 $0x0  }
0x3: {  	s12 =	simm.s32 $0x4080;
	s13 =	simm.s32 $0x1;
	s7 =	smul.u32 $0x14000, s1  }
0x4: {  	s14 =	simm.s32 $0x80;
	s17 =	simm.s32 $0x0;
	s8 =	smul.u32 $0xA00, s1  }
0x5: {  	s5 =	sand.u32 $0x1, s0;
	s0 =	rddreg [dreg:$0x2];
	s29 =	smul.u32 $0x50000, s1  }
0x6: {  	[smem:$0x7FF] =	sst s3;
	s15 =	sshll.u32 s1, $0x6;
	s6 =	smul.u32 $0x140000, s5  }
0x7: {  	_ =	strace $0x80000047;
	s30 =	ssub.s32 $0x2, s5;
	s11 =	smul.u32 $0x500, s5  }
0x8: {  	s15 =	sor.u32 $0x1C01, s15;
	s10 =	sadd.s32 s8, s4;
	s6 =	sadd.s32 s7, s6  }
0x9: {  	s31 =	sshrl.u32 s30, $0x1;
	s7 =	sshrl.u32 s29, $0x2;
	s6 =	sshrl.u32 s6, $0x3  }
0xa: {  	s8 =	ssub.s32 s30, s31;
	s11 =	sadd.s32 s11, s10;
	s6 =	sadd.s32 s6, s4  }
0xb: {  	s11 =	sadd.s32 $0x4A00, s11;
	s4 =	sadd.s32 s7, s2;
	s5 =	sadd.s32 $0xEA00, s6  }
0xc: {  	vm0 =	vcmask $0x300;
	v0 =	vimm.f32 $0.0e+00;
	s6 =	smax.u32 s8, $0x1;
	s7 =	sadd.s32 $0x4000, s4;
	s8 =	sadd.s32 $0x8000, s4  }
0xd: {  	v1 =	vsel vm0, $0x3F800000, v0;
	s9 =	sadd.s32 $0xC000, s4;
	s10 =	sadd.s32 $0x10000, s4;
	s16 =	sshrl.u32 s4, $0x3  }
.LBB2_1:
0xe: {  	s18 =	simm.s32 $0x200;
	s19 =	simm.s32 $0x0  }
.LBB2_2:
0xf: {  	p0 =	sne.s32 s18, $0xFE00;
	[tilespmem:s19+$0x80] =	vst v1;
	s20 =	smov.u32 s18;
	s18 =	sadd.s32 $0x200, s18  }
.Ltmp0:
0x10: {  	[tilespmem:s19+$0x4080] =	vst v0;
	(pc) =	sbr.rel @p0 .LBB2_2-.Ltmp0, $2  }
0x11: {  	_ =	sdelay $0x2  }
0x12: {  	s19 =	sshra.s32 s20, $0x2  }
0x13: {  	[tilespmem:s19+$0x80] =	vst v1  }
0x14: {  	[tilespmem:s19+$0x4080] =	vst v0  }
0x15: {  	[spmem:s4] =	stream.linear.scatter [tilespmem:s12], [sflag:$0x1], $0x4000, $0x38;
	[tilespmem:$0xA880] =	vst v63  }
0x16: {  	_ =	swait.ge [sflag:s13], $0x4000  }
0x17: {  	[sflag:s13] =	ssyncset.done $0x0  }
0x18: {  	[sflag:s13] =	ssyncadd.s32 $0xFFFFC000  }
0x19: {  	[spmem:s7] =	stream.linear.scatter [tilespmem:s12], [sflag:$0x1], $0x4000, $0x38;
	[tilespmem:$0xA880] =	vst v63  }
0x1a: {  	_ =	swait.ge [sflag:s13], $0x4000  }
0x1b: {  	[sflag:s13] =	ssyncset.done $0x0  }
0x1c: {  	[sflag:s13] =	ssyncadd.s32 $0xFFFFC000  }
0x1d: {  	[spmem:s8] =	stream.linear.scatter [tilespmem:s12], [sflag:$0x1], $0x4000, $0x38;
	[tilespmem:$0xA880] =	vst v63  }
0x1e: {  	_ =	swait.ge [sflag:s13], $0x4000  }
0x1f: {  	[sflag:s13] =	ssyncset.done $0x0  }
0x20: {  	[sflag:s13] =	ssyncadd.s32 $0xFFFFC000  }
0x21: {  	[spmem:s9] =	stream.linear.scatter [tilespmem:s12], [sflag:$0x1], $0x4000, $0x38;
	[tilespmem:$0xA880] =	vst v63  }
0x22: {  	_ =	swait.ge [sflag:s13], $0x4000  }
0x23: {  	[sflag:s13] =	ssyncset.done $0x0  }
0x24: {  	[sflag:s13] =	ssyncadd.s32 $0xFFFFC000  }
0x25: {  	[spmem:s10] =	stream.linear.scatter [tilespmem:s12], [sflag:$0x1], $0x4000, $0x38;
	[tilespmem:$0xA880] =	vst v63  }
0x26: {  	_ =	swait.ge [sflag:s13], $0x4000  }
0x27: {  	[sflag:s13] =	ssyncset.done $0x0  }
0x28: {  	[sflag:s13] =	ssyncadd.s32 $0xFFFFC000  }
0x29: {  	s18 =	sadd.s32 $0x0, s11;
	[bflag:$0x0] =	sbarrier.arrive $0xFFFF  }
0x2a: {  	[tilespmem:s3], [sflag:$0x1] =	stream.linear.gather [hbm4b:s18+s3], $0x80, $0x38;
	[tilespmem:$0xA880] =	vst v63  }
0x2b: {  	_ =	swait.ge [sflag:s13], $0x80  }
0x2c: {  	[sflag:s13] =	ssyncset.done $0x0  }
0x2d: {  	[sflag:s13] =	ssyncadd.s32 $0xFFFFFF80  }
0x2e: {  	[spmem:s2] =	stream.indirect.scatter.add.f32 [tilespmem:s14], [sflag:$0x1], $0x10, s3, s14, $0xb8;
	[tilespmem:$0xA880] =	vst v63  }
0x2f: {  	_ =	swait.ge [sflag:s13], $0x800  }
0x30: {  	s19 =	simm.s32 $0x20;
	s18 =	simm.s32 $0x10;
	[sflag:s13] =	ssyncset.done $0x0  }
.LBB2_4:
0x31: {  	s20 =	sadd.s32 s18, s11  }
0x32: {  	[sflag:s13] =	ssyncadd.s32 $0xFFFFF800;
	s18 =	smov.u32 s19;
	s21 =	sadd.s32 $0x10, s19  }
0x33: {  	[tilespmem:s3], [sflag:$0x1] =	stream.linear.gather [hbm4b:s20+s3], $0x80, $0x38;
	[tilespmem:$0xA880] =	vst v63  }
0x34: {  	p0 =	sne.s32 s19, $0x4F0;
	_ =	swait.ge [sflag:s13], $0x80  }
.Ltmp1:
0x35: {  	[sflag:s13] =	ssyncset.done $0x0;
	(pc) =	sbr.rel @p0 .LBB2_4-.Ltmp1, $4  }
0x36: {  	[sflag:s13] =	ssyncadd.s32 $0xFFFFFF80  }
0x37: {  	[spmem:s2] =	stream.indirect.scatter.add.f32 [tilespmem:s14], [sflag:$0x1], $0x10, s3, s14, $0xb8;
	[tilespmem:$0xA880] =	vst v63  }
0x38: {  	_ =	swait.ge [sflag:s13], $0x800  }
0x39: {  	s19 =	smov.u32 s21;
	[sflag:s13] =	ssyncset.done $0x0  }
0x3a: {  	s18 =	sadd.s32 s18, s11;
	[sflag:s13] =	ssyncadd.s32 $0xFFFFF800  }
0x3b: {  	[tilespmem:s3], [sflag:$0x1] =	stream.linear.gather [hbm4b:s18+s3], $0x80, $0x38;
	[tilespmem:$0xA880] =	vst v63  }
0x3c: {  	_ =	swait.ge [sflag:s13], $0x80  }
0x3d: {  	[sflag:s13] =	ssyncset.done $0x0  }
0x3e: {  	[sflag:s13] =	ssyncadd.s32 $0xFFFFFF80  }
0x3f: {  	[spmem:s2] =	stream.indirect.scatter.add.f32 [tilespmem:s14], [sflag:$0x1], $0x10, s3, s14, $0xb8;
	[tilespmem:$0xA880] =	vst v63  }
0x40: {  	_ =	swait.ge [sflag:s13], $0x800  }
0x41: {  	s17 =	sadd.s32 $0x1, s17;
	[sflag:s13] =	ssyncset.done $0x0  }
0x42: {  	p0 =	sne.s32 s17, s6;
	[sflag:s13] =	ssyncadd.s32 $0xFFFFF800  }
.Ltmp2:
0x43: {  	[bflag:$0x0] =	sbarrier.arrive $0xFFFF;
	(pc) =	sbr.rel @p0 .LBB2_1-.Ltmp2, $4  }
0x44: {  	[hbm:s5], [sflag:s15] =	dma.local [spmem:s16], $0x2800  }
0x45: {  	_ =	swait.ge [sflag:s13], $0x2800  }
0x46: {  	[sflag:s13] =	ssyncset.done $0x0  }
0x47: {  	[sflag:s13] =	ssyncadd.s32 $0xFFFFD800  }
0x48: {  	_ =	sfence.sel $0x180000  }
0x49: {  	[bflag:$0x0] =	sbarrier.arrive $0xFFFF  }
0x4a: {  	p0 =	sne.s32 s1, $0x0;
	_ =	strace $0x90000047  }
0x4b: {  	s0 =	sadd.s32 @!p0 $0x100000, s0;
	[bflag:$0x2] =	sbarrier.arrive $0xFFFF  }
0x4c: {  	[sflag:s0] =	ssyncadd.tile.s32 @!p0 $0x1;
	_ =	shalt  }
.Lfunc_end2:
_tile_overlayer_lowered:
.L_overlay_start_2:
0x4d: {  	(tag) =	ssettag $0x2  }
0x4e: {  	s0 =	rddreg [dreg:$0x0];
	s2 =	stileid.u32  }
0x4f: {  	s1 =	rddreg [dreg:$0x1];
	p0 =	sne.s32 s2, $0x0  }
0x50: {  	s3 =	rddreg [dreg:$0x2];
	[bflag:$0x3] =	sbarrier.arrive $0xFFFF;
	s2 =	simm.s32 @!p0 $0x1C01  }
0x51: {  	[timem:s3], [sflag:s2] =	dma.local @!p0 [hbm:s0], s1  }
0x52: {  	s0 =	simm.s32 @!p0 $0x1  }
0x53: {  	_ =	swait.ge @!p0 [sflag:s0], s1  }
0x54: {  	s1 =	ssub.s32 @!p0 $0x0, s1;
	[sflag:s0] =	ssyncset.done @!p0 $0x0  }
0x55: {  	[sflag:s0] =	ssyncadd.s32 @!p0 s1  }
0x56: {  	[bflag:$0x3] =	sbarrier.arrive $0xFFFF  }
0x57: {  	_ =	shalt  }

// kernel: kernel.16.cloned.1.call-start
scs
__scs_entry_jumppad:
0x0: {  	(pc) =	sbr.rel $0x88, $3  }
0x1: {  	(tag) =	ssettag $0x0;
	lr =	simm.s32 $0x1  }
0x2: {  	[smem:$0x3F92] =	sst lr;
	_ =	strace $0xD0000000  }
0x3: {  	_ = 	snop  }
0x4: {  	_ = 	snop  }
0x5: {  	_ = 	snop  }
0x6: {  	_ = 	snop  }
0x7: {  	_ = 	snop  }
__scs_overlays_trampoline_lowered:
0x8: {  	[smem:$0x3FA1] =	sst s0  }
0x9: {  	[smem:$0x3FA2] =	sst s1  }
0xa: {  	[smem:$0x3FA3] =	sst s2  }
0xb: {  	[smem:$0x3FA4] =	sst s3  }
0xc: {  	[smem:$0x3FA5] =	sst s4  }
0xd: {  	[smem:$0x3FA6] =	sst s5  }
0xe: {  	[smem:$0x3FA7] =	sst s6  }
0xf: {  	[smem:$0x3FA8] =	sst s7  }
0x10: {  	[smem:$0x3FA9] =	sst s8  }
0x11: {  	[smem:$0x3FAA] =	sst s9;
	s0 =	simm.s32 @!p0 $0x0  }
0x12: {  	s1 =	sld [smem:$0x3F90];
	s0 =	simm.s32 @p0 $0x1  }
0x13: {  	[smem:$0x3FAB] =	sst s0;
	s0 =	simm.s32 @!p1 $0x0  }
0x14: {  	s2 =	sld [smem:$0x3F8F];
	s0 =	simm.s32 @p1 $0x1  }
0x15: {  	[smem:$0x3FAC] =	sst s0;
	s0 =	simm.s32 @!p2 $0x0  }
0x16: {  	s3 =	sld [smem:$0x3FDB];
	s0 =	simm.s32 @p2 $0x1  }
0x17: {  	s4 =	simm.s32 $0x1BF5;
	[smem:$0x3FAE] =	sst s0  }
0x18: {  	s0 =	sld [smem:$0x3F91];
	_ =	swait.ge [sflag:s4], $0x0  }
0x19: {  	s7 =	sld [smem:$0x3F92]  }
0x1a: {  	s8 =	sadd.s32 $0xFFFFE003, lr  }
0x1b: {  	s9 =	sadd.s32 $0xFFFFFEF7, lr;
	s5 =	simm.s32 $0xFFFFFFFF;
	p2 =	slt.u32 s8, $0xFFFFF086  }
0x1c: {  	p1 =	slt.u32 s9, $0xF7A;
	s5 =	simm.s32 @!p2 $0x0  }
0x1d: {  	s5 =	simm.s32 @p1 $0x1;
	p0 =	seq.s32 s7, s2  }
0x1e: {  	s7 =	smul.u32 @!p0 $0xF7A, s2;
	p2 =	seq.s32 @!p0 s5, $0x0  }
0x1f: {  	s9 =	smul.u32 $0xF7A, s1;
	s8 =	simm.s32 @!p0 $0x1BF5;
	p2 =	por !p2, p0  }
0x20: {  	[sflag:s8] =	ssyncset.s32 @!p0 $0xFFFFF086;
	s6 =	sadd.s32 @!p0 s3, s7;
	s7 =	simm.s32 @!p0 $0x108  }
0x21: {  	s3 =	sadd.s32 s3, s9;
	s6 =	sadd.s32 @!p0 $0x88, s6;
	s7 =	simm.s32 @p2 $0x1082  }
0x22: {  	[simem:s7], [sflag:s8] =	dma.local @!p0 [hbm:s6], $0xF7A  }
0x23: {  	s9 =	sor.u32 $0xD0000000, s2;
	s6 =	simm.s32 $0x108;
	_ =	swait.ge @!p0 [sflag:s8], $0x0  }
0x24: {  	s3 =	sadd.s32 $0x88, s3;
	s6 =	simm.s32 @!p1 $0x1082;
	[sflag:s4] =	ssyncset.s32 $0xFFFFF086  }
0x25: {  	[simem:s6], [sflag:s4] =	dma.local [hbm:s3], $0xF7A  }
0x26: {  	[smem:$0x3F92] =	sst s1;
	(tag) =	ssettag s2;
	_ =	strace s9  }
0x27: {  	s1 =	sld [smem:$0x3FA2]  }
0x28: {  	s2 =	sld [smem:$0x3FA3]  }
0x29: {  	s4 =	sld [smem:$0x3FA5]  }
0x2a: {  	p0 =	seq.s32 s5, $0x0;
	s5 =	sld [smem:$0x3FA6]  }
0x2b: {  	s6 =	sld [smem:$0x3FA7]  }
0x2c: {  	s7 =	sld [smem:$0x3FA8]  }
0x2d: {  	s3 =	simm.s32 $0x108;
	s8 =	sld [smem:$0x3FA9]  }
0x2e: {  	s3 =	simm.s32 @!p0 $0x1082;
	s9 =	sld [smem:$0x3FAA]  }
0x2f: {  	lr =	sadd.s32 s0, s3;
	s0 =	sld [smem:$0x3FA1]  }
0x30: {  	s3 =	sld [smem:$0x3FA4]  }
0x31: {  	[smem:$0x3FAD] =	sst s10  }
0x32: {  	s10 =	sld [smem:$0x3FAB];
	_ =	sdelay $0x3  }
0x33: {  	p0 =	seq.s32 s10, $0x1;
	s10 =	sld [smem:$0x3FAD];
	_ =	sdelay $0x3  }
0x34: {  	[smem:$0x3FAD] =	sst s10  }
0x35: {  	s10 =	sld [smem:$0x3FAC];
	_ =	sdelay $0x3  }
0x36: {  	p1 =	seq.s32 s10, $0x1;
	s10 =	sld [smem:$0x3FAD];
	_ =	sdelay $0x3  }
0x37: {  	[smem:$0x3FAD] =	sst s10  }
0x38: {  	s10 =	sld [smem:$0x3FAE]  }
0x39: {  	_ = 	snop;
	(pc) =	sbr.ind lr, $3  }
0x3a: {  	_ = 	snop  }
0x3b: {  	_ = 	snop  }
0x3c: {  	p2 =	seq.s32 s10, $0x1;
	s10 =	sld [smem:$0x3FAD]  }
0x3d: {  	_ =	shalt  }
0x3e: {  	_ =	shalt  }
0x3f: {  	_ =	shalt  }
0x40: {  	_ =	shalt  }
0x41: {  	_ =	shalt  }
0x42: {  	_ =	shalt  }
0x43: {  	_ =	shalt  }
0x44: {  	_ =	shalt  }
0x45: {  	_ =	shalt  }
0x46: {  	_ =	shalt  }
0x47: {  	_ =	shalt  }
0x48: {  	_ =	shalt  }
0x49: {  	_ =	shalt  }
0x4a: {  	_ =	shalt  }
0x4b: {  	_ =	shalt  }
0x4c: {  	_ =	shalt  }
0x4d: {  	_ =	shalt  }
0x4e: {  	_ =	shalt  }
0x4f: {  	_ =	shalt  }
0x50: {  	_ =	shalt  }
0x51: {  	_ =	shalt  }
0x52: {  	_ =	shalt  }
0x53: {  	_ =	shalt  }
0x54: {  	_ =	shalt  }
0x55: {  	_ =	shalt  }
0x56: {  	_ =	shalt  }
0x57: {  	_ =	shalt  }
0x58: {  	_ =	shalt  }
0x59: {  	_ =	shalt  }
0x5a: {  	_ =	shalt  }
0x5b: {  	_ =	shalt  }
0x5c: {  	_ =	shalt  }
0x5d: {  	_ =	shalt  }
0x5e: {  	_ =	shalt  }
0x5f: {  	_ =	shalt  }
0x60: {  	_ =	shalt  }
0x61: {  	_ =	shalt  }
0x62: {  	_ =	shalt  }
0x63: {  	_ =	shalt  }
0x64: {  	_ =	shalt  }
0x65: {  	_ =	shalt  }
0x66: {  	_ =	shalt  }
0x67: {  	_ =	shalt  }
0x68: {  	_ =	shalt  }
0x69: {  	_ =	shalt  }
0x6a: {  	_ =	shalt  }
0x6b: {  	_ =	shalt  }
0x6c: {  	_ =	shalt  }
0x6d: {  	_ =	shalt  }
0x6e: {  	_ =	shalt  }
0x6f: {  	_ =	shalt  }
0x70: {  	_ =	shalt  }
0x71: {  	_ =	shalt  }
0x72: {  	_ =	shalt  }
0x73: {  	_ =	shalt  }
0x74: {  	_ =	shalt  }
0x75: {  	_ =	shalt  }
0x76: {  	_ =	shalt  }
0x77: {  	_ =	shalt  }
0x78: {  	_ =	shalt  }
0x79: {  	_ =	shalt  }
0x7a: {  	_ =	shalt  }
0x7b: {  	_ =	shalt  }
0x7c: {  	_ =	shalt  }
0x7d: {  	_ =	shalt  }
0x7e: {  	_ =	shalt  }
0x7f: {  	_ =	shalt  }
0x80: {  	_ =	shalt  }
0x81: {  	_ =	shalt  }
0x82: {  	_ =	shalt  }
0x83: {  	_ =	shalt  }
0x84: {  	_ =	shalt  }
0x85: {  	_ =	shalt  }
0x86: {  	_ =	shalt  }
0x87: {  	_ =	shalt  }
.Lfunc_end0:
.L_simem_size_0:
called_computation.1_lowered:
.L_overlay_start_0:
0x88: {  	s2 =	sld [smem:$0x3FD9]  }
0x89: {  	s3 =	sld [smem:$0x3FFE];
	_ =	sdelay $0x1  }
0x8a: {  	s1 =	srdreg.scid  }
0x8b: {  	s0 =	sand.u32 $0x1, s1  }
0x8c: {  	s16 =	sshll.u32 s0, $0xA;
	s2 =	sadd.s32 s3, s2  }
0x8d: {  	s2 =	sadd.s32 s2, s16  }
0x8e: {  	[smem:$0x3FB9] =	sst s2  }
0x8f: {  	_ = 	snop  }
0x90: {  	(tm) =	ssettm $0x1  }
0x91: {  	s17 =	sld [smem:$0x3FFB];
	_ =	sdelay $0x3  }
0x92: {  	_ =	strace s17  }
0x93: {  	s2 =	sld [smem:$0x3FFC];
	_ =	sdelay $0x3  }
0x94: {  	_ =	strace s2  }
0x95: {  	s2 =	sld [smem:$0x3FFD];
	_ =	sdelay $0x3  }
0x96: {  	_ =	strace s2  }
0x97: {  	_ =	strace $0x8FFFFFFF  }
0x98: {  	s18 =	sld [smem:$0x3FDB];
	_ =	sdelay $0x1  }
0x99: {  	s19 =	simm.s32 $_scs_section_size  }
0x9a: {  	s4 =	simm.s32 $_size__tile_overlayer_lowered;
	s5 =	simm.s32 $_tile_overlayer_lowered  }
0x9b: {  	s22 =	simm.s32 $0x1BFF;
	s21 =	sshll.u32 s5, $0x1;
	s2 =	sadd.s32 s19, s18  }
0x9c: {  	s6 =	simm.s32 $0x0;
	s20 =	sshll.u32 s4, $0x1;
	s4 =	sadd.s32 s21, s2  }
0x9d: {  	[timem:s6], [sflag:s22] =	dma.local [hbm:s4], s20  }
0x9e: {  	_ =	swait.ge [sflag:s22], s20  }
0x9f: {  	s3 =	ssub.s32 $0x0, s20;
	[sflag:s22] =	ssyncset.done $0x0  }
0xa0: {  	[sflag:s22] =	ssyncadd.s32 s3;
	_ =	sdelay $0x1  }
0xa1: {  	s23 =	simm.s32 $0x1B8B  }
0xa2: {  	_ =	swait.ge [sflag:s23], $0x1  }
0xa3: {  	[sflag:s23] =	ssyncset.done $0x0  }
0xa4: {  	s25 =	simm.s32 $0x1B8E;
	s24 =	sld [smem:$0x3FFE];
	[sflag:s23] =	ssyncadd.s32 $0xFFFFFFFF  }
0xa5: {  	s26 =	simm.s32 $execute0_lowered;
	[smem:$0x3FD2] =	sst s25  }
0xa6: {  	s4 =	sshll.u32 s26, $0x1;
	_ =	strace $0x80000049;
	[dreg:$0x1] =	wrdreg $0xFFFFFFFF  }
0xa7: {  	s28 =	simm.s32 $_size_execute0_lowered;
	s2 =	sadd.s32 s2, s4;
	[dreg:$0x0] =	wrdreg $0x0  }
0xa8: {  	s4 =	sshll.u32 s28, $0x1;
	[dreg:$0x2] =	wrdreg s2  }
0xa9: {  	[dreg:$0x3] =	wrdreg s4  }
0xaa: {  	[dreg:$0x4] =	wrdreg $0xC0  }
0xab: {  	_ =	task [dreg:s6], $0x5FFFF  }
0xac: {  	[dreg:$0x1] =	wrdreg $0xFFFFFFFF  }
0xad: {  	[dreg:$0x0] =	wrdreg $0x60  }
0xae: {  	[dreg:$0x2] =	wrdreg s24  }
0xaf: {  	[dreg:$0x3] =	wrdreg $0x81000  }
0xb0: {  	[dreg:$0x4] =	wrdreg $0x9  }
0xb1: {  	_ =	task.clear_ibuf [dreg:s6], $0x5FFFF;
	_ =	strace $0x90000049  }
0xb2: {  	s29 =	simm.s32 $0x9;
	_ =	strace $0x8000004B  }
0xb3: {  	_ =	swait.ge [sflag:s29], $0x1  }
0xb4: {  	[sflag:s29] =	ssyncadd.s32 $0xFFFFFFFF  }
0xb5: {  	_ =	strace $0x9000004B  }
0xb6: {  	_ =	sfence  }
0xb7: {  	s30 =	sld [smem:$0x0];
	_ =	sdelay $0x2  }
0xb8: {  	s31 =	sshll.u32 s1, $0xD;
	s1 =	sshrl.u32 s1, $0x2  }
0xb9: {  	s3 =	sand.u32 $0x4000, s31;
	s1 =	sadd.s32 s1, s30  }
0xba: {  	s0 =	sor.u32 s3, s0;
	s1 =	sshll.u32 s1, $0x11  }
0xbb: {  	s0 =	sor.u32 s1, s0  }
0xbc: {  	s0 =	sadd.s32 $0x8F2B, s0  }
0xbd: {  	[sflag:s0] =	ssyncadd.remote.s32 $0x1  }
0xbe: {  	_ =	sfence.sel $0xFFFF  }
0xbf: {  	[dreg:$0x0] =	wrdreg $0xFFFFFFFF;
	(pc) =	sbr.abs _section_cstart, $3  }
0xc0: {  	[dreg:$0x1] =	wrdreg $0xFFFFFFFF  }
0xc1: {  	_ =	task.clear_ibuf [dreg:s6], $0x2FFFF;
	_ =	strace $0x9FFFFFFF  }
0xc2: {  	(tm) =	ssettm $0x7FFFFFFF  }
0xc3: {  	_ =	shalt  }
tec
execute0_lowered:
.L_overlay_start_1:
0x0: {  	(tag) =	ssettag $0x1  }
0x1: {  	s5 =	rddreg [dreg:$0x0]  }
0x2: {  	s1 =	rddreg [dreg:$0x1];
	s2 =	srdreg.scid  }
0x3: {  	s0 =	rddreg [dreg:$0x2];
	s3 =	simm.s32 $0x0;
	s14 =	simm.s32 $0x4100  }
0x4: {  	s15 =	simm.s32 $0x2;
	s16 =	simm.s32 $0x80;
	s6 =	sand.u32 $0x1, s2  }
0x5: {  	s17 =	simm.s32 $0x100;
	s2 =	stileid.u32;
	s7 =	smul.u32 $0x140000, s6  }
0x6: {  	s18 =	simm.s32 $0x1;
	s21 =	simm.s32 $0x0;
	s8 =	smul.u32 $0x14000, s2  }
0x7: {  	[smem:$0x7FF] =	sst s3;
	s4 =	sadd.s32 $0x36A00, s5;
	s9 =	smul.u32 $0xA00, s2  }
0x8: {  	_ =	strace $0x8000004A;
	s29 =	smul.u32 $0x50000, s2;
	s30 =	ssub.s32 $0x2, s6  }
0x9: {  	s12 =	smul.u32 $0x500, s6;
	s19 =	sshll.u32 s2, $0x6;
	s31 =	sshrl.u32 s30, $0x1  }
0xa: {  	s19 =	sor.u32 $0x1C02, s19;
	s7 =	sadd.s32 s8, s7;
	s11 =	sadd.s32 s9, s5  }
0xb: {  	s8 =	sshrl.u32 s29, $0x2;
	s9 =	ssub.s32 s30, s31;
	s7 =	sshrl.u32 s7, $0x3  }
0xc: {  	s13 =	sadd.s32 s12, s11;
	s7 =	sadd.s32 s7, s5;
	s5 =	sadd.s32 s8, s1  }
0xd: {  	s12 =	sadd.s32 $0x4A00, s13;
	s13 =	sadd.s32 $0x5EA00, s13;
	s6 =	sadd.s32 $0x68A00, s7  }
0xe: {  	s7 =	smax.u32 s9, $0x1;
	s8 =	sadd.s32 $0x4000, s5;
	s9 =	sadd.s32 $0x8000, s5  }
0xf: {  	v0 =	vimm.f32 $0.0e+00;
	s10 =	sadd.s32 $0xC000, s5;
	s11 =	sadd.s32 $0x10000, s5;
	s20 =	sshrl.u32 s5, $0x3  }
.LBB2_1:
0x10: {  	s22 =	simm.s32 $0x0;
	s23 =	simm.s32 $0x200  }
.LBB2_2:
0x11: {  	p0 =	sne.s32 s23, $0xFE00;
	[tilespmem:s22+$0x4170] =	vst v0  }
0x12: {  	[tilespmem:s22+$0x4100] =	vst v0  }
0x13: {  	[tilespmem:s22+$0x4110] =	vst v0  }
.Ltmp0:
0x14: {  	[tilespmem:s22+$0x4120] =	vst v0;
	(pc) =	sbr.rel @p0 .LBB2_2-.Ltmp0, $4  }
0x15: {  	[tilespmem:s22+$0x4130] =	vst v0  }
0x16: {  	[tilespmem:s22+$0x4140] =	vst v0  }
0x17: {  	[tilespmem:s22+$0x4150] =	vst v0  }
0x18: {  	[tilespmem:s22+$0x4160] =	vst v0;
	s22 =	sshra.s32 s23, $0x2;
	s23 =	sadd.s32 $0x200, s23  }
0x19: {  	[tilespmem:s22+$0x4170] =	vst v0  }
0x1a: {  	[tilespmem:s22+$0x4100] =	vst v0  }
0x1b: {  	[tilespmem:s22+$0x4110] =	vst v0  }
0x1c: {  	[tilespmem:s22+$0x4120] =	vst v0  }
0x1d: {  	[tilespmem:s22+$0x4130] =	vst v0  }
0x1e: {  	[tilespmem:s22+$0x4140] =	vst v0  }
0x1f: {  	[tilespmem:s22+$0x4150] =	vst v0  }
0x20: {  	[tilespmem:s22+$0x4160] =	vst v0  }
0x21: {  	[spmem:s5] =	stream.linear.scatter [tilespmem:s14], [sflag:$0x2], $0x4000, $0x38;
	[tilespmem:$0x1C100] =	vst v63  }
0x22: {  	_ =	swait.ge [sflag:s15], $0x4000  }
0x23: {  	[sflag:s15] =	ssyncset.done $0x0  }
0x24: {  	[sflag:s15] =	ssyncadd.s32 $0xFFFFC000  }
0x25: {  	[spmem:s8] =	stream.linear.scatter [tilespmem:s14], [sflag:$0x2], $0x4000, $0x38;
	[tilespmem:$0x1C100] =	vst v63  }
0x26: {  	_ =	swait.ge [sflag:s15], $0x4000  }
0x27: {  	[sflag:s15] =	ssyncset.done $0x0  }
0x28: {  	[sflag:s15] =	ssyncadd.s32 $0xFFFFC000  }
0x29: {  	[spmem:s9] =	stream.linear.scatter [tilespmem:s14], [sflag:$0x2], $0x4000, $0x38;
	[tilespmem:$0x1C100] =	vst v63  }
0x2a: {  	_ =	swait.ge [sflag:s15], $0x4000  }
0x2b: {  	[sflag:s15] =	ssyncset.done $0x0  }
0x2c: {  	[sflag:s15] =	ssyncadd.s32 $0xFFFFC000  }
0x2d: {  	[spmem:s10] =	stream.linear.scatter [tilespmem:s14], [sflag:$0x2], $0x4000, $0x38;
	[tilespmem:$0x1C100] =	vst v63  }
0x2e: {  	_ =	swait.ge [sflag:s15], $0x4000  }
0x2f: {  	[sflag:s15] =	ssyncset.done $0x0  }
0x30: {  	[sflag:s15] =	ssyncadd.s32 $0xFFFFC000  }
0x31: {  	[spmem:s11] =	stream.linear.scatter [tilespmem:s14], [sflag:$0x2], $0x4000, $0x38;
	[tilespmem:$0x1C100] =	vst v63  }
0x32: {  	_ =	swait.ge [sflag:s15], $0x4000  }
0x33: {  	[sflag:s15] =	ssyncset.done $0x0  }
0x34: {  	[sflag:s15] =	ssyncadd.s32 $0xFFFFC000  }
0x35: {  	s30 =	sadd.s32 $0x0, s13;
	[bflag:$0x0] =	sbarrier.arrive $0xFFFF  }
0x36: {  	[tilespmem:s3], [sflag:$0x2] =	stream.linear.gather [hbm4b:s30+s3], $0x80, $0x38;
	[tilespmem:$0x1C100] =	vst v63  }
0x37: {  	_ =	swait.ge [sflag:s15], $0x80  }
0x38: {  	[sflag:s15] =	ssyncset.done $0x0  }
0x39: {  	s31 =	sadd.s32 $0x0, s12;
	[sflag:s15] =	ssyncadd.s32 $0xFFFFFF80  }
0x3a: {  	[tilespmem:s16], [sflag:$0x2] =	stream.linear.gather [hbm4b:s31+s3], $0x80, $0x38;
	[tilespmem:$0x1C100] =	vst v63  }
0x3b: {  	_ =	swait.ge [sflag:s15], $0x80  }
0x3c: {  	[sflag:s15] =	ssyncset.done $0x0  }
0x3d: {  	[sflag:s15] =	ssyncadd.s32 $0xFFFFFF80  }
0x3e: {  	[tilespmem:s17], [sflag:$0x1] =	stream.indirect.gather [hbm4b:s4+s16], $0x80, s3, s16, $0xb8;
	[tilespmem:$0x1C100] =	vst v63  }
0x3f: {  	_ =	swait.ge [sflag:s18], $0x4000  }
0x40: {  	[sflag:s18] =	ssyncset.done $0x0  }
0x41: {  	[sflag:s18] =	ssyncadd.s32 $0xFFFFC000  }
0x42: {  	[spmem:s1] =	stream.indirect.scatter.add.f32 [tilespmem:s17], [sflag:$0x2], $0x80, s16, s16, $0xb8;
	[tilespmem:$0x1C100] =	vst v63  }
0x43: {  	_ =	swait.ge [sflag:s15], $0x4000  }
0x44: {  	s22 =	simm.s32 $0x10;
	s23 =	simm.s32 $0x20;
	[sflag:s15] =	ssyncset.done $0x0  }
.LBB2_4:
0x45: {  	s24 =	sadd.s32 s22, s13  }
0x46: {  	[sflag:s15] =	ssyncadd.s32 $0xFFFFC000;
	s25 =	smov.u32 s23;
	s26 =	sadd.s32 $0x10, s23  }
0x47: {  	[tilespmem:s3], [sflag:$0x2] =	stream.linear.gather [hbm4b:s24+s3], $0x80, $0x38;
	[tilespmem:$0x1C100] =	vst v63  }
0x48: {  	p0 =	sne.s32 s23, $0x4F0;
	_ =	swait.ge [sflag:s15], $0x80  }
0x49: {  	[sflag:s15] =	ssyncset.done $0x0  }
0x4a: {  	s23 =	sadd.s32 s22, s12;
	s22 =	smov.u32 s25;
	[sflag:s15] =	ssyncadd.s32 $0xFFFFFF80  }
0x4b: {  	[tilespmem:s16], [sflag:$0x2] =	stream.linear.gather [hbm4b:s23+s3], $0x80, $0x38;
	[tilespmem:$0x1C100] =	vst v63  }
0x4c: {  	_ =	swait.ge [sflag:s15], $0x80  }
0x4d: {  	[sflag:s15] =	ssyncset.done $0x0  }
0x4e: {  	[sflag:s15] =	ssyncadd.s32 $0xFFFFFF80  }
0x4f: {  	[tilespmem:s17], [sflag:$0x1] =	stream.indirect.gather [hbm4b:s4+s16], $0x80, s3, s16, $0xb8;
	[tilespmem:$0x1C100] =	vst v63  }
0x50: {  	_ =	swait.ge [sflag:s18], $0x4000  }
.Ltmp1:
0x51: {  	[sflag:s18] =	ssyncset.done $0x0;
	(pc) =	sbr.rel @p0 .LBB2_4-.Ltmp1, $4  }
0x52: {  	[sflag:s18] =	ssyncadd.s32 $0xFFFFC000  }
0x53: {  	[spmem:s1] =	stream.indirect.scatter.add.f32 [tilespmem:s17], [sflag:$0x2], $0x80, s16, s16, $0xb8;
	[tilespmem:$0x1C100] =	vst v63  }
0x54: {  	_ =	swait.ge [sflag:s15], $0x4000  }
0x55: {  	s23 =	smov.u32 s26;
	[sflag:s15] =	ssyncset.done $0x0  }
0x56: {  	s23 =	sadd.s32 s22, s13;
	[sflag:s15] =	ssyncadd.s32 $0xFFFFC000  }
0x57: {  	[tilespmem:s3], [sflag:$0x2] =	stream.linear.gather [hbm4b:s23+s3], $0x80, $0x38;
	[tilespmem:$0x1C100] =	vst v63  }
0x58: {  	_ =	swait.ge [sflag:s15], $0x80  }
0x59: {  	[sflag:s15] =	ssyncset.done $0x0  }
0x5a: {  	s31 =	sadd.s32 s22, s12;
	[sflag:s15] =	ssyncadd.s32 $0xFFFFFF80  }
0x5b: {  	[tilespmem:s16], [sflag:$0x2] =	stream.linear.gather [hbm4b:s31+s3], $0x80, $0x38;
	[tilespmem:$0x1C100] =	vst v63  }
0x5c: {  	_ =	swait.ge [sflag:s15], $0x80  }
0x5d: {  	[sflag:s15] =	ssyncset.done $0x0  }
0x5e: {  	[sflag:s15] =	ssyncadd.s32 $0xFFFFFF80  }
0x5f: {  	[tilespmem:s17], [sflag:$0x1] =	stream.indirect.gather [hbm4b:s4+s16], $0x80, s3, s16, $0xb8;
	[tilespmem:$0x1C100] =	vst v63  }
0x60: {  	_ =	swait.ge [sflag:s18], $0x4000  }
0x61: {  	[sflag:s18] =	ssyncset.done $0x0  }
0x62: {  	[sflag:s18] =	ssyncadd.s32 $0xFFFFC000  }
0x63: {  	[spmem:s1] =	stream.indirect.scatter.add.f32 [tilespmem:s17], [sflag:$0x2], $0x80, s16, s16, $0xb8;
	[tilespmem:$0x1C100] =	vst v63  }
0x64: {  	_ =	swait.ge [sflag:s15], $0x4000  }
0x65: {  	s21 =	sadd.s32 $0x1, s21;
	[sflag:s15] =	ssyncset.done $0x0  }
0x66: {  	p0 =	sne.s32 s21, s7;
	[sflag:s15] =	ssyncadd.s32 $0xFFFFC000  }
.Ltmp2:
0x67: {  	[bflag:$0x0] =	sbarrier.arrive $0xFFFF;
	(pc) =	sbr.rel @p0 .LBB2_1-.Ltmp2, $4  }
0x68: {  	[hbm:s6], [sflag:s19] =	dma.local [spmem:s20], $0x2800  }
0x69: {  	_ =	swait.ge [sflag:s15], $0x2800  }
0x6a: {  	[sflag:s15] =	ssyncset.done $0x0  }
0x6b: {  	[sflag:s15] =	ssyncadd.s32 $0xFFFFD800  }
0x6c: {  	_ =	sfence.sel $0x180000  }
0x6d: {  	[bflag:$0x0] =	sbarrier.arrive $0xFFFF  }
0x6e: {  	p0 =	sne.s32 s2, $0x0;
	_ =	strace $0x9000004A  }
0x6f: {  	s0 =	sadd.s32 @!p0 $0x100000, s0;
	[bflag:$0x2] =	sbarrier.arrive $0xFFFF  }
0x70: {  	[sflag:s0] =	ssyncadd.tile.s32 @!p0 $0x1;
	_ =	shalt  }
.Lfunc_end2:
_tile_overlayer_lowered:
.L_overlay_start_2:
0x71: {  	(tag) =	ssettag $0x2  }
0x72: {  	s0 =	rddreg [dreg:$0x0];
	s2 =	stileid.u32  }
0x73: {  	s1 =	rddreg [dreg:$0x1];
	p0 =	sne.s32 s2, $0x0  }
0x74: {  	s3 =	rddreg [dreg:$0x2];
	[bflag:$0x3] =	sbarrier.arrive $0xFFFF;
	s2 =	simm.s32 @!p0 $0x1C02  }
0x75: {  	[timem:s3], [sflag:s2] =	dma.local @!p0 [hbm:s0], s1  }
0x76: {  	s0 =	simm.s32 @!p0 $0x2  }
0x77: {  	_ =	swait.ge @!p0 [sflag:s0], s1  }
0x78: {  	s1 =	ssub.s32 @!p0 $0x0, s1;
	[sflag:s0] =	ssyncset.done @!p0 $0x0  }
0x79: {  	[sflag:s0] =	ssyncadd.s32 @!p0 s1  }
0x7a: {  	[bflag:$0x3] =	sbarrier.arrive $0xFFFF  }
0x7b: {  	_ =	shalt  }

// kernel: kernel.19.cloned.1.call-start
scs
__scs_entry_jumppad:
0x0: {  	(pc) =	sbr.rel $0x88, $3  }
0x1: {  	(tag) =	ssettag $0x0;
	lr =	simm.s32 $0x1  }
0x2: {  	[smem:$0x3F92] =	sst lr;
	_ =	strace $0xD0000000  }
0x3: {  	_ = 	snop  }
0x4: {  	_ = 	snop  }
0x5: {  	_ = 	snop  }
0x6: {  	_ = 	snop  }
0x7: {  	_ = 	snop  }
__scs_overlays_trampoline_lowered:
0x8: {  	[smem:$0x3FA1] =	sst s0  }
0x9: {  	[smem:$0x3FA2] =	sst s1  }
0xa: {  	[smem:$0x3FA3] =	sst s2  }
0xb: {  	[smem:$0x3FA4] =	sst s3  }
0xc: {  	[smem:$0x3FA5] =	sst s4  }
0xd: {  	[smem:$0x3FA6] =	sst s5  }
0xe: {  	[smem:$0x3FA7] =	sst s6  }
0xf: {  	[smem:$0x3FA8] =	sst s7  }
0x10: {  	[smem:$0x3FA9] =	sst s8  }
0x11: {  	[smem:$0x3FAA] =	sst s9;
	s0 =	simm.s32 @!p0 $0x0  }
0x12: {  	s1 =	sld [smem:$0x3F90];
	s0 =	simm.s32 @p0 $0x1  }
0x13: {  	[smem:$0x3FAB] =	sst s0;
	s0 =	simm.s32 @!p1 $0x0  }
0x14: {  	s2 =	sld [smem:$0x3F8F];
	s0 =	simm.s32 @p1 $0x1  }
0x15: {  	[smem:$0x3FAC] =	sst s0;
	s0 =	simm.s32 @!p2 $0x0  }
0x16: {  	s3 =	sld [smem:$0x3FDB];
	s0 =	simm.s32 @p2 $0x1  }
0x17: {  	s4 =	simm.s32 $0x1BF5;
	[smem:$0x3FAE] =	sst s0  }
0x18: {  	s0 =	sld [smem:$0x3F91];
	_ =	swait.ge [sflag:s4], $0x0  }
0x19: {  	s7 =	sld [smem:$0x3F92]  }
0x1a: {  	s8 =	sadd.s32 $0xFFFFE003, lr  }
0x1b: {  	s9 =	sadd.s32 $0xFFFFFEF7, lr;
	s5 =	simm.s32 $0xFFFFFFFF;
	p2 =	slt.u32 s8, $0xFFFFF086  }
0x1c: {  	p1 =	slt.u32 s9, $0xF7A;
	s5 =	simm.s32 @!p2 $0x0  }
0x1d: {  	s5 =	simm.s32 @p1 $0x1;
	p0 =	seq.s32 s7, s2  }
0x1e: {  	s7 =	smul.u32 @!p0 $0xF7A, s2;
	p2 =	seq.s32 @!p0 s5, $0x0  }
0x1f: {  	s9 =	smul.u32 $0xF7A, s1;
	s8 =	simm.s32 @!p0 $0x1BF5;
	p2 =	por !p2, p0  }
0x20: {  	[sflag:s8] =	ssyncset.s32 @!p0 $0xFFFFF086;
	s6 =	sadd.s32 @!p0 s3, s7;
	s7 =	simm.s32 @!p0 $0x108  }
0x21: {  	s3 =	sadd.s32 s3, s9;
	s6 =	sadd.s32 @!p0 $0x88, s6;
	s7 =	simm.s32 @p2 $0x1082  }
0x22: {  	[simem:s7], [sflag:s8] =	dma.local @!p0 [hbm:s6], $0xF7A  }
0x23: {  	s9 =	sor.u32 $0xD0000000, s2;
	s6 =	simm.s32 $0x108;
	_ =	swait.ge @!p0 [sflag:s8], $0x0  }
0x24: {  	s3 =	sadd.s32 $0x88, s3;
	s6 =	simm.s32 @!p1 $0x1082;
	[sflag:s4] =	ssyncset.s32 $0xFFFFF086  }
0x25: {  	[simem:s6], [sflag:s4] =	dma.local [hbm:s3], $0xF7A  }
0x26: {  	[smem:$0x3F92] =	sst s1;
	(tag) =	ssettag s2;
	_ =	strace s9  }
0x27: {  	s1 =	sld [smem:$0x3FA2]  }
0x28: {  	s2 =	sld [smem:$0x3FA3]  }
0x29: {  	s4 =	sld [smem:$0x3FA5]  }
0x2a: {  	p0 =	seq.s32 s5, $0x0;
	s5 =	sld [smem:$0x3FA6]  }
0x2b: {  	s6 =	sld [smem:$0x3FA7]  }
0x2c: {  	s7 =	sld [smem:$0x3FA8]  }
0x2d: {  	s3 =	simm.s32 $0x108;
	s8 =	sld [smem:$0x3FA9]  }
0x2e: {  	s3 =	simm.s32 @!p0 $0x1082;
	s9 =	sld [smem:$0x3FAA]  }
0x2f: {  	lr =	sadd.s32 s0, s3;
	s0 =	sld [smem:$0x3FA1]  }
0x30: {  	s3 =	sld [smem:$0x3FA4]  }
0x31: {  	[smem:$0x3FAD] =	sst s10  }
0x32: {  	s10 =	sld [smem:$0x3FAB];
	_ =	sdelay $0x3  }
0x33: {  	p0 =	seq.s32 s10, $0x1;
	s10 =	sld [smem:$0x3FAD];
	_ =	sdelay $0x3  }
0x34: {  	[smem:$0x3FAD] =	sst s10  }
0x35: {  	s10 =	sld [smem:$0x3FAC];
	_ =	sdelay $0x3  }
0x36: {  	p1 =	seq.s32 s10, $0x1;
	s10 =	sld [smem:$0x3FAD];
	_ =	sdelay $0x3  }
0x37: {  	[smem:$0x3FAD] =	sst s10  }
0x38: {  	s10 =	sld [smem:$0x3FAE]  }
0x39: {  	_ = 	snop;
	(pc) =	sbr.ind lr, $3  }
0x3a: {  	_ = 	snop  }
0x3b: {  	_ = 	snop  }
0x3c: {  	p2 =	seq.s32 s10, $0x1;
	s10 =	sld [smem:$0x3FAD]  }
0x3d: {  	_ =	shalt  }
0x3e: {  	_ =	shalt  }
0x3f: {  	_ =	shalt  }
0x40: {  	_ =	shalt  }
0x41: {  	_ =	shalt  }
0x42: {  	_ =	shalt  }
0x43: {  	_ =	shalt  }
0x44: {  	_ =	shalt  }
0x45: {  	_ =	shalt  }
0x46: {  	_ =	shalt  }
0x47: {  	_ =	shalt  }
0x48: {  	_ =	shalt  }
0x49: {  	_ =	shalt  }
0x4a: {  	_ =	shalt  }
0x4b: {  	_ =	shalt  }
0x4c: {  	_ =	shalt  }
0x4d: {  	_ =	shalt  }
0x4e: {  	_ =	shalt  }
0x4f: {  	_ =	shalt  }
0x50: {  	_ =	shalt  }
0x51: {  	_ =	shalt  }
0x52: {  	_ =	shalt  }
0x53: {  	_ =	shalt  }
0x54: {  	_ =	shalt  }
0x55: {  	_ =	shalt  }
0x56: {  	_ =	shalt  }
0x57: {  	_ =	shalt  }
0x58: {  	_ =	shalt  }
0x59: {  	_ =	shalt  }
0x5a: {  	_ =	shalt  }
0x5b: {  	_ =	shalt  }
0x5c: {  	_ =	shalt  }
0x5d: {  	_ =	shalt  }
0x5e: {  	_ =	shalt  }
0x5f: {  	_ =	shalt  }
0x60: {  	_ =	shalt  }
0x61: {  	_ =	shalt  }
0x62: {  	_ =	shalt  }
0x63: {  	_ =	shalt  }
0x64: {  	_ =	shalt  }
0x65: {  	_ =	shalt  }
0x66: {  	_ =	shalt  }
0x67: {  	_ =	shalt  }
0x68: {  	_ =	shalt  }
0x69: {  	_ =	shalt  }
0x6a: {  	_ =	shalt  }
0x6b: {  	_ =	shalt  }
0x6c: {  	_ =	shalt  }
0x6d: {  	_ =	shalt  }
0x6e: {  	_ =	shalt  }
0x6f: {  	_ =	shalt  }
0x70: {  	_ =	shalt  }
0x71: {  	_ =	shalt  }
0x72: {  	_ =	shalt  }
0x73: {  	_ =	shalt  }
0x74: {  	_ =	shalt  }
0x75: {  	_ =	shalt  }
0x76: {  	_ =	shalt  }
0x77: {  	_ =	shalt  }
0x78: {  	_ =	shalt  }
0x79: {  	_ =	shalt  }
0x7a: {  	_ =	shalt  }
0x7b: {  	_ =	shalt  }
0x7c: {  	_ =	shalt  }
0x7d: {  	_ =	shalt  }
0x7e: {  	_ =	shalt  }
0x7f: {  	_ =	shalt  }
0x80: {  	_ =	shalt  }
0x81: {  	_ =	shalt  }
0x82: {  	_ =	shalt  }
0x83: {  	_ =	shalt  }
0x84: {  	_ =	shalt  }
0x85: {  	_ =	shalt  }
0x86: {  	_ =	shalt  }
0x87: {  	_ =	shalt  }
.Lfunc_end0:
.L_simem_size_0:
called_computation.2_lowered:
.L_overlay_start_0:
0x88: {  	s2 =	sld [smem:$0x3FD9]  }
0x89: {  	s3 =	sld [smem:$0x3FFE];
	_ =	sdelay $0x1  }
0x8a: {  	s1 =	srdreg.scid  }
0x8b: {  	s0 =	sand.u32 $0x1, s1  }
0x8c: {  	s16 =	sshll.u32 s0, $0xA;
	s2 =	sadd.s32 s3, s2  }
0x8d: {  	s2 =	sadd.s32 s2, s16  }
0x8e: {  	[smem:$0x3FB9] =	sst s2  }
0x8f: {  	_ = 	snop  }
0x90: {  	(tm) =	ssettm $0x1  }
0x91: {  	s17 =	sld [smem:$0x3FFB];
	_ =	sdelay $0x3  }
0x92: {  	_ =	strace s17  }
0x93: {  	s2 =	sld [smem:$0x3FFC];
	_ =	sdelay $0x3  }
0x94: {  	_ =	strace s2  }
0x95: {  	s2 =	sld [smem:$0x3FFD];
	_ =	sdelay $0x3  }
0x96: {  	_ =	strace s2  }
0x97: {  	_ =	strace $0x8FFFFFFF  }
0x98: {  	s18 =	sld [smem:$0x3FDB];
	_ =	sdelay $0x1  }
0x99: {  	s19 =	simm.s32 $_scs_section_size  }
0x9a: {  	s4 =	simm.s32 $_size__tile_overlayer_lowered;
	s5 =	simm.s32 $_tile_overlayer_lowered  }
0x9b: {  	s22 =	simm.s32 $0x1BFF;
	s21 =	sshll.u32 s5, $0x1;
	s2 =	sadd.s32 s19, s18  }
0x9c: {  	s6 =	simm.s32 $0x0;
	s20 =	sshll.u32 s4, $0x1;
	s4 =	sadd.s32 s21, s2  }
0x9d: {  	[timem:s6], [sflag:s22] =	dma.local [hbm:s4], s20  }
0x9e: {  	_ =	swait.ge [sflag:s22], s20  }
0x9f: {  	s3 =	ssub.s32 $0x0, s20;
	[sflag:s22] =	ssyncset.done $0x0  }
0xa0: {  	[sflag:s22] =	ssyncadd.s32 s3;
	_ =	sdelay $0x1  }
0xa1: {  	s23 =	simm.s32 $0x1B8B  }
0xa2: {  	_ =	swait.ge [sflag:s23], $0x1  }
0xa3: {  	[sflag:s23] =	ssyncset.done $0x0  }
0xa4: {  	s25 =	simm.s32 $0x1B8E;
	s24 =	sld [smem:$0x3FFE];
	[sflag:s23] =	ssyncadd.s32 $0xFFFFFFFF  }
0xa5: {  	s26 =	simm.s32 $execute0_lowered;
	[smem:$0x3FD2] =	sst s25  }
0xa6: {  	s4 =	sshll.u32 s26, $0x1;
	_ =	strace $0x8000004C;
	[dreg:$0x1] =	wrdreg $0xFFFFFFFF  }
0xa7: {  	s28 =	simm.s32 $_size_execute0_lowered;
	s2 =	sadd.s32 s2, s4;
	[dreg:$0x0] =	wrdreg $0x0  }
0xa8: {  	s4 =	sshll.u32 s28, $0x1;
	[dreg:$0x2] =	wrdreg s2  }
0xa9: {  	[dreg:$0x3] =	wrdreg s4  }
0xaa: {  	[dreg:$0x4] =	wrdreg $0xC0  }
0xab: {  	_ =	task [dreg:s6], $0x5FFFF  }
0xac: {  	[dreg:$0x1] =	wrdreg $0xFFFFFFFF  }
0xad: {  	[dreg:$0x0] =	wrdreg $0x60  }
0xae: {  	[dreg:$0x2] =	wrdreg s24  }
0xaf: {  	[dreg:$0x3] =	wrdreg $0x81000  }
0xb0: {  	[dreg:$0x4] =	wrdreg $0x9  }
0xb1: {  	_ =	task.clear_ibuf [dreg:s6], $0x5FFFF;
	_ =	strace $0x9000004C  }
0xb2: {  	s29 =	simm.s32 $0x9;
	_ =	strace $0x8000004E  }
0xb3: {  	_ =	swait.ge [sflag:s29], $0x1  }
0xb4: {  	[sflag:s29] =	ssyncadd.s32 $0xFFFFFFFF  }
0xb5: {  	_ =	strace $0x9000004E  }
0xb6: {  	_ =	sfence  }
0xb7: {  	s30 =	sld [smem:$0x0];
	_ =	sdelay $0x2  }
0xb8: {  	s31 =	sshll.u32 s1, $0xD;
	s1 =	sshrl.u32 s1, $0x2  }
0xb9: {  	s3 =	sand.u32 $0x4000, s31;
	s1 =	sadd.s32 s1, s30  }
0xba: {  	s0 =	sor.u32 s3, s0;
	s1 =	sshll.u32 s1, $0x11  }
0xbb: {  	s0 =	sor.u32 s1, s0  }
0xbc: {  	s0 =	sadd.s32 $0x8F2B, s0  }
0xbd: {  	[sflag:s0] =	ssyncadd.remote.s32 $0x1  }
0xbe: {  	_ =	sfence.sel $0xFFFF  }
0xbf: {  	[dreg:$0x0] =	wrdreg $0xFFFFFFFF;
	(pc) =	sbr.abs _section_cstart, $3  }
0xc0: {  	[dreg:$0x1] =	wrdreg $0xFFFFFFFF  }
0xc1: {  	_ =	task.clear_ibuf [dreg:s6], $0x2FFFF;
	_ =	strace $0x9FFFFFFF  }
0xc2: {  	(tm) =	ssettm $0x7FFFFFFF  }
0xc3: {  	_ =	shalt  }
tec
execute0_lowered:
.L_overlay_start_1:
0x0: {  	(tag) =	ssettag $0x1  }
0x1: {  	s5 =	rddreg [dreg:$0x0]  }
0x2: {  	s1 =	rddreg [dreg:$0x1];
	s2 =	srdreg.scid  }
0x3: {  	s0 =	rddreg [dreg:$0x2];
	s3 =	simm.s32 $0x0;
	s14 =	simm.s32 $0x4100  }
0x4: {  	s15 =	simm.s32 $0x2;
	s16 =	simm.s32 $0x80;
	s6 =	sand.u32 $0x1, s2  }
0x5: {  	s17 =	simm.s32 $0x100;
	s2 =	stileid.u32;
	s7 =	smul.u32 $0x140000, s6  }
0x6: {  	s18 =	simm.s32 $0x1;
	s21 =	simm.s32 $0x0;
	s8 =	smul.u32 $0x14000, s2  }
0x7: {  	[smem:$0x7FF] =	sst s3;
	s4 =	sadd.s32 $0x36A00, s5;
	s9 =	smul.u32 $0xA00, s2  }
0x8: {  	_ =	strace $0x8000004D;
	s29 =	smul.u32 $0x50000, s2;
	s30 =	ssub.s32 $0x2, s6  }
0x9: {  	s12 =	smul.u32 $0x500, s6;
	s19 =	sshll.u32 s2, $0x6;
	s31 =	sshrl.u32 s30, $0x1  }
0xa: {  	s19 =	sor.u32 $0x1C02, s19;
	s7 =	sadd.s32 s8, s7;
	s11 =	sadd.s32 s9, s5  }
0xb: {  	s8 =	sshrl.u32 s29, $0x2;
	s9 =	ssub.s32 s30, s31;
	s7 =	sshrl.u32 s7, $0x3  }
0xc: {  	s13 =	sadd.s32 s12, s11;
	s7 =	sadd.s32 s7, s5;
	s5 =	sadd.s32 s8, s1  }
0xd: {  	s12 =	sadd.s32 $0x4A00, s13;
	s13 =	sadd.s32 $0x5EA00, s13;
	s6 =	sadd.s32 $0x68A00, s7  }
0xe: {  	s7 =	smax.u32 s9, $0x1;
	s8 =	sadd.s32 $0x4000, s5;
	s9 =	sadd.s32 $0x8000, s5  }
0xf: {  	v0 =	vimm.f32 $0.0e+00;
	s10 =	sadd.s32 $0xC000, s5;
	s11 =	sadd.s32 $0x10000, s5;
	s20 =	sshrl.u32 s5, $0x3  }
.LBB2_1:
0x10: {  	s22 =	simm.s32 $0x0;
	s23 =	simm.s32 $0x200  }
.LBB2_2:
0x11: {  	p0 =	sne.s32 s23, $0xFE00;
	[tilespmem:s22+$0x4170] =	vst v0  }
0x12: {  	[tilespmem:s22+$0x4100] =	vst v0  }
0x13: {  	[tilespmem:s22+$0x4110] =	vst v0  }
.Ltmp0:
0x14: {  	[tilespmem:s22+$0x4120] =	vst v0;
	(pc) =	sbr.rel @p0 .LBB2_2-.Ltmp0, $4  }
0x15: {  	[tilespmem:s22+$0x4130] =	vst v0  }
0x16: {  	[tilespmem:s22+$0x4140] =	vst v0  }
0x17: {  	[tilespmem:s22+$0x4150] =	vst v0  }
0x18: {  	[tilespmem:s22+$0x4160] =	vst v0;
	s22 =	sshra.s32 s23, $0x2;
	s23 =	sadd.s32 $0x200, s23  }
0x19: {  	[tilespmem:s22+$0x4170] =	vst v0  }
0x1a: {  	[tilespmem:s22+$0x4100] =	vst v0  }
0x1b: {  	[tilespmem:s22+$0x4110] =	vst v0  }
0x1c: {  	[tilespmem:s22+$0x4120] =	vst v0  }
0x1d: {  	[tilespmem:s22+$0x4130] =	vst v0  }
0x1e: {  	[tilespmem:s22+$0x4140] =	vst v0  }
0x1f: {  	[tilespmem:s22+$0x4150] =	vst v0  }
0x20: {  	[tilespmem:s22+$0x4160] =	vst v0  }
0x21: {  	[spmem:s5] =	stream.linear.scatter [tilespmem:s14], [sflag:$0x2], $0x4000, $0x38;
	[tilespmem:$0x1C100] =	vst v63  }
0x22: {  	_ =	swait.ge [sflag:s15], $0x4000  }
0x23: {  	[sflag:s15] =	ssyncset.done $0x0  }
0x24: {  	[sflag:s15] =	ssyncadd.s32 $0xFFFFC000  }
0x25: {  	[spmem:s8] =	stream.linear.scatter [tilespmem:s14], [sflag:$0x2], $0x4000, $0x38;
	[tilespmem:$0x1C100] =	vst v63  }
0x26: {  	_ =	swait.ge [sflag:s15], $0x4000  }
0x27: {  	[sflag:s15] =	ssyncset.done $0x0  }
0x28: {  	[sflag:s15] =	ssyncadd.s32 $0xFFFFC000  }
0x29: {  	[spmem:s9] =	stream.linear.scatter [tilespmem:s14], [sflag:$0x2], $0x4000, $0x38;
	[tilespmem:$0x1C100] =	vst v63  }
0x2a: {  	_ =	swait.ge [sflag:s15], $0x4000  }
0x2b: {  	[sflag:s15] =	ssyncset.done $0x0  }
0x2c: {  	[sflag:s15] =	ssyncadd.s32 $0xFFFFC000  }
0x2d: {  	[spmem:s10] =	stream.linear.scatter [tilespmem:s14], [sflag:$0x2], $0x4000, $0x38;
	[tilespmem:$0x1C100] =	vst v63  }
0x2e: {  	_ =	swait.ge [sflag:s15], $0x4000  }
0x2f: {  	[sflag:s15] =	ssyncset.done $0x0  }
0x30: {  	[sflag:s15] =	ssyncadd.s32 $0xFFFFC000  }
0x31: {  	[spmem:s11] =	stream.linear.scatter [tilespmem:s14], [sflag:$0x2], $0x4000, $0x38;
	[tilespmem:$0x1C100] =	vst v63  }
0x32: {  	_ =	swait.ge [sflag:s15], $0x4000  }
0x33: {  	[sflag:s15] =	ssyncset.done $0x0  }
0x34: {  	[sflag:s15] =	ssyncadd.s32 $0xFFFFC000  }
0x35: {  	s30 =	sadd.s32 $0x0, s13;
	[bflag:$0x0] =	sbarrier.arrive $0xFFFF  }
0x36: {  	[tilespmem:s3], [sflag:$0x2] =	stream.linear.gather [hbm4b:s30+s3], $0x80, $0x38;
	[tilespmem:$0x1C100] =	vst v63  }
0x37: {  	_ =	swait.ge [sflag:s15], $0x80  }
0x38: {  	[sflag:s15] =	ssyncset.done $0x0  }
0x39: {  	s31 =	sadd.s32 $0x0, s12;
	[sflag:s15] =	ssyncadd.s32 $0xFFFFFF80  }
0x3a: {  	[tilespmem:s16], [sflag:$0x2] =	stream.linear.gather [hbm4b:s31+s3], $0x80, $0x38;
	[tilespmem:$0x1C100] =	vst v63  }
0x3b: {  	_ =	swait.ge [sflag:s15], $0x80  }
0x3c: {  	[sflag:s15] =	ssyncset.done $0x0  }
0x3d: {  	[sflag:s15] =	ssyncadd.s32 $0xFFFFFF80  }
0x3e: {  	[tilespmem:s17], [sflag:$0x1] =	stream.indirect.gather [hbm4b:s4+s16], $0x80, s3, s16, $0xb8;
	[tilespmem:$0x1C100] =	vst v63  }
0x3f: {  	_ =	swait.ge [sflag:s18], $0x4000  }
0x40: {  	[sflag:s18] =	ssyncset.done $0x0  }
0x41: {  	[sflag:s18] =	ssyncadd.s32 $0xFFFFC000  }
0x42: {  	[spmem:s1] =	stream.indirect.scatter.add.f32 [tilespmem:s17], [sflag:$0x2], $0x80, s16, s16, $0xb8;
	[tilespmem:$0x1C100] =	vst v63  }
0x43: {  	_ =	swait.ge [sflag:s15], $0x4000  }
0x44: {  	s22 =	simm.s32 $0x10;
	s23 =	simm.s32 $0x20;
	[sflag:s15] =	ssyncset.done $0x0  }
.LBB2_4:
0x45: {  	s24 =	sadd.s32 s22, s13  }
0x46: {  	[sflag:s15] =	ssyncadd.s32 $0xFFFFC000;
	s25 =	smov.u32 s23;
	s26 =	sadd.s32 $0x10, s23  }
0x47: {  	[tilespmem:s3], [sflag:$0x2] =	stream.linear.gather [hbm4b:s24+s3], $0x80, $0x38;
	[tilespmem:$0x1C100] =	vst v63  }
0x48: {  	p0 =	sne.s32 s23, $0x4F0;
	_ =	swait.ge [sflag:s15], $0x80  }
0x49: {  	[sflag:s15] =	ssyncset.done $0x0  }
0x4a: {  	s23 =	sadd.s32 s22, s12;
	s22 =	smov.u32 s25;
	[sflag:s15] =	ssyncadd.s32 $0xFFFFFF80  }
0x4b: {  	[tilespmem:s16], [sflag:$0x2] =	stream.linear.gather [hbm4b:s23+s3], $0x80, $0x38;
	[tilespmem:$0x1C100] =	vst v63  }
0x4c: {  	_ =	swait.ge [sflag:s15], $0x80  }
0x4d: {  	[sflag:s15] =	ssyncset.done $0x0  }
0x4e: {  	[sflag:s15] =	ssyncadd.s32 $0xFFFFFF80  }
0x4f: {  	[tilespmem:s17], [sflag:$0x1] =	stream.indirect.gather [hbm4b:s4+s16], $0x80, s3, s16, $0xb8;
	[tilespmem:$0x1C100] =	vst v63  }
0x50: {  	_ =	swait.ge [sflag:s18], $0x4000  }
.Ltmp1:
0x51: {  	[sflag:s18] =	ssyncset.done $0x0;
	(pc) =	sbr.rel @p0 .LBB2_4-.Ltmp1, $4  }
0x52: {  	[sflag:s18] =	ssyncadd.s32 $0xFFFFC000  }
0x53: {  	[spmem:s1] =	stream.indirect.scatter.add.f32 [tilespmem:s17], [sflag:$0x2], $0x80, s16, s16, $0xb8;
	[tilespmem:$0x1C100] =	vst v63  }
0x54: {  	_ =	swait.ge [sflag:s15], $0x4000  }
0x55: {  	s23 =	smov.u32 s26;
	[sflag:s15] =	ssyncset.done $0x0  }
0x56: {  	s23 =	sadd.s32 s22, s13;
	[sflag:s15] =	ssyncadd.s32 $0xFFFFC000  }
0x57: {  	[tilespmem:s3], [sflag:$0x2] =	stream.linear.gather [hbm4b:s23+s3], $0x80, $0x38;
	[tilespmem:$0x1C100] =	vst v63  }
0x58: {  	_ =	swait.ge [sflag:s15], $0x80  }
0x59: {  	[sflag:s15] =	ssyncset.done $0x0  }
0x5a: {  	s31 =	sadd.s32 s22, s12;
	[sflag:s15] =	ssyncadd.s32 $0xFFFFFF80  }
0x5b: {  	[tilespmem:s16], [sflag:$0x2] =	stream.linear.gather [hbm4b:s31+s3], $0x80, $0x38;
	[tilespmem:$0x1C100] =	vst v63  }
0x5c: {  	_ =	swait.ge [sflag:s15], $0x80  }
0x5d: {  	[sflag:s15] =	ssyncset.done $0x0  }
0x5e: {  	[sflag:s15] =	ssyncadd.s32 $0xFFFFFF80  }
0x5f: {  	[tilespmem:s17], [sflag:$0x1] =	stream.indirect.gather [hbm4b:s4+s16], $0x80, s3, s16, $0xb8;
	[tilespmem:$0x1C100] =	vst v63  }
0x60: {  	_ =	swait.ge [sflag:s18], $0x4000  }
0x61: {  	[sflag:s18] =	ssyncset.done $0x0  }
0x62: {  	[sflag:s18] =	ssyncadd.s32 $0xFFFFC000  }
0x63: {  	[spmem:s1] =	stream.indirect.scatter.add.f32 [tilespmem:s17], [sflag:$0x2], $0x80, s16, s16, $0xb8;
	[tilespmem:$0x1C100] =	vst v63  }
0x64: {  	_ =	swait.ge [sflag:s15], $0x4000  }
0x65: {  	s21 =	sadd.s32 $0x1, s21;
	[sflag:s15] =	ssyncset.done $0x0  }
0x66: {  	p0 =	sne.s32 s21, s7;
	[sflag:s15] =	ssyncadd.s32 $0xFFFFC000  }
.Ltmp2:
0x67: {  	[bflag:$0x0] =	sbarrier.arrive $0xFFFF;
	(pc) =	sbr.rel @p0 .LBB2_1-.Ltmp2, $4  }
0x68: {  	[hbm:s6], [sflag:s19] =	dma.local [spmem:s20], $0x2800  }
0x69: {  	_ =	swait.ge [sflag:s15], $0x2800  }
0x6a: {  	[sflag:s15] =	ssyncset.done $0x0  }
0x6b: {  	[sflag:s15] =	ssyncadd.s32 $0xFFFFD800  }
0x6c: {  	_ =	sfence.sel $0x180000  }
0x6d: {  	[bflag:$0x0] =	sbarrier.arrive $0xFFFF  }
0x6e: {  	p0 =	sne.s32 s2, $0x0;
	_ =	strace $0x9000004D  }
0x6f: {  	s0 =	sadd.s32 @!p0 $0x100000, s0;
	[bflag:$0x2] =	sbarrier.arrive $0xFFFF  }
0x70: {  	[sflag:s0] =	ssyncadd.tile.s32 @!p0 $0x1;
	_ =	shalt  }
.Lfunc_end2:
_tile_overlayer_lowered:
.L_overlay_start_2:
0x71: {  	(tag) =	ssettag $0x2  }
0x72: {  	s0 =	rddreg [dreg:$0x0];
	s2 =	stileid.u32  }
0x73: {  	s1 =	rddreg [dreg:$0x1];
	p0 =	sne.s32 s2, $0x0  }
0x74: {  	s3 =	rddreg [dreg:$0x2];
	[bflag:$0x3] =	sbarrier.arrive $0xFFFF;
	s2 =	simm.s32 @!p0 $0x1C02  }
0x75: {  	[timem:s3], [sflag:s2] =	dma.local @!p0 [hbm:s0], s1  }
0x76: {  	s0 =	simm.s32 @!p0 $0x2  }
0x77: {  	_ =	swait.ge @!p0 [sflag:s0], s1  }
0x78: {  	s1 =	ssub.s32 @!p0 $0x0, s1;
	[sflag:s0] =	ssyncset.done @!p0 $0x0  }
0x79: {  	[sflag:s0] =	ssyncadd.s32 @!p0 s1  }
0x7a: {  	[bflag:$0x3] =	sbarrier.arrive $0xFFFF  }
0x7b: {  	_ =	shalt  }

// kernel: kernel.22.cloned.1.call-start
scs
__scs_entry_jumppad:
0x0: {  	(pc) =	sbr.rel $0x88, $3  }
0x1: {  	(tag) =	ssettag $0x0;
	lr =	simm.s32 $0x1  }
0x2: {  	[smem:$0x3F92] =	sst lr;
	_ =	strace $0xD0000000  }
0x3: {  	_ = 	snop  }
0x4: {  	_ = 	snop  }
0x5: {  	_ = 	snop  }
0x6: {  	_ = 	snop  }
0x7: {  	_ = 	snop  }
__scs_overlays_trampoline_lowered:
0x8: {  	[smem:$0x3FA1] =	sst s0  }
0x9: {  	[smem:$0x3FA2] =	sst s1  }
0xa: {  	[smem:$0x3FA3] =	sst s2  }
0xb: {  	[smem:$0x3FA4] =	sst s3  }
0xc: {  	[smem:$0x3FA5] =	sst s4  }
0xd: {  	[smem:$0x3FA6] =	sst s5  }
0xe: {  	[smem:$0x3FA7] =	sst s6  }
0xf: {  	[smem:$0x3FA8] =	sst s7  }
0x10: {  	[smem:$0x3FA9] =	sst s8  }
0x11: {  	[smem:$0x3FAA] =	sst s9;
	s0 =	simm.s32 @!p0 $0x0  }
0x12: {  	s1 =	sld [smem:$0x3F90];
	s0 =	simm.s32 @p0 $0x1  }
0x13: {  	[smem:$0x3FAB] =	sst s0;
	s0 =	simm.s32 @!p1 $0x0  }
0x14: {  	s2 =	sld [smem:$0x3F8F];
	s0 =	simm.s32 @p1 $0x1  }
0x15: {  	[smem:$0x3FAC] =	sst s0;
	s0 =	simm.s32 @!p2 $0x0  }
0x16: {  	s3 =	sld [smem:$0x3FDB];
	s0 =	simm.s32 @p2 $0x1  }
0x17: {  	s4 =	simm.s32 $0x1BF5;
	[smem:$0x3FAE] =	sst s0  }
0x18: {  	s0 =	sld [smem:$0x3F91];
	_ =	swait.ge [sflag:s4], $0x0  }
0x19: {  	s7 =	sld [smem:$0x3F92]  }
0x1a: {  	s8 =	sadd.s32 $0xFFFFE003, lr  }
0x1b: {  	s9 =	sadd.s32 $0xFFFFFEF7, lr;
	s5 =	simm.s32 $0xFFFFFFFF;
	p2 =	slt.u32 s8, $0xFFFFF086  }
0x1c: {  	p1 =	slt.u32 s9, $0xF7A;
	s5 =	simm.s32 @!p2 $0x0  }
0x1d: {  	s5 =	simm.s32 @p1 $0x1;
	p0 =	seq.s32 s7, s2  }
0x1e: {  	s7 =	smul.u32 @!p0 $0xF7A, s2;
	p2 =	seq.s32 @!p0 s5, $0x0  }
0x1f: {  	s9 =	smul.u32 $0xF7A, s1;
	s8 =	simm.s32 @!p0 $0x1BF5;
	p2 =	por !p2, p0  }
0x20: {  	[sflag:s8] =	ssyncset.s32 @!p0 $0xFFFFF086;
	s6 =	sadd.s32 @!p0 s3, s7;
	s7 =	simm.s32 @!p0 $0x108  }
0x21: {  	s3 =	sadd.s32 s3, s9;
	s6 =	sadd.s32 @!p0 $0x88, s6;
	s7 =	simm.s32 @p2 $0x1082  }
0x22: {  	[simem:s7], [sflag:s8] =	dma.local @!p0 [hbm:s6], $0xF7A  }
0x23: {  	s9 =	sor.u32 $0xD0000000, s2;
	s6 =	simm.s32 $0x108;
	_ =	swait.ge @!p0 [sflag:s8], $0x0  }
0x24: {  	s3 =	sadd.s32 $0x88, s3;
	s6 =	simm.s32 @!p1 $0x1082;
	[sflag:s4] =	ssyncset.s32 $0xFFFFF086  }
0x25: {  	[simem:s6], [sflag:s4] =	dma.local [hbm:s3], $0xF7A  }
0x26: {  	[smem:$0x3F92] =	sst s1;
	(tag) =	ssettag s2;
	_ =	strace s9  }
0x27: {  	s1 =	sld [smem:$0x3FA2]  }
0x28: {  	s2 =	sld [smem:$0x3FA3]  }
0x29: {  	s4 =	sld [smem:$0x3FA5]  }
0x2a: {  	p0 =	seq.s32 s5, $0x0;
	s5 =	sld [smem:$0x3FA6]  }
0x2b: {  	s6 =	sld [smem:$0x3FA7]  }
0x2c: {  	s7 =	sld [smem:$0x3FA8]  }
0x2d: {  	s3 =	simm.s32 $0x108;
	s8 =	sld [smem:$0x3FA9]  }
0x2e: {  	s3 =	simm.s32 @!p0 $0x1082;
	s9 =	sld [smem:$0x3FAA]  }
0x2f: {  	lr =	sadd.s32 s0, s3;
	s0 =	sld [smem:$0x3FA1]  }
0x30: {  	s3 =	sld [smem:$0x3FA4]  }
0x31: {  	[smem:$0x3FAD] =	sst s10  }
0x32: {  	s10 =	sld [smem:$0x3FAB];
	_ =	sdelay $0x3  }
0x33: {  	p0 =	seq.s32 s10, $0x1;
	s10 =	sld [smem:$0x3FAD];
	_ =	sdelay $0x3  }
0x34: {  	[smem:$0x3FAD] =	sst s10  }
0x35: {  	s10 =	sld [smem:$0x3FAC];
	_ =	sdelay $0x3  }
0x36: {  	p1 =	seq.s32 s10, $0x1;
	s10 =	sld [smem:$0x3FAD];
	_ =	sdelay $0x3  }
0x37: {  	[smem:$0x3FAD] =	sst s10  }
0x38: {  	s10 =	sld [smem:$0x3FAE]  }
0x39: {  	_ = 	snop;
	(pc) =	sbr.ind lr, $3  }
0x3a: {  	_ = 	snop  }
0x3b: {  	_ = 	snop  }
0x3c: {  	p2 =	seq.s32 s10, $0x1;
	s10 =	sld [smem:$0x3FAD]  }
0x3d: {  	_ =	shalt  }
0x3e: {  	_ =	shalt  }
0x3f: {  	_ =	shalt  }
0x40: {  	_ =	shalt  }
0x41: {  	_ =	shalt  }
0x42: {  	_ =	shalt  }
0x43: {  	_ =	shalt  }
0x44: {  	_ =	shalt  }
0x45: {  	_ =	shalt  }
0x46: {  	_ =	shalt  }
0x47: {  	_ =	shalt  }
0x48: {  	_ =	shalt  }
0x49: {  	_ =	shalt  }
0x4a: {  	_ =	shalt  }
0x4b: {  	_ =	shalt  }
0x4c: {  	_ =	shalt  }
0x4d: {  	_ =	shalt  }
0x4e: {  	_ =	shalt  }
0x4f: {  	_ =	shalt  }
0x50: {  	_ =	shalt  }
0x51: {  	_ =	shalt  }
0x52: {  	_ =	shalt  }
0x53: {  	_ =	shalt  }
0x54: {  	_ =	shalt  }
0x55: {  	_ =	shalt  }
0x56: {  	_ =	shalt  }
0x57: {  	_ =	shalt  }
0x58: {  	_ =	shalt  }
0x59: {  	_ =	shalt  }
0x5a: {  	_ =	shalt  }
0x5b: {  	_ =	shalt  }
0x5c: {  	_ =	shalt  }
0x5d: {  	_ =	shalt  }
0x5e: {  	_ =	shalt  }
0x5f: {  	_ =	shalt  }
0x60: {  	_ =	shalt  }
0x61: {  	_ =	shalt  }
0x62: {  	_ =	shalt  }
0x63: {  	_ =	shalt  }
0x64: {  	_ =	shalt  }
0x65: {  	_ =	shalt  }
0x66: {  	_ =	shalt  }
0x67: {  	_ =	shalt  }
0x68: {  	_ =	shalt  }
0x69: {  	_ =	shalt  }
0x6a: {  	_ =	shalt  }
0x6b: {  	_ =	shalt  }
0x6c: {  	_ =	shalt  }
0x6d: {  	_ =	shalt  }
0x6e: {  	_ =	shalt  }
0x6f: {  	_ =	shalt  }
0x70: {  	_ =	shalt  }
0x71: {  	_ =	shalt  }
0x72: {  	_ =	shalt  }
0x73: {  	_ =	shalt  }
0x74: {  	_ =	shalt  }
0x75: {  	_ =	shalt  }
0x76: {  	_ =	shalt  }
0x77: {  	_ =	shalt  }
0x78: {  	_ =	shalt  }
0x79: {  	_ =	shalt  }
0x7a: {  	_ =	shalt  }
0x7b: {  	_ =	shalt  }
0x7c: {  	_ =	shalt  }
0x7d: {  	_ =	shalt  }
0x7e: {  	_ =	shalt  }
0x7f: {  	_ =	shalt  }
0x80: {  	_ =	shalt  }
0x81: {  	_ =	shalt  }
0x82: {  	_ =	shalt  }
0x83: {  	_ =	shalt  }
0x84: {  	_ =	shalt  }
0x85: {  	_ =	shalt  }
0x86: {  	_ =	shalt  }
0x87: {  	_ =	shalt  }
.Lfunc_end0:
.L_simem_size_0:
called_computation.3_lowered:
.L_overlay_start_0:
0x88: {  	s2 =	sld [smem:$0x3FD9]  }
0x89: {  	s3 =	sld [smem:$0x3FFE];
	_ =	sdelay $0x1  }
0x8a: {  	s1 =	srdreg.scid  }
0x8b: {  	s0 =	sand.u32 $0x1, s1  }
0x8c: {  	s16 =	sshll.u32 s0, $0xA;
	s2 =	sadd.s32 s3, s2  }
0x8d: {  	s2 =	sadd.s32 s2, s16  }
0x8e: {  	[smem:$0x3FB9] =	sst s2  }
0x8f: {  	_ = 	snop  }
0x90: {  	(tm) =	ssettm $0x1  }
0x91: {  	s17 =	sld [smem:$0x3FFB];
	_ =	sdelay $0x3  }
0x92: {  	_ =	strace s17  }
0x93: {  	s2 =	sld [smem:$0x3FFC];
	_ =	sdelay $0x3  }
0x94: {  	_ =	strace s2  }
0x95: {  	s2 =	sld [smem:$0x3FFD];
	_ =	sdelay $0x3  }
0x96: {  	_ =	strace s2  }
0x97: {  	_ =	strace $0x8FFFFFFF  }
0x98: {  	s18 =	sld [smem:$0x3FDB];
	_ =	sdelay $0x1  }
0x99: {  	s19 =	simm.s32 $_scs_section_size  }
0x9a: {  	s4 =	simm.s32 $_size__tile_overlayer_lowered;
	s5 =	simm.s32 $_tile_overlayer_lowered  }
0x9b: {  	s22 =	simm.s32 $0x1BFF;
	s21 =	sshll.u32 s5, $0x1;
	s2 =	sadd.s32 s19, s18  }
0x9c: {  	s6 =	simm.s32 $0x0;
	s20 =	sshll.u32 s4, $0x1;
	s4 =	sadd.s32 s21, s2  }
0x9d: {  	[timem:s6], [sflag:s22] =	dma.local [hbm:s4], s20  }
0x9e: {  	_ =	swait.ge [sflag:s22], s20  }
0x9f: {  	s3 =	ssub.s32 $0x0, s20;
	[sflag:s22] =	ssyncset.done $0x0  }
0xa0: {  	[sflag:s22] =	ssyncadd.s32 s3;
	_ =	sdelay $0x1  }
0xa1: {  	s23 =	simm.s32 $0x1B8B  }
0xa2: {  	_ =	swait.ge [sflag:s23], $0x1  }
0xa3: {  	[sflag:s23] =	ssyncset.done $0x0  }
0xa4: {  	s25 =	simm.s32 $0x1B8E;
	s24 =	sld [smem:$0x3FFE];
	[sflag:s23] =	ssyncadd.s32 $0xFFFFFFFF  }
0xa5: {  	s26 =	simm.s32 $execute0_lowered;
	[smem:$0x3FD2] =	sst s25  }
0xa6: {  	s4 =	sshll.u32 s26, $0x1;
	_ =	strace $0x8000004F;
	[dreg:$0x1] =	wrdreg $0xFFFFFFFF  }
0xa7: {  	s28 =	simm.s32 $_size_execute0_lowered;
	s2 =	sadd.s32 s2, s4;
	[dreg:$0x0] =	wrdreg $0x0  }
0xa8: {  	s4 =	sshll.u32 s28, $0x1;
	[dreg:$0x2] =	wrdreg s2  }
0xa9: {  	[dreg:$0x3] =	wrdreg s4  }
0xaa: {  	[dreg:$0x4] =	wrdreg $0xC0  }
0xab: {  	_ =	task [dreg:s6], $0x5FFFF  }
0xac: {  	[dreg:$0x1] =	wrdreg $0xFFFFFFFF  }
0xad: {  	[dreg:$0x0] =	wrdreg $0x60  }
0xae: {  	[dreg:$0x2] =	wrdreg s24  }
0xaf: {  	[dreg:$0x3] =	wrdreg $0x81000  }
0xb0: {  	[dreg:$0x4] =	wrdreg $0x9  }
0xb1: {  	_ =	task.clear_ibuf [dreg:s6], $0x5FFFF;
	_ =	strace $0x9000004F  }
0xb2: {  	s29 =	simm.s32 $0x9;
	_ =	strace $0x80000051  }
0xb3: {  	_ =	swait.ge [sflag:s29], $0x1  }
0xb4: {  	[sflag:s29] =	ssyncadd.s32 $0xFFFFFFFF  }
0xb5: {  	_ =	strace $0x90000051  }
0xb6: {  	_ =	sfence  }
0xb7: {  	s30 =	sld [smem:$0x0];
	_ =	sdelay $0x2  }
0xb8: {  	s31 =	sshll.u32 s1, $0xD;
	s1 =	sshrl.u32 s1, $0x2  }
0xb9: {  	s3 =	sand.u32 $0x4000, s31;
	s1 =	sadd.s32 s1, s30  }
0xba: {  	s0 =	sor.u32 s3, s0;
	s1 =	sshll.u32 s1, $0x11  }
0xbb: {  	s0 =	sor.u32 s1, s0  }
0xbc: {  	s0 =	sadd.s32 $0x8F2B, s0  }
0xbd: {  	[sflag:s0] =	ssyncadd.remote.s32 $0x1  }
0xbe: {  	_ =	sfence.sel $0xFFFF  }
0xbf: {  	[dreg:$0x0] =	wrdreg $0xFFFFFFFF;
	(pc) =	sbr.abs _section_cstart, $3  }
0xc0: {  	[dreg:$0x1] =	wrdreg $0xFFFFFFFF  }
0xc1: {  	_ =	task.clear_ibuf [dreg:s6], $0x2FFFF;
	_ =	strace $0x9FFFFFFF  }
0xc2: {  	(tm) =	ssettm $0x7FFFFFFF  }
0xc3: {  	_ =	shalt  }
tec
execute0_lowered:
.L_overlay_start_1:
0x0: {  	(tag) =	ssettag $0x1  }
0x1: {  	s5 =	rddreg [dreg:$0x0]  }
0x2: {  	s1 =	rddreg [dreg:$0x1];
	s2 =	srdreg.scid  }
0x3: {  	s0 =	rddreg [dreg:$0x2];
	s3 =	simm.s32 $0x0;
	s14 =	simm.s32 $0x4100  }
0x4: {  	s15 =	simm.s32 $0x2;
	s16 =	simm.s32 $0x80;
	s6 =	sand.u32 $0x1, s2  }
0x5: {  	s17 =	simm.s32 $0x100;
	s2 =	stileid.u32;
	s7 =	smul.u32 $0x140000, s6  }
0x6: {  	s18 =	simm.s32 $0x1;
	s21 =	simm.s32 $0x0;
	s8 =	smul.u32 $0x14000, s2  }
0x7: {  	[smem:$0x7FF] =	sst s3;
	s4 =	sadd.s32 $0x36A00, s5;
	s9 =	smul.u32 $0xA00, s2  }
0x8: {  	_ =	strace $0x80000050;
	s29 =	smul.u32 $0x50000, s2;
	s30 =	ssub.s32 $0x2, s6  }
0x9: {  	s12 =	smul.u32 $0x500, s6;
	s19 =	sshll.u32 s2, $0x6;
	s31 =	sshrl.u32 s30, $0x1  }
0xa: {  	s19 =	sor.u32 $0x1C02, s19;
	s7 =	sadd.s32 s8, s7;
	s11 =	sadd.s32 s9, s5  }
0xb: {  	s8 =	sshrl.u32 s29, $0x2;
	s9 =	ssub.s32 s30, s31;
	s7 =	sshrl.u32 s7, $0x3  }
0xc: {  	s13 =	sadd.s32 s12, s11;
	s7 =	sadd.s32 s7, s5;
	s5 =	sadd.s32 s8, s1  }
0xd: {  	s12 =	sadd.s32 $0x4A00, s13;
	s13 =	sadd.s32 $0x5EA00, s13;
	s6 =	sadd.s32 $0x68A00, s7  }
0xe: {  	s7 =	smax.u32 s9, $0x1;
	s8 =	sadd.s32 $0x4000, s5;
	s9 =	sadd.s32 $0x8000, s5  }
0xf: {  	v0 =	vimm.f32 $0.0e+00;
	s10 =	sadd.s32 $0xC000, s5;
	s11 =	sadd.s32 $0x10000, s5;
	s20 =	sshrl.u32 s5, $0x3  }
.LBB2_1:
0x10: {  	s22 =	simm.s32 $0x0;
	s23 =	simm.s32 $0x200  }
.LBB2_2:
0x11: {  	p0 =	sne.s32 s23, $0xFE00;
	[tilespmem:s22+$0x4170] =	vst v0  }
0x12: {  	[tilespmem:s22+$0x4100] =	vst v0  }
0x13: {  	[tilespmem:s22+$0x4110] =	vst v0  }
.Ltmp0:
0x14: {  	[tilespmem:s22+$0x4120] =	vst v0;
	(pc) =	sbr.rel @p0 .LBB2_2-.Ltmp0, $4  }
0x15: {  	[tilespmem:s22+$0x4130] =	vst v0  }
0x16: {  	[tilespmem:s22+$0x4140] =	vst v0  }
0x17: {  	[tilespmem:s22+$0x4150] =	vst v0  }
0x18: {  	[tilespmem:s22+$0x4160] =	vst v0;
	s22 =	sshra.s32 s23, $0x2;
	s23 =	sadd.s32 $0x200, s23  }
0x19: {  	[tilespmem:s22+$0x4170] =	vst v0  }
0x1a: {  	[tilespmem:s22+$0x4100] =	vst v0  }
0x1b: {  	[tilespmem:s22+$0x4110] =	vst v0  }
0x1c: {  	[tilespmem:s22+$0x4120] =	vst v0  }
0x1d: {  	[tilespmem:s22+$0x4130] =	vst v0  }
0x1e: {  	[tilespmem:s22+$0x4140] =	vst v0  }
0x1f: {  	[tilespmem:s22+$0x4150] =	vst v0  }
0x20: {  	[tilespmem:s22+$0x4160] =	vst v0  }
0x21: {  	[spmem:s5] =	stream.linear.scatter [tilespmem:s14], [sflag:$0x2], $0x4000, $0x38;
	[tilespmem:$0x1C100] =	vst v63  }
0x22: {  	_ =	swait.ge [sflag:s15], $0x4000  }
0x23: {  	[sflag:s15] =	ssyncset.done $0x0  }
0x24: {  	[sflag:s15] =	ssyncadd.s32 $0xFFFFC000  }
0x25: {  	[spmem:s8] =	stream.linear.scatter [tilespmem:s14], [sflag:$0x2], $0x4000, $0x38;
	[tilespmem:$0x1C100] =	vst v63  }
0x26: {  	_ =	swait.ge [sflag:s15], $0x4000  }
0x27: {  	[sflag:s15] =	ssyncset.done $0x0  }
0x28: {  	[sflag:s15] =	ssyncadd.s32 $0xFFFFC000  }
0x29: {  	[spmem:s9] =	stream.linear.scatter [tilespmem:s14], [sflag:$0x2], $0x4000, $0x38;
	[tilespmem:$0x1C100] =	vst v63  }
0x2a: {  	_ =	swait.ge [sflag:s15], $0x4000  }
0x2b: {  	[sflag:s15] =	ssyncset.done $0x0  }
0x2c: {  	[sflag:s15] =	ssyncadd.s32 $0xFFFFC000  }
0x2d: {  	[spmem:s10] =	stream.linear.scatter [tilespmem:s14], [sflag:$0x2], $0x4000, $0x38;
	[tilespmem:$0x1C100] =	vst v63  }
0x2e: {  	_ =	swait.ge [sflag:s15], $0x4000  }
0x2f: {  	[sflag:s15] =	ssyncset.done $0x0  }
0x30: {  	[sflag:s15] =	ssyncadd.s32 $0xFFFFC000  }
0x31: {  	[spmem:s11] =	stream.linear.scatter [tilespmem:s14], [sflag:$0x2], $0x4000, $0x38;
	[tilespmem:$0x1C100] =	vst v63  }
0x32: {  	_ =	swait.ge [sflag:s15], $0x4000  }
0x33: {  	[sflag:s15] =	ssyncset.done $0x0  }
0x34: {  	[sflag:s15] =	ssyncadd.s32 $0xFFFFC000  }
0x35: {  	s30 =	sadd.s32 $0x0, s13;
	[bflag:$0x0] =	sbarrier.arrive $0xFFFF  }
0x36: {  	[tilespmem:s3], [sflag:$0x2] =	stream.linear.gather [hbm4b:s30+s3], $0x80, $0x38;
	[tilespmem:$0x1C100] =	vst v63  }
0x37: {  	_ =	swait.ge [sflag:s15], $0x80  }
0x38: {  	[sflag:s15] =	ssyncset.done $0x0  }
0x39: {  	s31 =	sadd.s32 $0x0, s12;
	[sflag:s15] =	ssyncadd.s32 $0xFFFFFF80  }
0x3a: {  	[tilespmem:s16], [sflag:$0x2] =	stream.linear.gather [hbm4b:s31+s3], $0x80, $0x38;
	[tilespmem:$0x1C100] =	vst v63  }
0x3b: {  	_ =	swait.ge [sflag:s15], $0x80  }
0x3c: {  	[sflag:s15] =	ssyncset.done $0x0  }
0x3d: {  	[sflag:s15] =	ssyncadd.s32 $0xFFFFFF80  }
0x3e: {  	[tilespmem:s17], [sflag:$0x1] =	stream.indirect.gather [hbm4b:s4+s16], $0x80, s3, s16, $0xb8;
	[tilespmem:$0x1C100] =	vst v63  }
0x3f: {  	_ =	swait.ge [sflag:s18], $0x4000  }
0x40: {  	[sflag:s18] =	ssyncset.done $0x0  }
0x41: {  	[sflag:s18] =	ssyncadd.s32 $0xFFFFC000  }
0x42: {  	[spmem:s1] =	stream.indirect.scatter.add.f32 [tilespmem:s17], [sflag:$0x2], $0x80, s16, s16, $0xb8;
	[tilespmem:$0x1C100] =	vst v63  }
0x43: {  	_ =	swait.ge [sflag:s15], $0x4000  }
0x44: {  	s22 =	simm.s32 $0x10;
	s23 =	simm.s32 $0x20;
	[sflag:s15] =	ssyncset.done $0x0  }
.LBB2_4:
0x45: {  	s24 =	sadd.s32 s22, s13  }
0x46: {  	[sflag:s15] =	ssyncadd.s32 $0xFFFFC000;
	s25 =	smov.u32 s23;
	s26 =	sadd.s32 $0x10, s23  }
0x47: {  	[tilespmem:s3], [sflag:$0x2] =	stream.linear.gather [hbm4b:s24+s3], $0x80, $0x38;
	[tilespmem:$0x1C100] =	vst v63  }
0x48: {  	p0 =	sne.s32 s23, $0x4F0;
	_ =	swait.ge [sflag:s15], $0x80  }
0x49: {  	[sflag:s15] =	ssyncset.done $0x0  }
0x4a: {  	s23 =	sadd.s32 s22, s12;
	s22 =	smov.u32 s25;
	[sflag:s15] =	ssyncadd.s32 $0xFFFFFF80  }
0x4b: {  	[tilespmem:s16], [sflag:$0x2] =	stream.linear.gather [hbm4b:s23+s3], $0x80, $0x38;
	[tilespmem:$0x1C100] =	vst v63  }
0x4c: {  	_ =	swait.ge [sflag:s15], $0x80  }
0x4d: {  	[sflag:s15] =	ssyncset.done $0x0  }
0x4e: {  	[sflag:s15] =	ssyncadd.s32 $0xFFFFFF80  }
0x4f: {  	[tilespmem:s17], [sflag:$0x1] =	stream.indirect.gather [hbm4b:s4+s16], $0x80, s3, s16, $0xb8;
	[tilespmem:$0x1C100] =	vst v63  }
0x50: {  	_ =	swait.ge [sflag:s18], $0x4000  }
.Ltmp1:
0x51: {  	[sflag:s18] =	ssyncset.done $0x0;
	(pc) =	sbr.rel @p0 .LBB2_4-.Ltmp1, $4  }
0x52: {  	[sflag:s18] =	ssyncadd.s32 $0xFFFFC000  }
0x53: {  	[spmem:s1] =	stream.indirect.scatter.add.f32 [tilespmem:s17], [sflag:$0x2], $0x80, s16, s16, $0xb8;
	[tilespmem:$0x1C100] =	vst v63  }
0x54: {  	_ =	swait.ge [sflag:s15], $0x4000  }
0x55: {  	s23 =	smov.u32 s26;
	[sflag:s15] =	ssyncset.done $0x0  }
0x56: {  	s23 =	sadd.s32 s22, s13;
	[sflag:s15] =	ssyncadd.s32 $0xFFFFC000  }
0x57: {  	[tilespmem:s3], [sflag:$0x2] =	stream.linear.gather [hbm4b:s23+s3], $0x80, $0x38;
	[tilespmem:$0x1C100] =	vst v63  }
0x58: {  	_ =	swait.ge [sflag:s15], $0x80  }
0x59: {  	[sflag:s15] =	ssyncset.done $0x0  }
0x5a: {  	s31 =	sadd.s32 s22, s12;
	[sflag:s15] =	ssyncadd.s32 $0xFFFFFF80  }
0x5b: {  	[tilespmem:s16], [sflag:$0x2] =	stream.linear.gather [hbm4b:s31+s3], $0x80, $0x38;
	[tilespmem:$0x1C100] =	vst v63  }
0x5c: {  	_ =	swait.ge [sflag:s15], $0x80  }
0x5d: {  	[sflag:s15] =	ssyncset.done $0x0  }
0x5e: {  	[sflag:s15] =	ssyncadd.s32 $0xFFFFFF80  }
0x5f: {  	[tilespmem:s17], [sflag:$0x1] =	stream.indirect.gather [hbm4b:s4+s16], $0x80, s3, s16, $0xb8;
	[tilespmem:$0x1C100] =	vst v63  }
0x60: {  	_ =	swait.ge [sflag:s18], $0x4000  }
0x61: {  	[sflag:s18] =	ssyncset.done $0x0  }
0x62: {  	[sflag:s18] =	ssyncadd.s32 $0xFFFFC000  }
0x63: {  	[spmem:s1] =	stream.indirect.scatter.add.f32 [tilespmem:s17], [sflag:$0x2], $0x80, s16, s16, $0xb8;
	[tilespmem:$0x1C100] =	vst v63  }
0x64: {  	_ =	swait.ge [sflag:s15], $0x4000  }
0x65: {  	s21 =	sadd.s32 $0x1, s21;
	[sflag:s15] =	ssyncset.done $0x0  }
0x66: {  	p0 =	sne.s32 s21, s7;
	[sflag:s15] =	ssyncadd.s32 $0xFFFFC000  }
.Ltmp2:
0x67: {  	[bflag:$0x0] =	sbarrier.arrive $0xFFFF;
	(pc) =	sbr.rel @p0 .LBB2_1-.Ltmp2, $4  }
0x68: {  	[hbm:s6], [sflag:s19] =	dma.local [spmem:s20], $0x2800  }
0x69: {  	_ =	swait.ge [sflag:s15], $0x2800  }
0x6a: {  	[sflag:s15] =	ssyncset.done $0x0  }
0x6b: {  	[sflag:s15] =	ssyncadd.s32 $0xFFFFD800  }
0x6c: {  	_ =	sfence.sel $0x180000  }
0x6d: {  	[bflag:$0x0] =	sbarrier.arrive $0xFFFF  }
0x6e: {  	p0 =	sne.s32 s2, $0x0;
	_ =	strace $0x90000050  }
0x6f: {  	s0 =	sadd.s32 @!p0 $0x100000, s0;
	[bflag:$0x2] =	sbarrier.arrive $0xFFFF  }
0x70: {  	[sflag:s0] =	ssyncadd.tile.s32 @!p0 $0x1;
	_ =	shalt  }
.Lfunc_end2:
_tile_overlayer_lowered:
.L_overlay_start_2:
0x71: {  	(tag) =	ssettag $0x2  }
0x72: {  	s0 =	rddreg [dreg:$0x0];
	s2 =	stileid.u32  }
0x73: {  	s1 =	rddreg [dreg:$0x1];
	p0 =	sne.s32 s2, $0x0  }
0x74: {  	s3 =	rddreg [dreg:$0x2];
	[bflag:$0x3] =	sbarrier.arrive $0xFFFF;
	s2 =	simm.s32 @!p0 $0x1C02  }
0x75: {  	[timem:s3], [sflag:s2] =	dma.local @!p0 [hbm:s0], s1  }
0x76: {  	s0 =	simm.s32 @!p0 $0x2  }
0x77: {  	_ =	swait.ge @!p0 [sflag:s0], s1  }
0x78: {  	s1 =	ssub.s32 @!p0 $0x0, s1;
	[sflag:s0] =	ssyncset.done @!p0 $0x0  }
0x79: {  	[sflag:s0] =	ssyncadd.s32 @!p0 s1  }
0x7a: {  	[bflag:$0x3] =	sbarrier.arrive $0xFFFF  }
0x7b: {  	_ =	shalt  }

// kernel: kernel.25.cloned.1.call-start
scs
__scs_entry_jumppad:
0x0: {  	(pc) =	sbr.rel $0x88, $3  }
0x1: {  	(tag) =	ssettag $0x0;
	lr =	simm.s32 $0x1  }
0x2: {  	[smem:$0x3F92] =	sst lr;
	_ =	strace $0xD0000000  }
0x3: {  	_ = 	snop  }
0x4: {  	_ = 	snop  }
0x5: {  	_ = 	snop  }
0x6: {  	_ = 	snop  }
0x7: {  	_ = 	snop  }
__scs_overlays_trampoline_lowered:
0x8: {  	[smem:$0x3FA1] =	sst s0  }
0x9: {  	[smem:$0x3FA2] =	sst s1  }
0xa: {  	[smem:$0x3FA3] =	sst s2  }
0xb: {  	[smem:$0x3FA4] =	sst s3  }
0xc: {  	[smem:$0x3FA5] =	sst s4  }
0xd: {  	[smem:$0x3FA6] =	sst s5  }
0xe: {  	[smem:$0x3FA7] =	sst s6  }
0xf: {  	[smem:$0x3FA8] =	sst s7  }
0x10: {  	[smem:$0x3FA9] =	sst s8  }
0x11: {  	[smem:$0x3FAA] =	sst s9;
	s0 =	simm.s32 @!p0 $0x0  }
0x12: {  	s1 =	sld [smem:$0x3F90];
	s0 =	simm.s32 @p0 $0x1  }
0x13: {  	[smem:$0x3FAB] =	sst s0;
	s0 =	simm.s32 @!p1 $0x0  }
0x14: {  	s2 =	sld [smem:$0x3F8F];
	s0 =	simm.s32 @p1 $0x1  }
0x15: {  	[smem:$0x3FAC] =	sst s0;
	s0 =	simm.s32 @!p2 $0x0  }
0x16: {  	s3 =	sld [smem:$0x3FDB];
	s0 =	simm.s32 @p2 $0x1  }
0x17: {  	s4 =	simm.s32 $0x1BF5;
	[smem:$0x3FAE] =	sst s0  }
0x18: {  	s0 =	sld [smem:$0x3F91];
	_ =	swait.ge [sflag:s4], $0x0  }
0x19: {  	s7 =	sld [smem:$0x3F92]  }
0x1a: {  	s8 =	sadd.s32 $0xFFFFE003, lr  }
0x1b: {  	s9 =	sadd.s32 $0xFFFFFEF7, lr;
	s5 =	simm.s32 $0xFFFFFFFF;
	p2 =	slt.u32 s8, $0xFFFFF086  }
0x1c: {  	p1 =	slt.u32 s9, $0xF7A;
	s5 =	simm.s32 @!p2 $0x0  }
0x1d: {  	s5 =	simm.s32 @p1 $0x1;
	p0 =	seq.s32 s7, s2  }
0x1e: {  	s7 =	smul.u32 @!p0 $0xF7A, s2;
	p2 =	seq.s32 @!p0 s5, $0x0  }
0x1f: {  	s9 =	smul.u32 $0xF7A, s1;
	s8 =	simm.s32 @!p0 $0x1BF5;
	p2 =	por !p2, p0  }
0x20: {  	[sflag:s8] =	ssyncset.s32 @!p0 $0xFFFFF086;
	s6 =	sadd.s32 @!p0 s3, s7;
	s7 =	simm.s32 @!p0 $0x108  }
0x21: {  	s3 =	sadd.s32 s3, s9;
	s6 =	sadd.s32 @!p0 $0x88, s6;
	s7 =	simm.s32 @p2 $0x1082  }
0x22: {  	[simem:s7], [sflag:s8] =	dma.local @!p0 [hbm:s6], $0xF7A  }
0x23: {  	s9 =	sor.u32 $0xD0000000, s2;
	s6 =	simm.s32 $0x108;
	_ =	swait.ge @!p0 [sflag:s8], $0x0  }
0x24: {  	s3 =	sadd.s32 $0x88, s3;
	s6 =	simm.s32 @!p1 $0x1082;
	[sflag:s4] =	ssyncset.s32 $0xFFFFF086  }
0x25: {  	[simem:s6], [sflag:s4] =	dma.local [hbm:s3], $0xF7A  }
0x26: {  	[smem:$0x3F92] =	sst s1;
	(tag) =	ssettag s2;
	_ =	strace s9  }
0x27: {  	s1 =	sld [smem:$0x3FA2]  }
0x28: {  	s2 =	sld [smem:$0x3FA3]  }
0x29: {  	s4 =	sld [smem:$0x3FA5]  }
0x2a: {  	p0 =	seq.s32 s5, $0x0;
	s5 =	sld [smem:$0x3FA6]  }
0x2b: {  	s6 =	sld [smem:$0x3FA7]  }
0x2c: {  	s7 =	sld [smem:$0x3FA8]  }
0x2d: {  	s3 =	simm.s32 $0x108;
	s8 =	sld [smem:$0x3FA9]  }
0x2e: {  	s3 =	simm.s32 @!p0 $0x1082;
	s9 =	sld [smem:$0x3FAA]  }
0x2f: {  	lr =	sadd.s32 s0, s3;
	s0 =	sld [smem:$0x3FA1]  }
0x30: {  	s3 =	sld [smem:$0x3FA4]  }
0x31: {  	[smem:$0x3FAD] =	sst s10  }
0x32: {  	s10 =	sld [smem:$0x3FAB];
	_ =	sdelay $0x3  }
0x33: {  	p0 =	seq.s32 s10, $0x1;
	s10 =	sld [smem:$0x3FAD];
	_ =	sdelay $0x3  }
0x34: {  	[smem:$0x3FAD] =	sst s10  }
0x35: {  	s10 =	sld [smem:$0x3FAC];
	_ =	sdelay $0x3  }
0x36: {  	p1 =	seq.s32 s10, $0x1;
	s10 =	sld [smem:$0x3FAD];
	_ =	sdelay $0x3  }
0x37: {  	[smem:$0x3FAD] =	sst s10  }
0x38: {  	s10 =	sld [smem:$0x3FAE]  }
0x39: {  	_ = 	snop;
	(pc) =	sbr.ind lr, $3  }
0x3a: {  	_ = 	snop  }
0x3b: {  	_ = 	snop  }
0x3c: {  	p2 =	seq.s32 s10, $0x1;
	s10 =	sld [smem:$0x3FAD]  }
0x3d: {  	_ =	shalt  }
0x3e: {  	_ =	shalt  }
0x3f: {  	_ =	shalt  }
0x40: {  	_ =	shalt  }
0x41: {  	_ =	shalt  }
0x42: {  	_ =	shalt  }
0x43: {  	_ =	shalt  }
0x44: {  	_ =	shalt  }
0x45: {  	_ =	shalt  }
0x46: {  	_ =	shalt  }
0x47: {  	_ =	shalt  }
0x48: {  	_ =	shalt  }
0x49: {  	_ =	shalt  }
0x4a: {  	_ =	shalt  }
0x4b: {  	_ =	shalt  }
0x4c: {  	_ =	shalt  }
0x4d: {  	_ =	shalt  }
0x4e: {  	_ =	shalt  }
0x4f: {  	_ =	shalt  }
0x50: {  	_ =	shalt  }
0x51: {  	_ =	shalt  }
0x52: {  	_ =	shalt  }
0x53: {  	_ =	shalt  }
0x54: {  	_ =	shalt  }
0x55: {  	_ =	shalt  }
0x56: {  	_ =	shalt  }
0x57: {  	_ =	shalt  }
0x58: {  	_ =	shalt  }
0x59: {  	_ =	shalt  }
0x5a: {  	_ =	shalt  }
0x5b: {  	_ =	shalt  }
0x5c: {  	_ =	shalt  }
0x5d: {  	_ =	shalt  }
0x5e: {  	_ =	shalt  }
0x5f: {  	_ =	shalt  }
0x60: {  	_ =	shalt  }
0x61: {  	_ =	shalt  }
0x62: {  	_ =	shalt  }
0x63: {  	_ =	shalt  }
0x64: {  	_ =	shalt  }
0x65: {  	_ =	shalt  }
0x66: {  	_ =	shalt  }
0x67: {  	_ =	shalt  }
0x68: {  	_ =	shalt  }
0x69: {  	_ =	shalt  }
0x6a: {  	_ =	shalt  }
0x6b: {  	_ =	shalt  }
0x6c: {  	_ =	shalt  }
0x6d: {  	_ =	shalt  }
0x6e: {  	_ =	shalt  }
0x6f: {  	_ =	shalt  }
0x70: {  	_ =	shalt  }
0x71: {  	_ =	shalt  }
0x72: {  	_ =	shalt  }
0x73: {  	_ =	shalt  }
0x74: {  	_ =	shalt  }
0x75: {  	_ =	shalt  }
0x76: {  	_ =	shalt  }
0x77: {  	_ =	shalt  }
0x78: {  	_ =	shalt  }
0x79: {  	_ =	shalt  }
0x7a: {  	_ =	shalt  }
0x7b: {  	_ =	shalt  }
0x7c: {  	_ =	shalt  }
0x7d: {  	_ =	shalt  }
0x7e: {  	_ =	shalt  }
0x7f: {  	_ =	shalt  }
0x80: {  	_ =	shalt  }
0x81: {  	_ =	shalt  }
0x82: {  	_ =	shalt  }
0x83: {  	_ =	shalt  }
0x84: {  	_ =	shalt  }
0x85: {  	_ =	shalt  }
0x86: {  	_ =	shalt  }
0x87: {  	_ =	shalt  }
.Lfunc_end0:
.L_simem_size_0:
called_computation.4_lowered:
.L_overlay_start_0:
0x88: {  	s2 =	sld [smem:$0x3FD9]  }
0x89: {  	s3 =	sld [smem:$0x3FFE];
	_ =	sdelay $0x1  }
0x8a: {  	s1 =	srdreg.scid  }
0x8b: {  	s0 =	sand.u32 $0x1, s1  }
0x8c: {  	s16 =	sshll.u32 s0, $0xA;
	s2 =	sadd.s32 s3, s2  }
0x8d: {  	s2 =	sadd.s32 s2, s16  }
0x8e: {  	[smem:$0x3FB9] =	sst s2  }
0x8f: {  	_ = 	snop  }
0x90: {  	(tm) =	ssettm $0x1  }
0x91: {  	s17 =	sld [smem:$0x3FFB];
	_ =	sdelay $0x3  }
0x92: {  	_ =	strace s17  }
0x93: {  	s2 =	sld [smem:$0x3FFC];
	_ =	sdelay $0x3  }
0x94: {  	_ =	strace s2  }
0x95: {  	s2 =	sld [smem:$0x3FFD];
	_ =	sdelay $0x3  }
0x96: {  	_ =	strace s2  }
0x97: {  	_ =	strace $0x8FFFFFFF  }
0x98: {  	s18 =	sld [smem:$0x3FDB];
	_ =	sdelay $0x1  }
0x99: {  	s19 =	simm.s32 $_scs_section_size  }
0x9a: {  	s4 =	simm.s32 $_size__tile_overlayer_lowered;
	s5 =	simm.s32 $_tile_overlayer_lowered  }
0x9b: {  	s22 =	simm.s32 $0x1BFF;
	s21 =	sshll.u32 s5, $0x1;
	s2 =	sadd.s32 s19, s18  }
0x9c: {  	s6 =	simm.s32 $0x0;
	s20 =	sshll.u32 s4, $0x1;
	s4 =	sadd.s32 s21, s2  }
0x9d: {  	[timem:s6], [sflag:s22] =	dma.local [hbm:s4], s20  }
0x9e: {  	_ =	swait.ge [sflag:s22], s20  }
0x9f: {  	s3 =	ssub.s32 $0x0, s20;
	[sflag:s22] =	ssyncset.done $0x0  }
0xa0: {  	[sflag:s22] =	ssyncadd.s32 s3;
	_ =	sdelay $0x1  }
0xa1: {  	s23 =	simm.s32 $0x1B8B  }
0xa2: {  	_ =	swait.ge [sflag:s23], $0x1  }
0xa3: {  	[sflag:s23] =	ssyncset.done $0x0  }
0xa4: {  	s25 =	simm.s32 $0x1B8E;
	s24 =	sld [smem:$0x3FFE];
	[sflag:s23] =	ssyncadd.s32 $0xFFFFFFFF  }
0xa5: {  	s26 =	simm.s32 $execute0_lowered;
	[smem:$0x3FD2] =	sst s25  }
0xa6: {  	s4 =	sshll.u32 s26, $0x1;
	_ =	strace $0x80000052;
	[dreg:$0x1] =	wrdreg $0xFFFFFFFF  }
0xa7: {  	s28 =	simm.s32 $_size_execute0_lowered;
	s2 =	sadd.s32 s2, s4;
	[dreg:$0x0] =	wrdreg $0x0  }
0xa8: {  	s4 =	sshll.u32 s28, $0x1;
	[dreg:$0x2] =	wrdreg s2  }
0xa9: {  	[dreg:$0x3] =	wrdreg s4  }
0xaa: {  	[dreg:$0x4] =	wrdreg $0xC0  }
0xab: {  	_ =	task [dreg:s6], $0x5FFFF  }
0xac: {  	[dreg:$0x1] =	wrdreg $0xFFFFFFFF  }
0xad: {  	[dreg:$0x0] =	wrdreg $0x60  }
0xae: {  	[dreg:$0x2] =	wrdreg s24  }
0xaf: {  	[dreg:$0x3] =	wrdreg $0x9  }
0xb0: {  	_ =	task.clear_ibuf [dreg:s6], $0x4FFFF;
	_ =	strace $0x90000052  }
0xb1: {  	s29 =	simm.s32 $0x9;
	_ =	strace $0x80000054  }
0xb2: {  	_ =	swait.ge [sflag:s29], $0x1  }
0xb3: {  	[sflag:s29] =	ssyncadd.s32 $0xFFFFFFFF  }
0xb4: {  	_ =	strace $0x90000054  }
0xb5: {  	_ =	sfence  }
0xb6: {  	s30 =	sld [smem:$0x0];
	_ =	sdelay $0x2  }
0xb7: {  	s31 =	sshll.u32 s1, $0xD;
	s1 =	sshrl.u32 s1, $0x2  }
0xb8: {  	s3 =	sand.u32 $0x4000, s31;
	s1 =	sadd.s32 s1, s30  }
0xb9: {  	s0 =	sor.u32 s3, s0;
	s1 =	sshll.u32 s1, $0x11  }
0xba: {  	s0 =	sor.u32 s1, s0  }
0xbb: {  	s0 =	sadd.s32 $0x8F2B, s0  }
0xbc: {  	[sflag:s0] =	ssyncadd.remote.s32 $0x1  }
0xbd: {  	_ =	sfence.sel $0xFFFF  }
0xbe: {  	[dreg:$0x0] =	wrdreg $0xFFFFFFFF;
	(pc) =	sbr.abs _section_cstart, $3  }
0xbf: {  	[dreg:$0x1] =	wrdreg $0xFFFFFFFF  }
0xc0: {  	_ =	task.clear_ibuf [dreg:s6], $0x2FFFF;
	_ =	strace $0x9FFFFFFF  }
0xc1: {  	(tm) =	ssettm $0x7FFFFFFF  }
tec
execute0_lowered:
.L_overlay_start_1:
0x0: {  	(tag) =	ssettag $0x1  }
0x1: {  	s1 =	srdreg.scid;
	s0 =	stileid.u32  }
0x2: {  	s6 =	sand.u32 $0x1, s1;
	s30 =	sshll.u32 s0, $0x1  }
0x3: {  	s9 =	rddreg [dreg:$0x0];
	s7 =	sor.u32 s6, s30  }
0x4: {  	s2 =	simm.s32 $0x0;
	s1 =	rddreg [dreg:$0x1];
	s3 =	smul.u32 $0xF, s7  }
0x5: {  	s8 =	simm.s32 $0x1;
	[smem:$0x7FF] =	sst s2;
	s5 =	sadd.s32 $0x4A00, s9  }
0x6: {  	_ =	strace $0x80000053;
	s11 =	ssub.s32 $0x2, s6;
	s3 =	sadd.s32 s3, s9  }
0x7: {  	s6 =	simm.s32 $0x78;
	s4 =	sadd.s32 $0x2CA00, s3;
	s3 =	simm.s32 $0x2  }
0x8: {  	[tilespmem:s2], [sflag:$0x2] =	stream.linear.gather [hbm4b:s4+s2], $0x78, $0x38;
	[tilespmem:$0x3C80] =	vst v63  }
0x9: {  	s10 =	smul.u32 $0x780, s7;
	s12 =	sshrl.u32 s11, $0x1;
	_ =	swait.ge [sflag:s3], $0x78  }
0xa: {  	s7 =	simm.s32 $0x80;
	s31 =	ssub.s32 s11, s12;
	[sflag:s3] =	ssyncset.done $0x0  }
0xb: {  	s9 =	sadd.s32 s10, s9;
	s10 =	smax.u32 s31, $0x1;
	[sflag:s3] =	ssyncadd.s32 $0xFFFFFF88  }
0xc: {  	[tilespmem:s7], [sflag:$0x1] =	stream.indirect.gather [hbm4b:s5+s6], $0x80, s2, s6, $0xb8;
	[tilespmem:$0x3C80] =	vst v63  }
0xd: {  	p0 =	sne.s32 s10, $0x1;
	_ =	swait.ge [sflag:s8], $0x3C00  }
.Ltmp0:
0xe: {  	[sflag:s8] =	ssyncset.done $0x0;
	(pc) =	sbr.rel @!p0 .LBB2_2-.Ltmp0, $4  }
0xf: {  	s9 =	sadd.s32 $0x2CC00, s9;
	[sflag:s8] =	ssyncadd.s32 $0xFFFFC400  }
0x10: {  	[hbm4b:s9+s2] =	stream.linear.scatter [tilespmem:s7], [sflag:$0x2], $0x3C00, $0x38;
	[tilespmem:$0x3C80] =	vst v63  }
0x11: {  	_ =	swait.ge [sflag:s3], $0x3C00  }
0x12: {  	s10 =	sadd.s32 $0xFFFFFFFF, s10;
	[sflag:s3] =	ssyncset.done $0x0  }
.LBB2_1:
0x13: {  	p0 =	sne.s32 s10, $0x1;
	s10 =	sadd.s32 $0xFFFFFFFF, s10;
	[sflag:s3] =	ssyncadd.s32 $0xFFFFC400  }
0x14: {  	[tilespmem:s2], [sflag:$0x2] =	stream.linear.gather [hbm4b:s4+s2], $0x78, $0x38;
	[tilespmem:$0x3C80] =	vst v63  }
0x15: {  	_ =	swait.ge [sflag:s3], $0x78  }
0x16: {  	[sflag:s3] =	ssyncset.done $0x0  }
0x17: {  	[sflag:s3] =	ssyncadd.s32 $0xFFFFFF88  }
0x18: {  	[tilespmem:s7], [sflag:$0x1] =	stream.indirect.gather [hbm4b:s5+s6], $0x80, s2, s6, $0xb8;
	[tilespmem:$0x3C80] =	vst v63  }
0x19: {  	_ =	swait.ge [sflag:s8], $0x3C00  }
.Ltmp1:
0x1a: {  	[sflag:s8] =	ssyncset.done $0x0;
	(pc) =	sbr.rel @p0 .LBB2_1-.Ltmp1, $4  }
0x1b: {  	[sflag:s8] =	ssyncadd.s32 $0xFFFFC400  }
0x1c: {  	[hbm4b:s9+s2] =	stream.linear.scatter [tilespmem:s7], [sflag:$0x2], $0x3C00, $0x38;
	[tilespmem:$0x3C80] =	vst v63  }
0x1d: {  	_ =	swait.ge [sflag:s3], $0x3C00  }
0x1e: {  	[sflag:s3] =	ssyncset.done $0x0  }
.LBB2_2:
0x1f: {  	[sflag:s3] =	ssyncadd.s32 $0xFFFFC400  }
0x20: {  	_ =	sfence.sel $0x180000  }
0x21: {  	[bflag:$0x0] =	sbarrier.arrive $0xFFFF  }
0x22: {  	p0 =	sne.s32 s0, $0x0;
	_ =	strace $0x90000053  }
0x23: {  	s0 =	sadd.s32 @!p0 $0x100000, s1;
	[bflag:$0x2] =	sbarrier.arrive $0xFFFF  }
0x24: {  	[sflag:s0] =	ssyncadd.tile.s32 @!p0 $0x1;
	_ =	shalt  }
.Lfunc_end2:
_tile_overlayer_lowered:
.L_overlay_start_2:
0x25: {  	(tag) =	ssettag $0x2  }
0x26: {  	s0 =	rddreg [dreg:$0x0];
	s2 =	stileid.u32  }
0x27: {  	s1 =	rddreg [dreg:$0x1];
	p0 =	sne.s32 s2, $0x0  }
0x28: {  	s3 =	rddreg [dreg:$0x2];
	[bflag:$0x3] =	sbarrier.arrive $0xFFFF;
	s2 =	simm.s32 @!p0 $0x1C02  }
0x29: {  	[timem:s3], [sflag:s2] =	dma.local @!p0 [hbm:s0], s1  }
0x2a: {  	s0 =	simm.s32 @!p0 $0x2  }
0x2b: {  	_ =	swait.ge @!p0 [sflag:s0], s1  }
0x2c: {  	s1 =	ssub.s32 @!p0 $0x0, s1;
	[sflag:s0] =	ssyncset.done @!p0 $0x0  }
0x2d: {  	[sflag:s0] =	ssyncadd.s32 @!p0 s1  }
0x2e: {  	[bflag:$0x3] =	sbarrier.arrive $0xFFFF  }
0x2f: {  	_ =	shalt  }

</sc_bundles>
